<compile_context>
chip_gen: v7x
topology: tpu7x:2x2x1
jax: 0.10.2.dev20260603
libtpu: 0.0.44.dev20260713+nightly
codegen_flags: <defaults>
</compile_context>

<pallas_src>
import functools

import jax
import jax.numpy as jnp
from jax import lax
from jax.experimental import pallas as pl
from jax.experimental.pallas import tpu as pltpu
from jax.experimental.pallas import tpu_sc as plsc

N = 2048
D = 768
E = 64
H = 1536
CAP = 256
NC, NS, L = 2, 16, 16
NW = NC * NS
EPW = E // NW
SLOTS = E * CAP
SPW = SLOTS // NW
TBLK = 256
GCH = 64

_mesh = plsc.VectorSubcoreMesh(
    core_axis_name="c", subcore_axis_name="s", num_cores=NC, num_subcores=NS)


def _router_body(x_ref, wr_ref, i1_ref, i2_ref, w1_ref, w2_ref,
                 cnt_ref, ps_ref, aux_ref):
    step = pl.program_id(0)
    logits = jnp.dot(x_ref[...], wr_ref[...],
                     preferred_element_type=jnp.float32)
    m = jnp.max(logits, axis=-1, keepdims=True)
    p = jnp.exp(logits - m)
    probs = p / jnp.sum(p, axis=-1, keepdims=True)
    lane = lax.broadcasted_iota(jnp.int32, (TBLK, E), 1)
    v1 = jnp.max(probs, axis=-1, keepdims=True)
    i1 = jnp.min(jnp.where(probs == v1, lane, E), axis=-1)
    probs2 = jnp.where(lane == i1[:, None], -1.0, probs)
    v2 = jnp.max(probs2, axis=-1, keepdims=True)
    i2 = jnp.min(jnp.where(probs2 == v2, lane, E), axis=-1)
    tot = v1 + v2
    i1_ref[...] = i1
    i2_ref[...] = i2
    w1_ref[...] = (v1 / tot)[:, 0]
    w2_ref[...] = (v2 / tot)[:, 0]
    c = ((lane == i1[:, None]).astype(jnp.float32)
         + (lane == i2[:, None]).astype(jnp.float32))
    cblk = jnp.sum(c, axis=0, keepdims=True)
    pblk = jnp.sum(probs, axis=0, keepdims=True)

    @pl.when(step == 0)
    def _():
        cnt_ref[...] = cblk
        ps_ref[...] = pblk

    @pl.when(step != 0)
    def _():
        cnt_ref[...] += cblk
        ps_ref[...] += pblk

    @pl.when(step == (N // TBLK) - 1)
    def _():
        aux_ref[...] = (E / (N * 2.0 * N)) * jnp.sum(
            cnt_ref[...] * ps_ref[...], keepdims=True)


_router = pl.pallas_call(
    _router_body,
    grid=(N // TBLK,),
    in_specs=[
        pl.BlockSpec((TBLK, D), lambda i: (i, 0)),
        pl.BlockSpec((D, E), lambda i: (0, 0)),
    ],
    out_specs=[
        pl.BlockSpec((TBLK,), lambda i: (i,)),
        pl.BlockSpec((TBLK,), lambda i: (i,)),
        pl.BlockSpec((TBLK,), lambda i: (i,)),
        pl.BlockSpec((TBLK,), lambda i: (i,)),
        pl.BlockSpec((1, E), lambda i: (0, 0)),
        pl.BlockSpec((1, E), lambda i: (0, 0)),
        pl.BlockSpec((1, 1), lambda i: (0, 0)),
    ],
    out_shape=[
        jax.ShapeDtypeStruct((N,), jnp.int32),
        jax.ShapeDtypeStruct((N,), jnp.int32),
        jax.ShapeDtypeStruct((N,), jnp.float32),
        jax.ShapeDtypeStruct((N,), jnp.float32),
        jax.ShapeDtypeStruct((1, E), jnp.float32),
        jax.ShapeDtypeStruct((1, E), jnp.float32),
        jax.ShapeDtypeStruct((1, 1), jnp.float32),
    ],
)


@functools.partial(
    pl.kernel,
    out_type=(
        jax.ShapeDtypeStruct((SLOTS,), jnp.int32),
        jax.ShapeDtypeStruct((E, CAP), jnp.float32),
        jax.ShapeDtypeStruct((SLOTS, D), jnp.float32),
    ),
    mesh=_mesh,
    compiler_params=pltpu.CompilerParams(needs_layout_passes=False),
    scratch_types=[
        pltpu.VMEM((N,), jnp.int32),
        pltpu.VMEM((N,), jnp.int32),
        pltpu.VMEM((N,), jnp.float32),
        pltpu.VMEM((N,), jnp.float32),
        pltpu.VMEM((CAP + L,), jnp.int32),
        pltpu.VMEM((CAP + L,), jnp.float32),
        pltpu.VMEM((GCH, D), jnp.float32),
        pltpu.SemaphoreType.DMA,
    ],
)
def _dispatch(i1_hbm, i2_hbm, w1_hbm, w2_hbm, x_hbm, sel_hbm, wsel_hbm, xg_hbm,
              i1v, i2v, w1v, w2v, selbuf, wbuf, rowbuf, sem):
    cid = lax.axis_index("c")
    sid = lax.axis_index("s")
    wid = sid * NC + cid
    pltpu.sync_copy(i1_hbm, i1v)
    pltpu.sync_copy(i2_hbm, i2v)
    pltpu.sync_copy(w1_hbm, w1v)
    pltpu.sync_copy(w2_hbm, w2v)
    zi = jnp.zeros((L,), jnp.int32)
    zf = jnp.zeros((L,), jnp.float32)
    for ee in range(EPW):
        e = wid * EPW + ee
        for j in range((CAP + L) // L):
            selbuf[pl.ds(j * L, L)] = zi
            wbuf[pl.ds(j * L, L)] = zf

        def body(cc, offs):
            a1 = i1v[pl.ds(cc * L, L)]
            a2 = i2v[pl.ds(cc * L, L)]
            m1 = a1 == e
            m = jnp.logical_or(m1, a2 == e)
            wv = jnp.where(m1, w1v[pl.ds(cc * L, L)], w2v[pl.ds(cc * L, L)])
            tokv = lax.iota(jnp.int32, L) + cc * L

            ones = jnp.ones((L,), jnp.int32)
            pos = offs + plsc.cumsum(ones, mask=m) - 1

            @pl.when(offs < CAP - 1)
            def _():
                plsc.store_scatter(selbuf, [pos], tokv, mask=m)
                plsc.store_scatter(wbuf, [pos], wv, mask=m)

            pc = plsc.all_reduce_population_count(m)
            return offs + jnp.max(pc)

        cnt = lax.fori_loop(0, N // L, body, jnp.int32(0))
        cnt = jnp.minimum(cnt, CAP - 1)
        lanei = lax.iota(jnp.int32, L)
        wlast = wbuf[pl.ds(CAP - L, L)]
        wbuf[pl.ds(CAP - L, L)] = jnp.where(lanei == L - 1, 0.0, wlast)
        pltpu.sync_copy(selbuf.at[pl.ds(0, CAP)], sel_hbm.at[pl.ds(e * CAP, CAP)])
        pltpu.sync_copy(wbuf.at[pl.ds(0, CAP)], wsel_hbm.at[e])

        nch = lax.div(cnt + (GCH - 1), jnp.int32(GCH))

        def gbody(j, carry):
            pltpu.async_copy(
                x_hbm.at[selbuf.at[pl.ds(j * GCH, GCH)]], rowbuf, sem).wait()
            pltpu.sync_copy(rowbuf, xg_hbm.at[pl.ds(e * CAP + j * GCH, GCH)])
            return carry

        lax.fori_loop(0, nch, gbody, jnp.int32(0))


def _ffn_body(xg_ref, w1_ref, b1_ref, w2_ref, b2_ref, ws_ref, yg_ref):
    h = jnp.dot(xg_ref[...], w1_ref[0], preferred_element_type=jnp.float32)
    h = h + b1_ref[0]
    h = h * lax.logistic(h)
    y = jnp.dot(h, w2_ref[0], preferred_element_type=jnp.float32)
    y = y + b2_ref[0]
    w = ws_ref[0, 0][:, None]
    yg_ref[...] = jnp.where(w > 0.0, y * w, 0.0)


_ffn = pl.pallas_call(
    _ffn_body,
    grid=(E,),
    in_specs=[
        pl.BlockSpec((CAP, D), lambda e: (e, 0)),
        pl.BlockSpec((1, D, H), lambda e: (e, 0, 0)),
        pl.BlockSpec((1, 1, H), lambda e: (e, 0, 0)),
        pl.BlockSpec((1, H, D), lambda e: (e, 0, 0)),
        pl.BlockSpec((1, 1, D), lambda e: (e, 0, 0)),
        pl.BlockSpec((1, 1, CAP), lambda e: (e, 0, 0)),
    ],
    out_specs=pl.BlockSpec((CAP, D), lambda e: (e, 0)),
    out_shape=jax.ShapeDtypeStruct((SLOTS, D), jnp.float32),
)


TPW = N // NW
SBLK = 2048


@functools.partial(
    pl.kernel,
    out_type=jax.ShapeDtypeStruct((N, D), jnp.float32),
    mesh=_mesh,
    compiler_params=pltpu.CompilerParams(needs_layout_passes=False),
    scratch_types=[
        pltpu.VMEM((TPW,), jnp.int32),
        pltpu.VMEM((TPW,), jnp.int32),
        pltpu.VMEM((TPW,), jnp.int32),
        pltpu.VMEM((SBLK,), jnp.int32),
        pltpu.VMEM((SBLK,), jnp.float32),
        pltpu.VMEM((TPW, D), jnp.float32),
        pltpu.VMEM((TPW, D), jnp.float32),
        pltpu.SemaphoreType.DMA,
    ],
)
def _combine(yg_hbm, sel_hbm, wsel_hbm, i1_hbm, out_hbm,
             i1buf, posb1, posb2, selblk, wblk, rowsA, rowsB, sem):
    cid = lax.axis_index("c")
    sid = lax.axis_index("s")
    wid = sid * NC + cid
    tok0 = wid * TPW
    pltpu.sync_copy(i1_hbm.at[pl.ds(tok0, TPW)], i1buf)
    zslot = jnp.full((L,), CAP - 1, jnp.int32)
    for j in range(TPW // L):
        posb1[pl.ds(j * L, L)] = zslot
        posb2[pl.ds(j * L, L)] = zslot
    for blk in range(SLOTS // SBLK):
        pltpu.sync_copy(sel_hbm.at[pl.ds(blk * SBLK, SBLK)], selblk)
        pltpu.sync_copy(wsel_hbm.at[pl.ds(blk * SBLK, SBLK)], wblk)

        def scan(cc, carry):
            base = blk * SBLK + cc * L
            slotv = lax.iota(jnp.int32, L) + base
            tokv = selblk[pl.ds(cc * L, L)]
            wv = wblk[pl.ds(cc * L, L)]
            m = jnp.logical_and(wv > 0.0,
                                lax.shift_right_logical(tokv, 6) == wid)
            lt = jnp.bitwise_and(tokv, TPW - 1)
            evec = lax.shift_right_logical(slotv, 8)
            i1g = plsc.load_gather(i1buf, [lt])
            m1 = jnp.logical_and(m, i1g == evec)
            m2 = jnp.logical_and(m, i1g != evec)
            plsc.store_scatter(posb1, [lt], slotv, mask=m1)
            plsc.store_scatter(posb2, [lt], slotv, mask=m2)
            return carry

        lax.fori_loop(0, SBLK // L, scan, jnp.int32(0))
    pltpu.async_copy(yg_hbm.at[posb1], rowsA, sem).wait()
    pltpu.async_copy(yg_hbm.at[posb2], rowsB, sem).wait()

    def addrow(rr, carry):
        for k in range(D // L):
            a = rowsA[rr, pl.ds(k * L, L)]
            b = rowsB[rr, pl.ds(k * L, L)]
            rowsA[rr, pl.ds(k * L, L)] = a + b
        return carry

    lax.fori_loop(0, TPW, addrow, jnp.int32(0))
    pltpu.sync_copy(rowsA, out_hbm.at[pl.ds(tok0, TPW)])


def kernel(x, Wr, W1, b1, W2, b2):
    x2d = x.reshape(N, D)
    i1, i2, w1, w2, _, _, aux = _router(x2d, Wr)
    sel, wsel, xg = _dispatch(i1, i2, w1, w2, x2d)
    yg = _ffn(xg, W1, b1.reshape(E, 1, H), W2, b2.reshape(E, 1, D),
              wsel.reshape(E, 1, CAP))
    out2d = _combine(yg, sel, wsel.reshape(SLOTS), i1)
    return out2d.reshape(x.shape), aux[0, 0]

# --- scband reference (transcript-rebuilt; emitter-appended) ---
"""Pipeline reference for scband-sparse-mo-e-695784702457 (READ-ONLY COPY).

The authoritative reference and input builder live on the scoring server;
editing this copy changes nothing except your own understanding.
"""

import jax, jax.numpy as jnp
import numpy as np

B = 1
T = 2048
D_MODEL = 768
N_EXPERTS = 64
N_ACTIVE = 2
FFN_HIDDEN = 1536  # int(768 * 2.0)
CAP = 256  # expert capacity for static-shape dispatch; mean load is 2048*2/64=64, CAP=4x mean


def setup_inputs(seed: int = 0) -> dict:
    key = jax.random.key(seed)
    ks = jax.random.split(key, 6)
    x = jax.random.normal(ks[0], (B, T, D_MODEL), dtype=jnp.float32)
    Wr = jax.random.normal(ks[1], (D_MODEL, N_EXPERTS), dtype=jnp.float32) / np.sqrt(D_MODEL)
    W1 = jax.random.normal(ks[2], (N_EXPERTS, D_MODEL, FFN_HIDDEN), dtype=jnp.float32) * 0.02
    b1 = jnp.zeros((N_EXPERTS, FFN_HIDDEN), dtype=jnp.float32)
    W2 = jax.random.normal(ks[3], (N_EXPERTS, FFN_HIDDEN, D_MODEL), dtype=jnp.float32) * 0.02
    b2 = jnp.zeros((N_EXPERTS, D_MODEL), dtype=jnp.float32)
    return {"x": x, "Wr": Wr, "W1": W1, "b1": b1, "W2": W2, "b2": b2}


def reference(x, Wr, W1, b1, W2, b2):
    Bx, Tx, D = x.shape
    N = Bx * Tx
    x_flat = x.reshape(N, D)
    # router
    logits = x_flat @ Wr                      # [N, E]
    probs = jax.nn.softmax(logits, axis=-1)   # [N, E]
    # load-balancing aux loss (f_i is no-grad in torch -> stop_gradient)
    _, topk_idx_l = jax.lax.top_k(logits, N_ACTIVE)
    rows = jnp.arange(N)[:, None]
    dispatch_mask = jnp.zeros((N, N_EXPERTS), jnp.float32).at[rows, topk_idx_l].set(1.0)
    f_i = jax.lax.stop_gradient(dispatch_mask.sum(axis=0) / (N * N_ACTIVE))
    P_i = probs.mean(axis=0)
    aux_loss = N_EXPERTS * jnp.sum(f_i * P_i)
    # top-k routing weights (renormalized)
    topk_w, topk_idx = jax.lax.top_k(probs, N_ACTIVE)
    topk_w = topk_w / topk_w.sum(axis=-1, keepdims=True)
    # dense combine-weight matrix: combine[n, e] = routing weight of token n for expert e (0 if not routed)
    combine = jnp.zeros((N, N_EXPERTS), jnp.float32).at[rows, topk_idx].set(topk_w)
    # per-expert gather -> FFN -> weighted scatter-add (padded slots have zero combine weight -> exact)
    out_flat = jnp.zeros_like(x_flat)
    for i in range(N_EXPERTS):
        w_i = combine[:, i]                                   # [N]
        mask = jax.lax.stop_gradient((w_i > 0).astype(jnp.float32))
        sel = jnp.argsort(-mask)[:CAP]                        # routed tokens first, static size
        xin = x_flat[sel]                                     # gather [CAP, D]
        h = jax.nn.silu(xin @ W1[i] + b1[i])
        y = h @ W2[i] + b2[i]
        out_flat = out_flat.at[sel].add(y * w_i[sel][:, None])  # scatter-add
    out = out_flat.reshape(Bx, Tx, D)
    return out, aux_loss

if __name__ == "__main__":
    import jax
    _d = setup_inputs()
    print(jax.jit(kernel)(*tuple(_d.values())))

</pallas_src>

<mosaic_0001>
#map = affine_map<(d0, d1) -> (0, 0)>
#map1 = affine_map<(d0, d1) -> (0)>
module attributes {stable_mosaic.version = 14 : i64} {
  func.func @_combine(%arg0: i32, %arg1: i32, %arg2: memref<16384x768xf32, #tpu.memory_space<hbm>>, %arg3: memref<16384xi32, #tpu.memory_space<hbm>>, %arg4: memref<16384xf32, #tpu.memory_space<hbm>>, %arg5: memref<2048xi32, #tpu.memory_space<hbm>>, %arg6: memref<2048x768xf32, #tpu.memory_space<hbm>>, %arg7: memref<64xi32, #tpu.memory_space<vmem>>, %arg8: memref<64xi32, #tpu.memory_space<vmem>>, %arg9: memref<64xi32, #tpu.memory_space<vmem>>, %arg10: memref<2048xi32, #tpu.memory_space<vmem>>, %arg11: memref<2048xf32, #tpu.memory_space<vmem>>, %arg12: memref<64x768xf32, #tpu.memory_space<vmem>>, %arg13: memref<64x768xf32, #tpu.memory_space<vmem>>, %arg14: memref<!tpu.dma_semaphore, #tpu.memory_space<semaphore_mem>>) attributes {dimension_semantics = [#tpu.dimension_semantics<core_parallel>, #tpu.dimension_semantics<subcore_parallel>], iteration_bounds = array<i64: 2, 16>, scalar_prefetch = 0 : i64, scratch_operands = 8 : i64, tpu.core_type = #tpu.core_type<sc_vector_subcore>, window_params = [{transform_indices = #map}, {transform_indices = #map1}, {transform_indices = #map1}, {transform_indices = #map1}, {transform_indices = #map}]} {
    %mul3A = arith.constant 2 : i32
    %mul3A_0 = arith.muli %arg1, %mul3A : i32
    %add3A = arith.addi %mul3A_0, %arg0 : i32
    %mul3A_1 = arith.constant 64 : i32
    %mul3A_2 = arith.muli %add3A, %mul3A_1 : i32
    "tpu.region"() ({
      %run_scoped3A = tpu.sem_alloc : memref<!tpu.dma_semaphore, #tpu.memory_space<semaphore_mem>>
      %dma_start3A_82 = tpu.memref_slice %arg5[%mul3A_2] : memref<2048xi32, #tpu.memory_space<hbm>> -> memref<64xi32, #tpu.memory_space<hbm>>
      %dma_start3A_83 = tpu.memref_slice %arg5[%mul3A_2] : memref<2048xi32, #tpu.memory_space<hbm>> -> memref<64xi32, #tpu.memory_space<hbm>>
      tpu.enqueue_dma source(%dma_start3A_83 : memref<64xi32, #tpu.memory_space<hbm>>) target(%arg7 : memref<64xi32, #tpu.memory_space<vmem>>) target_semaphore(%run_scoped3A : memref<!tpu.dma_semaphore, #tpu.memory_space<semaphore_mem>>)
      %dma_wait3A_84 = tpu.memref_slice %arg5[%mul3A_2] : memref<2048xi32, #tpu.memory_space<hbm>> -> memref<64xi32, #tpu.memory_space<hbm>>
      %dma_wait3A_85 = tpu.memref_slice %arg5[%mul3A_2] : memref<2048xi32, #tpu.memory_space<hbm>> -> memref<64xi32, #tpu.memory_space<hbm>>
      tpu.wait_dma2 semaphore(%run_scoped3A : memref<!tpu.dma_semaphore, #tpu.memory_space<semaphore_mem>>) src(%dma_wait3A_85 : memref<64xi32, #tpu.memory_space<hbm>>) dst(%arg7 : memref<64xi32, #tpu.memory_space<vmem>>)
      tpu.yield
    }) : () -> ()
    %broadcast_in_dim3A = arith.constant 255 : i32
    %broadcast_in_dim3A_3 = vector.broadcast %broadcast_in_dim3A : i32 to vector<16xi32>
    %swap3A = arith.constant 0 : index
    %swap3A_4 = tpu.vector_load %arg8[%swap3A] {strides = array<i32>} : memref<64xi32, #tpu.memory_space<vmem>>, vector<16xi32>,
    tpu.vector_store %arg8[%swap3A], %broadcast_in_dim3A_3 {strides = array<i32>} : memref<64xi32, #tpu.memory_space<vmem>>, vector<16xi32>,
    %swap3A_5 = arith.constant 0 : index
    %swap3A_6 = tpu.vector_load %arg9[%swap3A_5] {strides = array<i32>} : memref<64xi32, #tpu.memory_space<vmem>>, vector<16xi32>,
    tpu.vector_store %arg9[%swap3A_5], %broadcast_in_dim3A_3 {strides = array<i32>} : memref<64xi32, #tpu.memory_space<vmem>>, vector<16xi32>,
    %swap3A_7 = arith.constant 16 : index
    %swap3A_8 = tpu.vector_load %arg8[%swap3A_7] {strides = array<i32>} : memref<64xi32, #tpu.memory_space<vmem>>, vector<16xi32>,
    tpu.vector_store %arg8[%swap3A_7], %broadcast_in_dim3A_3 {strides = array<i32>} : memref<64xi32, #tpu.memory_space<vmem>>, vector<16xi32>,
    %swap3A_9 = arith.constant 16 : index
    %swap3A_10 = tpu.vector_load %arg9[%swap3A_9] {strides = array<i32>} : memref<64xi32, #tpu.memory_space<vmem>>, vector<16xi32>,
    tpu.vector_store %arg9[%swap3A_9], %broadcast_in_dim3A_3 {strides = array<i32>} : memref<64xi32, #tpu.memory_space<vmem>>, vector<16xi32>,
    %swap3A_11 = arith.constant 32 : index
    %swap3A_12 = tpu.vector_load %arg8[%swap3A_11] {strides = array<i32>} : memref<64xi32, #tpu.memory_space<vmem>>, vector<16xi32>,
    tpu.vector_store %arg8[%swap3A_11], %broadcast_in_dim3A_3 {strides = array<i32>} : memref<64xi32, #tpu.memory_space<vmem>>, vector<16xi32>,
    %swap3A_13 = arith.constant 32 : index
    %swap3A_14 = tpu.vector_load %arg9[%swap3A_13] {strides = array<i32>} : memref<64xi32, #tpu.memory_space<vmem>>, vector<16xi32>,
    tpu.vector_store %arg9[%swap3A_13], %broadcast_in_dim3A_3 {strides = array<i32>} : memref<64xi32, #tpu.memory_space<vmem>>, vector<16xi32>,
    %swap3A_15 = arith.constant 48 : index
    %swap3A_16 = tpu.vector_load %arg8[%swap3A_15] {strides = array<i32>} : memref<64xi32, #tpu.memory_space<vmem>>, vector<16xi32>,
    tpu.vector_store %arg8[%swap3A_15], %broadcast_in_dim3A_3 {strides = array<i32>} : memref<64xi32, #tpu.memory_space<vmem>>, vector<16xi32>,
    %swap3A_17 = arith.constant 48 : index
    %swap3A_18 = tpu.vector_load %arg9[%swap3A_17] {strides = array<i32>} : memref<64xi32, #tpu.memory_space<vmem>>, vector<16xi32>,
    tpu.vector_store %arg9[%swap3A_17], %broadcast_in_dim3A_3 {strides = array<i32>} : memref<64xi32, #tpu.memory_space<vmem>>, vector<16xi32>,
    "tpu.region"() ({
      %run_scoped3A = tpu.sem_alloc : memref<!tpu.dma_semaphore, #tpu.memory_space<semaphore_mem>>
      %dma_start3A_82 = arith.constant 0 : i32
      %dma_start3A_83 = tpu.memref_slice %arg3[%dma_start3A_82] : memref<16384xi32, #tpu.memory_space<hbm>> -> memref<2048xi32, #tpu.memory_space<hbm>>
      %dma_start3A_84 = arith.constant 0 : i32
      %dma_start3A_85 = tpu.memref_slice %arg3[%dma_start3A_84] : memref<16384xi32, #tpu.memory_space<hbm>> -> memref<2048xi32, #tpu.memory_space<hbm>>
      tpu.enqueue_dma source(%dma_start3A_85 : memref<2048xi32, #tpu.memory_space<hbm>>) target(%arg10 : memref<2048xi32, #tpu.memory_space<vmem>>) target_semaphore(%run_scoped3A : memref<!tpu.dma_semaphore, #tpu.memory_space<semaphore_mem>>)
      %dma_wait3A_86 = arith.constant 0 : i32
      %dma_wait3A_87 = tpu.memref_slice %arg3[%dma_wait3A_86] : memref<16384xi32, #tpu.memory_space<hbm>> -> memref<2048xi32, #tpu.memory_space<hbm>>
      %dma_wait3A_88 = arith.constant 0 : i32
      %dma_wait3A_89 = tpu.memref_slice %arg3[%dma_wait3A_88] : memref<16384xi32, #tpu.memory_space<hbm>> -> memref<2048xi32, #tpu.memory_space<hbm>>
      tpu.wait_dma2 semaphore(%run_scoped3A : memref<!tpu.dma_semaphore, #tpu.memory_space<semaphore_mem>>) src(%dma_wait3A_89 : memref<2048xi32, #tpu.memory_space<hbm>>) dst(%arg10 : memref<2048xi32, #tpu.memory_space<vmem>>)
      tpu.yield
    }) : () -> ()
    "tpu.region"() ({
      %run_scoped3A = tpu.sem_alloc : memref<!tpu.dma_semaphore, #tpu.memory_space<semaphore_mem>>
      %dma_start3A_82 = arith.constant 0 : i32
      %dma_start3A_83 = tpu.memref_slice %arg4[%dma_start3A_82] : memref<16384xf32, #tpu.memory_space<hbm>> -> memref<2048xf32, #tpu.memory_space<hbm>>
      %dma_start3A_84 = arith.constant 0 : i32
      %dma_start3A_85 = tpu.memref_slice %arg4[%dma_start3A_84] : memref<16384xf32, #tpu.memory_space<hbm>> -> memref<2048xf32, #tpu.memory_space<hbm>>
      tpu.enqueue_dma source(%dma_start3A_85 : memref<2048xf32, #tpu.memory_space<hbm>>) target(%arg11 : memref<2048xf32, #tpu.memory_space<vmem>>) target_semaphore(%run_scoped3A : memref<!tpu.dma_semaphore, #tpu.memory_space<semaphore_mem>>)
      %dma_wait3A_86 = arith.constant 0 : i32
      %dma_wait3A_87 = tpu.memref_slice %arg4[%dma_wait3A_86] : memref<16384xf32, #tpu.memory_space<hbm>> -> memref<2048xf32, #tpu.memory_space<hbm>>
      %dma_wait3A_88 = arith.constant 0 : i32
      %dma_wait3A_89 = tpu.memref_slice %arg4[%dma_wait3A_88] : memref<16384xf32, #tpu.memory_space<hbm>> -> memref<2048xf32, #tpu.memory_space<hbm>>
      tpu.wait_dma2 semaphore(%run_scoped3A : memref<!tpu.dma_semaphore, #tpu.memory_space<semaphore_mem>>) src(%dma_wait3A_89 : memref<2048xf32, #tpu.memory_space<hbm>>) dst(%arg11 : memref<2048xf32, #tpu.memory_space<vmem>>)
      tpu.yield
    }) : () -> ()
    %scan3A = arith.constant 0 : i32
    %scan3A_19 = arith.constant 0 : i32
    %scan3A_20 = arith.constant 128 : i32
    %scan3A_21 = arith.addi %scan3A_19, %scan3A_20 : i32
    %scan3A_22 = arith.constant 1 : i32
    scf.for %scan3A_82 = %scan3A_19 to %scan3A_21 step %scan3A_22  : i32 {
      %mul3A_83 = arith.constant 16 : i32
      %mul3A_84 = arith.muli %scan3A_82, %mul3A_83 : i32
      %add3A_85 = arith.constant 0 : i32
      %add3A_86 = arith.addi %add3A_85, %mul3A_84 : i32
      %iota3A = tpu.iota {dimensions = array<i32: 0>} : vector<16xi32>
      %add3A_87 = vector.broadcast %add3A_86 : i32 to vector<16xi32>
      %add3A_88 = arith.addi %iota3A, %add3A_87 : vector<16xi32>
      %mul3A_89 = arith.constant 16 : i32
      %mul3A_90 = arith.muli %scan3A_82, %mul3A_89 : i32
      %get3A = arith.index_cast %mul3A_90 : i32 to index
      %get3A_91 = tpu.vector_load %arg10[%get3A] {strides = array<i32>} : memref<2048xi32, #tpu.memory_space<vmem>>, vector<16xi32>,
      %mul3A_92 = arith.constant 16 : i32
      %mul3A_93 = arith.muli %scan3A_82, %mul3A_92 : i32
      %get3A_94 = arith.index_cast %mul3A_93 : i32 to index
      %get3A_95 = tpu.vector_load %arg11[%get3A_94] {strides = array<i32>} : memref<2048xf32, #tpu.memory_space<vmem>>, vector<16xf32>,
      %gt3A = arith.constant 0.000000e+00 : f32
      %gt3A_96 = vector.broadcast %gt3A : f32 to vector<16xf32>
      %gt3A_97 = arith.cmpf ogt, %get3A_95, %gt3A_96 : vector<16xf32>
      %shift_right_logical3A = arith.constant 6 : i32
      %shift_right_logical3A_98 = vector.broadcast %shift_right_logical3A : i32 to vector<16xi32>
      %shift_right_logical3A_99 = arith.shrui %get3A_91, %shift_right_logical3A_98 : vector<16xi32>
      %eq3A = vector.broadcast %add3A : i32 to vector<16xi32>
      %eq3A_100 = arith.cmpi eq, %shift_right_logical3A_99, %eq3A : vector<16xi32>
      %and3A = arith.andi %gt3A_97, %eq3A_100 : vector<16xi1>
      %and3A_101 = arith.constant 63 : i32
      %and3A_102 = vector.broadcast %and3A_101 : i32 to vector<16xi32>
      %and3A_103 = arith.andi %get3A_91, %and3A_102 : vector<16xi32>
      %shift_right_logical3A_104 = arith.constant 8 : i32
      %shift_right_logical3A_105 = vector.broadcast %shift_right_logical3A_104 : i32 to vector<16xi32>
      %shift_right_logical3A_106 = arith.shrui %add3A_88, %shift_right_logical3A_105 : vector<16xi32>
      %gather3A = tpu.vector_load_idx %arg7[%and3A_103] : memref<64xi32, #tpu.memory_space<vmem>>[vector<16xi32>], vector<16xi32>,
      %eq3A_107 = arith.cmpi eq, %gather3A, %shift_right_logical3A_106 : vector<16xi32>
      %and3A_108 = arith.andi %and3A, %eq3A_107 : vector<16xi1>
      %ne3A = arith.cmpi ne, %gather3A, %shift_right_logical3A_106 : vector<16xi32>
      %and3A_109 = arith.andi %and3A, %ne3A : vector<16xi1>
      tpu.vector_store_idx %arg8[%and3A_103], %add3A_88 masked %and3A_108 : memref<64xi32, #tpu.memory_space<vmem>>[vector<16xi32>], vector<16xi32>, vector<16xi1>
      tpu.vector_store_idx %arg9[%and3A_103], %add3A_88 masked %and3A_109 : memref<64xi32, #tpu.memory_space<vmem>>[vector<16xi32>], vector<16xi32>, vector<16xi1>
    }
    %scan3A_23 = arith.constant 128 : i32
    "tpu.region"() ({
      %run_scoped3A = tpu.sem_alloc : memref<!tpu.dma_semaphore, #tpu.memory_space<semaphore_mem>>
      %dma_start3A_82 = arith.constant 2048 : i32
      %dma_start3A_83 = tpu.memref_slice %arg3[%dma_start3A_82] : memref<16384xi32, #tpu.memory_space<hbm>> -> memref<2048xi32, #tpu.memory_space<hbm>>
      %dma_start3A_84 = arith.constant 2048 : i32
      %dma_start3A_85 = tpu.memref_slice %arg3[%dma_start3A_84] : memref<16384xi32, #tpu.memory_space<hbm>> -> memref<2048xi32, #tpu.memory_space<hbm>>
      tpu.enqueue_dma source(%dma_start3A_85 : memref<2048xi32, #tpu.memory_space<hbm>>) target(%arg10 : memref<2048xi32, #tpu.memory_space<vmem>>) target_semaphore(%run_scoped3A : memref<!tpu.dma_semaphore, #tpu.memory_space<semaphore_mem>>)
      %dma_wait3A_86 = arith.constant 2048 : i32
      %dma_wait3A_87 = tpu.memref_slice %arg3[%dma_wait3A_86] : memref<16384xi32, #tpu.memory_space<hbm>> -> memref<2048xi32, #tpu.memory_space<hbm>>
      %dma_wait3A_88 = arith.constant 2048 : i32
      %dma_wait3A_89 = tpu.memref_slice %arg3[%dma_wait3A_88] : memref<16384xi32, #tpu.memory_space<hbm>> -> memref<2048xi32, #tpu.memory_space<hbm>>
      tpu.wait_dma2 semaphore(%run_scoped3A : memref<!tpu.dma_semaphore, #tpu.memory_space<semaphore_mem>>) src(%dma_wait3A_89 : memref<2048xi32, #tpu.memory_space<hbm>>) dst(%arg10 : memref<2048xi32, #tpu.memory_space<vmem>>)
      tpu.yield
    }) : () -> ()
    "tpu.region"() ({
      %run_scoped3A = tpu.sem_alloc : memref<!tpu.dma_semaphore, #tpu.memory_space<semaphore_mem>>
      %dma_start3A_82 = arith.constant 2048 : i32
      %dma_start3A_83 = tpu.memref_slice %arg4[%dma_start3A_82] : memref<16384xf32, #tpu.memory_space<hbm>> -> memref<2048xf32, #tpu.memory_space<hbm>>
      %dma_start3A_84 = arith.constant 2048 : i32
      %dma_start3A_85 = tpu.memref_slice %arg4[%dma_start3A_84] : memref<16384xf32, #tpu.memory_space<hbm>> -> memref<2048xf32, #tpu.memory_space<hbm>>
      tpu.enqueue_dma source(%dma_start3A_85 : memref<2048xf32, #tpu.memory_space<hbm>>) target(%arg11 : memref<2048xf32, #tpu.memory_space<vmem>>) target_semaphore(%run_scoped3A : memref<!tpu.dma_semaphore, #tpu.memory_space<semaphore_mem>>)
      %dma_wait3A_86 = arith.constant 2048 : i32
      %dma_wait3A_87 = tpu.memref_slice %arg4[%dma_wait3A_86] : memref<16384xf32, #tpu.memory_space<hbm>> -> memref<2048xf32, #tpu.memory_space<hbm>>
      %dma_wait3A_88 = arith.constant 2048 : i32
      %dma_wait3A_89 = tpu.memref_slice %arg4[%dma_wait3A_88] : memref<16384xf32, #tpu.memory_space<hbm>> -> memref<2048xf32, #tpu.memory_space<hbm>>
      tpu.wait_dma2 semaphore(%run_scoped3A : memref<!tpu.dma_semaphore, #tpu.memory_space<semaphore_mem>>) src(%dma_wait3A_89 : memref<2048xf32, #tpu.memory_space<hbm>>) dst(%arg11 : memref<2048xf32, #tpu.memory_space<vmem>>)
      tpu.yield
    }) : () -> ()
    %scan3A_24 = arith.constant 0 : i32
    %scan3A_25 = arith.constant 0 : i32
    %scan3A_26 = arith.constant 128 : i32
    %scan3A_27 = arith.addi %scan3A_25, %scan3A_26 : i32
    %scan3A_28 = arith.constant 1 : i32
    scf.for %scan3A_82 = %scan3A_25 to %scan3A_27 step %scan3A_28  : i32 {
      %mul3A_83 = arith.constant 16 : i32
      %mul3A_84 = arith.muli %scan3A_82, %mul3A_83 : i32
      %add3A_85 = arith.constant 2048 : i32
      %add3A_86 = arith.addi %add3A_85, %mul3A_84 : i32
      %iota3A = tpu.iota {dimensions = array<i32: 0>} : vector<16xi32>
      %add3A_87 = vector.broadcast %add3A_86 : i32 to vector<16xi32>
      %add3A_88 = arith.addi %iota3A, %add3A_87 : vector<16xi32>
      %mul3A_89 = arith.constant 16 : i32
      %mul3A_90 = arith.muli %scan3A_82, %mul3A_89 : i32
      %get3A = arith.index_cast %mul3A_90 : i32 to index
      %get3A_91 = tpu.vector_load %arg10[%get3A] {strides = array<i32>} : memref<2048xi32, #tpu.memory_space<vmem>>, vector<16xi32>,
      %mul3A_92 = arith.constant 16 : i32
      %mul3A_93 = arith.muli %scan3A_82, %mul3A_92 : i32
      %get3A_94 = arith.index_cast %mul3A_93 : i32 to index
      %get3A_95 = tpu.vector_load %arg11[%get3A_94] {strides = array<i32>} : memref<2048xf32, #tpu.memory_space<vmem>>, vector<16xf32>,
      %gt3A = arith.constant 0.000000e+00 : f32
      %gt3A_96 = vector.broadcast %gt3A : f32 to vector<16xf32>
      %gt3A_97 = arith.cmpf ogt, %get3A_95, %gt3A_96 : vector<16xf32>
      %shift_right_logical3A = arith.constant 6 : i32
      %shift_right_logical3A_98 = vector.broadcast %shift_right_logical3A : i32 to vector<16xi32>
      %shift_right_logical3A_99 = arith.shrui %get3A_91, %shift_right_logical3A_98 : vector<16xi32>
      %eq3A = vector.broadcast %add3A : i32 to vector<16xi32>
      %eq3A_100 = arith.cmpi eq, %shift_right_logical3A_99, %eq3A : vector<16xi32>
      %and3A = arith.andi %gt3A_97, %eq3A_100 : vector<16xi1>
      %and3A_101 = arith.constant 63 : i32
      %and3A_102 = vector.broadcast %and3A_101 : i32 to vector<16xi32>
      %and3A_103 = arith.andi %get3A_91, %and3A_102 : vector<16xi32>
      %shift_right_logical3A_104 = arith.constant 8 : i32
      %shift_right_logical3A_105 = vector.broadcast %shift_right_logical3A_104 : i32 to vector<16xi32>
      %shift_right_logical3A_106 = arith.shrui %add3A_88, %shift_right_logical3A_105 : vector<16xi32>
      %gather3A = tpu.vector_load_idx %arg7[%and3A_103] : memref<64xi32, #tpu.memory_space<vmem>>[vector<16xi32>], vector<16xi32>,
      %eq3A_107 = arith.cmpi eq, %gather3A, %shift_right_logical3A_106 : vector<16xi32>
      %and3A_108 = arith.andi %and3A, %eq3A_107 : vector<16xi1>
      %ne3A = arith.cmpi ne, %gather3A, %shift_right_logical3A_106 : vector<16xi32>
      %and3A_109 = arith.andi %and3A, %ne3A : vector<16xi1>
      tpu.vector_store_idx %arg8[%and3A_103], %add3A_88 masked %and3A_108 : memref<64xi32, #tpu.memory_space<vmem>>[vector<16xi32>], vector<16xi32>, vector<16xi1>
      tpu.vector_store_idx %arg9[%and3A_103], %add3A_88 masked %and3A_109 : memref<64xi32, #tpu.memory_space<vmem>>[vector<16xi32>], vector<16xi32>, vector<16xi1>
    }
    %scan3A_29 = arith.constant 128 : i32
    "tpu.region"() ({
      %run_scoped3A = tpu.sem_alloc : memref<!tpu.dma_semaphore, #tpu.memory_space<semaphore_mem>>
      %dma_start3A_82 = arith.constant 4096 : i32
      %dma_start3A_83 = tpu.memref_slice %arg3[%dma_start3A_82] : memref<16384xi32, #tpu.memory_space<hbm>> -> memref<2048xi32, #tpu.memory_space<hbm>>
      %dma_start3A_84 = arith.constant 4096 : i32
      %dma_start3A_85 = tpu.memref_slice %arg3[%dma_start3A_84] : memref<16384xi32, #tpu.memory_space<hbm>> -> memref<2048xi32, #tpu.memory_space<hbm>>
      tpu.enqueue_dma source(%dma_start3A_85 : memref<2048xi32, #tpu.memory_space<hbm>>) target(%arg10 : memref<2048xi32, #tpu.memory_space<vmem>>) target_semaphore(%run_scoped3A : memref<!tpu.dma_semaphore, #tpu.memory_space<semaphore_mem>>)
      %dma_wait3A_86 = arith.constant 4096 : i32
      %dma_wait3A_87 = tpu.memref_slice %arg3[%dma_wait3A_86] : memref<16384xi32, #tpu.memory_space<hbm>> -> memref<2048xi32, #tpu.memory_space<hbm>>
      %dma_wait3A_88 = arith.constant 4096 : i32
      %dma_wait3A_89 = tpu.memref_slice %arg3[%dma_wait3A_88] : memref<16384xi32, #tpu.memory_space<hbm>> -> memref<2048xi32, #tpu.memory_space<hbm>>
      tpu.wait_dma2 semaphore(%run_scoped3A : memref<!tpu.dma_semaphore, #tpu.memory_space<semaphore_mem>>) src(%dma_wait3A_89 : memref<2048xi32, #tpu.memory_space<hbm>>) dst(%arg10 : memref<2048xi32, #tpu.memory_space<vmem>>)
      tpu.yield
    }) : () -> ()
    "tpu.region"() ({
      %run_scoped3A = tpu.sem_alloc : memref<!tpu.dma_semaphore, #tpu.memory_space<semaphore_mem>>
      %dma_start3A_82 = arith.constant 4096 : i32
      %dma_start3A_83 = tpu.memref_slice %arg4[%dma_start3A_82] : memref<16384xf32, #tpu.memory_space<hbm>> -> memref<2048xf32, #tpu.memory_space<hbm>>
      %dma_start3A_84 = arith.constant 4096 : i32
      %dma_start3A_85 = tpu.memref_slice %arg4[%dma_start3A_84] : memref<16384xf32, #tpu.memory_space<hbm>> -> memref<2048xf32, #tpu.memory_space<hbm>>
      tpu.enqueue_dma source(%dma_start3A_85 : memref<2048xf32, #tpu.memory_space<hbm>>) target(%arg11 : memref<2048xf32, #tpu.memory_space<vmem>>) target_semaphore(%run_scoped3A : memref<!tpu.dma_semaphore, #tpu.memory_space<semaphore_mem>>)
      %dma_wait3A_86 = arith.constant 4096 : i32
      %dma_wait3A_87 = tpu.memref_slice %arg4[%dma_wait3A_86] : memref<16384xf32, #tpu.memory_space<hbm>> -> memref<2048xf32, #tpu.memory_space<hbm>>
      %dma_wait3A_88 = arith.constant 4096 : i32
      %dma_wait3A_89 = tpu.memref_slice %arg4[%dma_wait3A_88] : memref<16384xf32, #tpu.memory_space<hbm>> -> memref<2048xf32, #tpu.memory_space<hbm>>
      tpu.wait_dma2 semaphore(%run_scoped3A : memref<!tpu.dma_semaphore, #tpu.memory_space<semaphore_mem>>) src(%dma_wait3A_89 : memref<2048xf32, #tpu.memory_space<hbm>>) dst(%arg11 : memref<2048xf32, #tpu.memory_space<vmem>>)
      tpu.yield
    }) : () -> ()
    %scan3A_30 = arith.constant 0 : i32
    %scan3A_31 = arith.constant 0 : i32
    %scan3A_32 = arith.constant 128 : i32
    %scan3A_33 = arith.addi %scan3A_31, %scan3A_32 : i32
    %scan3A_34 = arith.constant 1 : i32
    scf.for %scan3A_82 = %scan3A_31 to %scan3A_33 step %scan3A_34  : i32 {
      %mul3A_83 = arith.constant 16 : i32
      %mul3A_84 = arith.muli %scan3A_82, %mul3A_83 : i32
      %add3A_85 = arith.constant 4096 : i32
      %add3A_86 = arith.addi %add3A_85, %mul3A_84 : i32
      %iota3A = tpu.iota {dimensions = array<i32: 0>} : vector<16xi32>
      %add3A_87 = vector.broadcast %add3A_86 : i32 to vector<16xi32>
      %add3A_88 = arith.addi %iota3A, %add3A_87 : vector<16xi32>
      %mul3A_89 = arith.constant 16 : i32
      %mul3A_90 = arith.muli %scan3A_82, %mul3A_89 : i32
      %get3A = arith.index_cast %mul3A_90 : i32 to index
      %get3A_91 = tpu.vector_load %arg10[%get3A] {strides = array<i32>} : memref<2048xi32, #tpu.memory_space<vmem>>, vector<16xi32>,
      %mul3A_92 = arith.constant 16 : i32
      %mul3A_93 = arith.muli %scan3A_82, %mul3A_92 : i32
      %get3A_94 = arith.index_cast %mul3A_93 : i32 to index
      %get3A_95 = tpu.vector_load %arg11[%get3A_94] {strides = array<i32>} : memref<2048xf32, #tpu.memory_space<vmem>>, vector<16xf32>,
      %gt3A = arith.constant 0.000000e+00 : f32
      %gt3A_96 = vector.broadcast %gt3A : f32 to vector<16xf32>
      %gt3A_97 = arith.cmpf ogt, %get3A_95, %gt3A_96 : vector<16xf32>
      %shift_right_logical3A = arith.constant 6 : i32
      %shift_right_logical3A_98 = vector.broadcast %shift_right_logical3A : i32 to vector<16xi32>
      %shift_right_logical3A_99 = arith.shrui %get3A_91, %shift_right_logical3A_98 : vector<16xi32>
      %eq3A = vector.broadcast %add3A : i32 to vector<16xi32>
      %eq3A_100 = arith.cmpi eq, %shift_right_logical3A_99, %eq3A : vector<16xi32>
      %and3A = arith.andi %gt3A_97, %eq3A_100 : vector<16xi1>
      %and3A_101 = arith.constant 63 : i32
      %and3A_102 = vector.broadcast %and3A_101 : i32 to vector<16xi32>
      %and3A_103 = arith.andi %get3A_91, %and3A_102 : vector<16xi32>
      %shift_right_logical3A_104 = arith.constant 8 : i32
      %shift_right_logical3A_105 = vector.broadcast %shift_right_logical3A_104 : i32 to vector<16xi32>
      %shift_right_logical3A_106 = arith.shrui %add3A_88, %shift_right_logical3A_105 : vector<16xi32>
      %gather3A = tpu.vector_load_idx %arg7[%and3A_103] : memref<64xi32, #tpu.memory_space<vmem>>[vector<16xi32>], vector<16xi32>,
      %eq3A_107 = arith.cmpi eq, %gather3A, %shift_right_logical3A_106 : vector<16xi32>
      %and3A_108 = arith.andi %and3A, %eq3A_107 : vector<16xi1>
      %ne3A = arith.cmpi ne, %gather3A, %shift_right_logical3A_106 : vector<16xi32>
      %and3A_109 = arith.andi %and3A, %ne3A : vector<16xi1>
      tpu.vector_store_idx %arg8[%and3A_103], %add3A_88 masked %and3A_108 : memref<64xi32, #tpu.memory_space<vmem>>[vector<16xi32>], vector<16xi32>, vector<16xi1>
      tpu.vector_store_idx %arg9[%and3A_103], %add3A_88 masked %and3A_109 : memref<64xi32, #tpu.memory_space<vmem>>[vector<16xi32>], vector<16xi32>, vector<16xi1>
    }
    %scan3A_35 = arith.constant 128 : i32
    "tpu.region"() ({
      %run_scoped3A = tpu.sem_alloc : memref<!tpu.dma_semaphore, #tpu.memory_space<semaphore_mem>>
      %dma_start3A_82 = arith.constant 6144 : i32
      %dma_start3A_83 = tpu.memref_slice %arg3[%dma_start3A_82] : memref<16384xi32, #tpu.memory_space<hbm>> -> memref<2048xi32, #tpu.memory_space<hbm>>
      %dma_start3A_84 = arith.constant 6144 : i32
      %dma_start3A_85 = tpu.memref_slice %arg3[%dma_start3A_84] : memref<16384xi32, #tpu.memory_space<hbm>> -> memref<2048xi32, #tpu.memory_space<hbm>>
      tpu.enqueue_dma source(%dma_start3A_85 : memref<2048xi32, #tpu.memory_space<hbm>>) target(%arg10 : memref<2048xi32, #tpu.memory_space<vmem>>) target_semaphore(%run_scoped3A : memref<!tpu.dma_semaphore, #tpu.memory_space<semaphore_mem>>)
      %dma_wait3A_86 = arith.constant 6144 : i32
      %dma_wait3A_87 = tpu.memref_slice %arg3[%dma_wait3A_86] : memref<16384xi32, #tpu.memory_space<hbm>> -> memref<2048xi32, #tpu.memory_space<hbm>>
      %dma_wait3A_88 = arith.constant 6144 : i32
      %dma_wait3A_89 = tpu.memref_slice %arg3[%dma_wait3A_88] : memref<16384xi32, #tpu.memory_space<hbm>> -> memref<2048xi32, #tpu.memory_space<hbm>>
      tpu.wait_dma2 semaphore(%run_scoped3A : memref<!tpu.dma_semaphore, #tpu.memory_space<semaphore_mem>>) src(%dma_wait3A_89 : memref<2048xi32, #tpu.memory_space<hbm>>) dst(%arg10 : memref<2048xi32, #tpu.memory_space<vmem>>)
      tpu.yield
    }) : () -> ()
    "tpu.region"() ({
      %run_scoped3A = tpu.sem_alloc : memref<!tpu.dma_semaphore, #tpu.memory_space<semaphore_mem>>
      %dma_start3A_82 = arith.constant 6144 : i32
      %dma_start3A_83 = tpu.memref_slice %arg4[%dma_start3A_82] : memref<16384xf32, #tpu.memory_space<hbm>> -> memref<2048xf32, #tpu.memory_space<hbm>>
      %dma_start3A_84 = arith.constant 6144 : i32
      %dma_start3A_85 = tpu.memref_slice %arg4[%dma_start3A_84] : memref<16384xf32, #tpu.memory_space<hbm>> -> memref<2048xf32, #tpu.memory_space<hbm>>
      tpu.enqueue_dma source(%dma_start3A_85 : memref<2048xf32, #tpu.memory_space<hbm>>) target(%arg11 : memref<2048xf32, #tpu.memory_space<vmem>>) target_semaphore(%run_scoped3A : memref<!tpu.dma_semaphore, #tpu.memory_space<semaphore_mem>>)
      %dma_wait3A_86 = arith.constant 6144 : i32
      %dma_wait3A_87 = tpu.memref_slice %arg4[%dma_wait3A_86] : memref<16384xf32, #tpu.memory_space<hbm>> -> memref<2048xf32, #tpu.memory_space<hbm>>
      %dma_wait3A_88 = arith.constant 6144 : i32
      %dma_wait3A_89 = tpu.memref_slice %arg4[%dma_wait3A_88] : memref<16384xf32, #tpu.memory_space<hbm>> -> memref<2048xf32, #tpu.memory_space<hbm>>
      tpu.wait_dma2 semaphore(%run_scoped3A : memref<!tpu.dma_semaphore, #tpu.memory_space<semaphore_mem>>) src(%dma_wait3A_89 : memref<2048xf32, #tpu.memory_space<hbm>>) dst(%arg11 : memref<2048xf32, #tpu.memory_space<vmem>>)
      tpu.yield
    }) : () -> ()
    %scan3A_36 = arith.constant 0 : i32
    %scan3A_37 = arith.constant 0 : i32
    %scan3A_38 = arith.constant 128 : i32
    %scan3A_39 = arith.addi %scan3A_37, %scan3A_38 : i32
    %scan3A_40 = arith.constant 1 : i32
    scf.for %scan3A_82 = %scan3A_37 to %scan3A_39 step %scan3A_40  : i32 {
      %mul3A_83 = arith.constant 16 : i32
      %mul3A_84 = arith.muli %scan3A_82, %mul3A_83 : i32
      %add3A_85 = arith.constant 6144 : i32
      %add3A_86 = arith.addi %add3A_85, %mul3A_84 : i32
      %iota3A = tpu.iota {dimensions = array<i32: 0>} : vector<16xi32>
      %add3A_87 = vector.broadcast %add3A_86 : i32 to vector<16xi32>
      %add3A_88 = arith.addi %iota3A, %add3A_87 : vector<16xi32>
      %mul3A_89 = arith.constant 16 : i32
      %mul3A_90 = arith.muli %scan3A_82, %mul3A_89 : i32
      %get3A = arith.index_cast %mul3A_90 : i32 to index
      %get3A_91 = tpu.vector_load %arg10[%get3A] {strides = array<i32>} : memref<2048xi32, #tpu.memory_space<vmem>>, vector<16xi32>,
      %mul3A_92 = arith.constant 16 : i32
      %mul3A_93 = arith.muli %scan3A_82, %mul3A_92 : i32
      %get3A_94 = arith.index_cast %mul3A_93 : i32 to index
      %get3A_95 = tpu.vector_load %arg11[%get3A_94] {strides = array<i32>} : memref<2048xf32, #tpu.memory_space<vmem>>, vector<16xf32>,
      %gt3A = arith.constant 0.000000e+00 : f32
      %gt3A_96 = vector.broadcast %gt3A : f32 to vector<16xf32>
      %gt3A_97 = arith.cmpf ogt, %get3A_95, %gt3A_96 : vector<16xf32>
      %shift_right_logical3A = arith.constant 6 : i32
      %shift_right_logical3A_98 = vector.broadcast %shift_right_logical3A : i32 to vector<16xi32>
      %shift_right_logical3A_99 = arith.shrui %get3A_91, %shift_right_logical3A_98 : vector<16xi32>
      %eq3A = vector.broadcast %add3A : i32 to vector<16xi32>
      %eq3A_100 = arith.cmpi eq, %shift_right_logical3A_99, %eq3A : vector<16xi32>
      %and3A = arith.andi %gt3A_97, %eq3A_100 : vector<16xi1>
      %and3A_101 = arith.constant 63 : i32
      %and3A_102 = vector.broadcast %and3A_101 : i32 to vector<16xi32>
      %and3A_103 = arith.andi %get3A_91, %and3A_102 : vector<16xi32>
      %shift_right_logical3A_104 = arith.constant 8 : i32
      %shift_right_logical3A_105 = vector.broadcast %shift_right_logical3A_104 : i32 to vector<16xi32>
      %shift_right_logical3A_106 = arith.shrui %add3A_88, %shift_right_logical3A_105 : vector<16xi32>
      %gather3A = tpu.vector_load_idx %arg7[%and3A_103] : memref<64xi32, #tpu.memory_space<vmem>>[vector<16xi32>], vector<16xi32>,
      %eq3A_107 = arith.cmpi eq, %gather3A, %shift_right_logical3A_106 : vector<16xi32>
      %and3A_108 = arith.andi %and3A, %eq3A_107 : vector<16xi1>
      %ne3A = arith.cmpi ne, %gather3A, %shift_right_logical3A_106 : vector<16xi32>
      %and3A_109 = arith.andi %and3A, %ne3A : vector<16xi1>
      tpu.vector_store_idx %arg8[%and3A_103], %add3A_88 masked %and3A_108 : memref<64xi32, #tpu.memory_space<vmem>>[vector<16xi32>], vector<16xi32>, vector<16xi1>
      tpu.vector_store_idx %arg9[%and3A_103], %add3A_88 masked %and3A_109 : memref<64xi32, #tpu.memory_space<vmem>>[vector<16xi32>], vector<16xi32>, vector<16xi1>
    }
    %scan3A_41 = arith.constant 128 : i32
    "tpu.region"() ({
      %run_scoped3A = tpu.sem_alloc : memref<!tpu.dma_semaphore, #tpu.memory_space<semaphore_mem>>
      %dma_start3A_82 = arith.constant 8192 : i32
      %dma_start3A_83 = tpu.memref_slice %arg3[%dma_start3A_82] : memref<16384xi32, #tpu.memory_space<hbm>> -> memref<2048xi32, #tpu.memory_space<hbm>>
      %dma_start3A_84 = arith.constant 8192 : i32
      %dma_start3A_85 = tpu.memref_slice %arg3[%dma_start3A_84] : memref<16384xi32, #tpu.memory_space<hbm>> -> memref<2048xi32, #tpu.memory_space<hbm>>
      tpu.enqueue_dma source(%dma_start3A_85 : memref<2048xi32, #tpu.memory_space<hbm>>) target(%arg10 : memref<2048xi32, #tpu.memory_space<vmem>>) target_semaphore(%run_scoped3A : memref<!tpu.dma_semaphore, #tpu.memory_space<semaphore_mem>>)
      %dma_wait3A_86 = arith.constant 8192 : i32
      %dma_wait3A_87 = tpu.memref_slice %arg3[%dma_wait3A_86] : memref<16384xi32, #tpu.memory_space<hbm>> -> memref<2048xi32, #tpu.memory_space<hbm>>
      %dma_wait3A_88 = arith.constant 8192 : i32
      %dma_wait3A_89 = tpu.memref_slice %arg3[%dma_wait3A_88] : memref<16384xi32, #tpu.memory_space<hbm>> -> memref<2048xi32, #tpu.memory_space<hbm>>
      tpu.wait_dma2 semaphore(%run_scoped3A : memref<!tpu.dma_semaphore, #tpu.memory_space<semaphore_mem>>) src(%dma_wait3A_89 : memref<2048xi32, #tpu.memory_space<hbm>>) dst(%arg10 : memref<2048xi32, #tpu.memory_space<vmem>>)
      tpu.yield
    }) : () -> ()
    "tpu.region"() ({
      %run_scoped3A = tpu.sem_alloc : memref<!tpu.dma_semaphore, #tpu.memory_space<semaphore_mem>>
      %dma_start3A_82 = arith.constant 8192 : i32
      %dma_start3A_83 = tpu.memref_slice %arg4[%dma_start3A_82] : memref<16384xf32, #tpu.memory_space<hbm>> -> memref<2048xf32, #tpu.memory_space<hbm>>
      %dma_start3A_84 = arith.constant 8192 : i32
      %dma_start3A_85 = tpu.memref_slice %arg4[%dma_start3A_84] : memref<16384xf32, #tpu.memory_space<hbm>> -> memref<2048xf32, #tpu.memory_space<hbm>>
      tpu.enqueue_dma source(%dma_start3A_85 : memref<2048xf32, #tpu.memory_space<hbm>>) target(%arg11 : memref<2048xf32, #tpu.memory_space<vmem>>) target_semaphore(%run_scoped3A : memref<!tpu.dma_semaphore, #tpu.memory_space<semaphore_mem>>)
      %dma_wait3A_86 = arith.constant 8192 : i32
      %dma_wait3A_87 = tpu.memref_slice %arg4[%dma_wait3A_86] : memref<16384xf32, #tpu.memory_space<hbm>> -> memref<2048xf32, #tpu.memory_space<hbm>>
      %dma_wait3A_88 = arith.constant 8192 : i32
      %dma_wait3A_89 = tpu.memref_slice %arg4[%dma_wait3A_88] : memref<16384xf32, #tpu.memory_space<hbm>> -> memref<2048xf32, #tpu.memory_space<hbm>>
      tpu.wait_dma2 semaphore(%run_scoped3A : memref<!tpu.dma_semaphore, #tpu.memory_space<semaphore_mem>>) src(%dma_wait3A_89 : memref<2048xf32, #tpu.memory_space<hbm>>) dst(%arg11 : memref<2048xf32, #tpu.memory_space<vmem>>)
      tpu.yield
    }) : () -> ()
    %scan3A_42 = arith.constant 0 : i32
    %scan3A_43 = arith.constant 0 : i32
    %scan3A_44 = arith.constant 128 : i32
    %scan3A_45 = arith.addi %scan3A_43, %scan3A_44 : i32
    %scan3A_46 = arith.constant 1 : i32
    scf.for %scan3A_82 = %scan3A_43 to %scan3A_45 step %scan3A_46  : i32 {
      %mul3A_83 = arith.constant 16 : i32
      %mul3A_84 = arith.muli %scan3A_82, %mul3A_83 : i32
      %add3A_85 = arith.constant 8192 : i32
      %add3A_86 = arith.addi %add3A_85, %mul3A_84 : i32
      %iota3A = tpu.iota {dimensions = array<i32: 0>} : vector<16xi32>
      %add3A_87 = vector.broadcast %add3A_86 : i32 to vector<16xi32>
      %add3A_88 = arith.addi %iota3A, %add3A_87 : vector<16xi32>
      %mul3A_89 = arith.constant 16 : i32
      %mul3A_90 = arith.muli %scan3A_82, %mul3A_89 : i32
      %get3A = arith.index_cast %mul3A_90 : i32 to index
      %get3A_91 = tpu.vector_load %arg10[%get3A] {strides = array<i32>} : memref<2048xi32, #tpu.memory_space<vmem>>, vector<16xi32>,
      %mul3A_92 = arith.constant 16 : i32
      %mul3A_93 = arith.muli %scan3A_82, %mul3A_92 : i32
      %get3A_94 = arith.index_cast %mul3A_93 : i32 to index
      %get3A_95 = tpu.vector_load %arg11[%get3A_94] {strides = array<i32>} : memref<2048xf32, #tpu.memory_space<vmem>>, vector<16xf32>,
      %gt3A = arith.constant 0.000000e+00 : f32
      %gt3A_96 = vector.broadcast %gt3A : f32 to vector<16xf32>
      %gt3A_97 = arith.cmpf ogt, %get3A_95, %gt3A_96 : vector<16xf32>
      %shift_right_logical3A = arith.constant 6 : i32
      %shift_right_logical3A_98 = vector.broadcast %shift_right_logical3A : i32 to vector<16xi32>
      %shift_right_logical3A_99 = arith.shrui %get3A_91, %shift_right_logical3A_98 : vector<16xi32>
      %eq3A = vector.broadcast %add3A : i32 to vector<16xi32>
      %eq3A_100 = arith.cmpi eq, %shift_right_logical3A_99, %eq3A : vector<16xi32>
      %and3A = arith.andi %gt3A_97, %eq3A_100 : vector<16xi1>
      %and3A_101 = arith.constant 63 : i32
      %and3A_102 = vector.broadcast %and3A_101 : i32 to vector<16xi32>
      %and3A_103 = arith.andi %get3A_91, %and3A_102 : vector<16xi32>
      %shift_right_logical3A_104 = arith.constant 8 : i32
      %shift_right_logical3A_105 = vector.broadcast %shift_right_logical3A_104 : i32 to vector<16xi32>
      %shift_right_logical3A_106 = arith.shrui %add3A_88, %shift_right_logical3A_105 : vector<16xi32>
      %gather3A = tpu.vector_load_idx %arg7[%and3A_103] : memref<64xi32, #tpu.memory_space<vmem>>[vector<16xi32>], vector<16xi32>,
      %eq3A_107 = arith.cmpi eq, %gather3A, %shift_right_logical3A_106 : vector<16xi32>
      %and3A_108 = arith.andi %and3A, %eq3A_107 : vector<16xi1>
      %ne3A = arith.cmpi ne, %gather3A, %shift_right_logical3A_106 : vector<16xi32>
      %and3A_109 = arith.andi %and3A, %ne3A : vector<16xi1>
      tpu.vector_store_idx %arg8[%and3A_103], %add3A_88 masked %and3A_108 : memref<64xi32, #tpu.memory_space<vmem>>[vector<16xi32>], vector<16xi32>, vector<16xi1>
      tpu.vector_store_idx %arg9[%and3A_103], %add3A_88 masked %and3A_109 : memref<64xi32, #tpu.memory_space<vmem>>[vector<16xi32>], vector<16xi32>, vector<16xi1>
    }
    %scan3A_47 = arith.constant 128 : i32
    "tpu.region"() ({
      %run_scoped3A = tpu.sem_alloc : memref<!tpu.dma_semaphore, #tpu.memory_space<semaphore_mem>>
      %dma_start3A_82 = arith.constant 10240 : i32
      %dma_start3A_83 = tpu.memref_slice %arg3[%dma_start3A_82] : memref<16384xi32, #tpu.memory_space<hbm>> -> memref<2048xi32, #tpu.memory_space<hbm>>
      %dma_start3A_84 = arith.constant 10240 : i32
      %dma_start3A_85 = tpu.memref_slice %arg3[%dma_start3A_84] : memref<16384xi32, #tpu.memory_space<hbm>> -> memref<2048xi32, #tpu.memory_space<hbm>>
      tpu.enqueue_dma source(%dma_start3A_85 : memref<2048xi32, #tpu.memory_space<hbm>>) target(%arg10 : memref<2048xi32, #tpu.memory_space<vmem>>) target_semaphore(%run_scoped3A : memref<!tpu.dma_semaphore, #tpu.memory_space<semaphore_mem>>)
      %dma_wait3A_86 = arith.constant 10240 : i32
      %dma_wait3A_87 = tpu.memref_slice %arg3[%dma_wait3A_86] : memref<16384xi32, #tpu.memory_space<hbm>> -> memref<2048xi32, #tpu.memory_space<hbm>>
      %dma_wait3A_88 = arith.constant 10240 : i32
      %dma_wait3A_89 = tpu.memref_slice %arg3[%dma_wait3A_88] : memref<16384xi32, #tpu.memory_space<hbm>> -> memref<2048xi32, #tpu.memory_space<hbm>>
      tpu.wait_dma2 semaphore(%run_scoped3A : memref<!tpu.dma_semaphore, #tpu.memory_space<semaphore_mem>>) src(%dma_wait3A_89 : memref<2048xi32, #tpu.memory_space<hbm>>) dst(%arg10 : memref<2048xi32, #tpu.memory_space<vmem>>)
      tpu.yield
    }) : () -> ()
    "tpu.region"() ({
      %run_scoped3A = tpu.sem_alloc : memref<!tpu.dma_semaphore, #tpu.memory_space<semaphore_mem>>
      %dma_start3A_82 = arith.constant 10240 : i32
      %dma_start3A_83 = tpu.memref_slice %arg4[%dma_start3A_82] : memref<16384xf32, #tpu.memory_space<hbm>> -> memref<2048xf32, #tpu.memory_space<hbm>>
      %dma_start3A_84 = arith.constant 10240 : i32
      %dma_start3A_85 = tpu.memref_slice %arg4[%dma_start3A_84] : memref<16384xf32, #tpu.memory_space<hbm>> -> memref<2048xf32, #tpu.memory_space<hbm>>
      tpu.enqueue_dma source(%dma_start3A_85 : memref<2048xf32, #tpu.memory_space<hbm>>) target(%arg11 : memref<2048xf32, #tpu.memory_space<vmem>>) target_semaphore(%run_scoped3A : memref<!tpu.dma_semaphore, #tpu.memory_space<semaphore_mem>>)
      %dma_wait3A_86 = arith.constant 10240 : i32
      %dma_wait3A_87 = tpu.memref_slice %arg4[%dma_wait3A_86] : memref<16384xf32, #tpu.memory_space<hbm>> -> memref<2048xf32, #tpu.memory_space<hbm>>
      %dma_wait3A_88 = arith.constant 10240 : i32
      %dma_wait3A_89 = tpu.memref_slice %arg4[%dma_wait3A_88] : memref<16384xf32, #tpu.memory_space<hbm>> -> memref<2048xf32, #tpu.memory_space<hbm>>
      tpu.wait_dma2 semaphore(%run_scoped3A : memref<!tpu.dma_semaphore, #tpu.memory_space<semaphore_mem>>) src(%dma_wait3A_89 : memref<2048xf32, #tpu.memory_space<hbm>>) dst(%arg11 : memref<2048xf32, #tpu.memory_space<vmem>>)
      tpu.yield
    }) : () -> ()
    %scan3A_48 = arith.constant 0 : i32
    %scan3A_49 = arith.constant 0 : i32
    %scan3A_50 = arith.constant 128 : i32
    %scan3A_51 = arith.addi %scan3A_49, %scan3A_50 : i32
    %scan3A_52 = arith.constant 1 : i32
    scf.for %scan3A_82 = %scan3A_49 to %scan3A_51 step %scan3A_52  : i32 {
      %mul3A_83 = arith.constant 16 : i32
      %mul3A_84 = arith.muli %scan3A_82, %mul3A_83 : i32
      %add3A_85 = arith.constant 10240 : i32
      %add3A_86 = arith.addi %add3A_85, %mul3A_84 : i32
      %iota3A = tpu.iota {dimensions = array<i32: 0>} : vector<16xi32>
      %add3A_87 = vector.broadcast %add3A_86 : i32 to vector<16xi32>
      %add3A_88 = arith.addi %iota3A, %add3A_87 : vector<16xi32>
      %mul3A_89 = arith.constant 16 : i32
      %mul3A_90 = arith.muli %scan3A_82, %mul3A_89 : i32
      %get3A = arith.index_cast %mul3A_90 : i32 to index
      %get3A_91 = tpu.vector_load %arg10[%get3A] {strides = array<i32>} : memref<2048xi32, #tpu.memory_space<vmem>>, vector<16xi32>,
      %mul3A_92 = arith.constant 16 : i32
      %mul3A_93 = arith.muli %scan3A_82, %mul3A_92 : i32
      %get3A_94 = arith.index_cast %mul3A_93 : i32 to index
      %get3A_95 = tpu.vector_load %arg11[%get3A_94] {strides = array<i32>} : memref<2048xf32, #tpu.memory_space<vmem>>, vector<16xf32>,
      %gt3A = arith.constant 0.000000e+00 : f32
      %gt3A_96 = vector.broadcast %gt3A : f32 to vector<16xf32>
      %gt3A_97 = arith.cmpf ogt, %get3A_95, %gt3A_96 : vector<16xf32>
      %shift_right_logical3A = arith.constant 6 : i32
      %shift_right_logical3A_98 = vector.broadcast %shift_right_logical3A : i32 to vector<16xi32>
      %shift_right_logical3A_99 = arith.shrui %get3A_91, %shift_right_logical3A_98 : vector<16xi32>
      %eq3A = vector.broadcast %add3A : i32 to vector<16xi32>
      %eq3A_100 = arith.cmpi eq, %shift_right_logical3A_99, %eq3A : vector<16xi32>
      %and3A = arith.andi %gt3A_97, %eq3A_100 : vector<16xi1>
      %and3A_101 = arith.constant 63 : i32
      %and3A_102 = vector.broadcast %and3A_101 : i32 to vector<16xi32>
      %and3A_103 = arith.andi %get3A_91, %and3A_102 : vector<16xi32>
      %shift_right_logical3A_104 = arith.constant 8 : i32
      %shift_right_logical3A_105 = vector.broadcast %shift_right_logical3A_104 : i32 to vector<16xi32>
      %shift_right_logical3A_106 = arith.shrui %add3A_88, %shift_right_logical3A_105 : vector<16xi32>
      %gather3A = tpu.vector_load_idx %arg7[%and3A_103] : memref<64xi32, #tpu.memory_space<vmem>>[vector<16xi32>], vector<16xi32>,
      %eq3A_107 = arith.cmpi eq, %gather3A, %shift_right_logical3A_106 : vector<16xi32>
      %and3A_108 = arith.andi %and3A, %eq3A_107 : vector<16xi1>
      %ne3A = arith.cmpi ne, %gather3A, %shift_right_logical3A_106 : vector<16xi32>
      %and3A_109 = arith.andi %and3A, %ne3A : vector<16xi1>
      tpu.vector_store_idx %arg8[%and3A_103], %add3A_88 masked %and3A_108 : memref<64xi32, #tpu.memory_space<vmem>>[vector<16xi32>], vector<16xi32>, vector<16xi1>
      tpu.vector_store_idx %arg9[%and3A_103], %add3A_88 masked %and3A_109 : memref<64xi32, #tpu.memory_space<vmem>>[vector<16xi32>], vector<16xi32>, vector<16xi1>
    }
    %scan3A_53 = arith.constant 128 : i32
    "tpu.region"() ({
      %run_scoped3A = tpu.sem_alloc : memref<!tpu.dma_semaphore, #tpu.memory_space<semaphore_mem>>
      %dma_start3A_82 = arith.constant 12288 : i32
      %dma_start3A_83 = tpu.memref_slice %arg3[%dma_start3A_82] : memref<16384xi32, #tpu.memory_space<hbm>> -> memref<2048xi32, #tpu.memory_space<hbm>>
      %dma_start3A_84 = arith.constant 12288 : i32
      %dma_start3A_85 = tpu.memref_slice %arg3[%dma_start3A_84] : memref<16384xi32, #tpu.memory_space<hbm>> -> memref<2048xi32, #tpu.memory_space<hbm>>
      tpu.enqueue_dma source(%dma_start3A_85 : memref<2048xi32, #tpu.memory_space<hbm>>) target(%arg10 : memref<2048xi32, #tpu.memory_space<vmem>>) target_semaphore(%run_scoped3A : memref<!tpu.dma_semaphore, #tpu.memory_space<semaphore_mem>>)
      %dma_wait3A_86 = arith.constant 12288 : i32
      %dma_wait3A_87 = tpu.memref_slice %arg3[%dma_wait3A_86] : memref<16384xi32, #tpu.memory_space<hbm>> -> memref<2048xi32, #tpu.memory_space<hbm>>
      %dma_wait3A_88 = arith.constant 12288 : i32
      %dma_wait3A_89 = tpu.memref_slice %arg3[%dma_wait3A_88] : memref<16384xi32, #tpu.memory_space<hbm>> -> memref<2048xi32, #tpu.memory_space<hbm>>
      tpu.wait_dma2 semaphore(%run_scoped3A : memref<!tpu.dma_semaphore, #tpu.memory_space<semaphore_mem>>) src(%dma_wait3A_89 : memref<2048xi32, #tpu.memory_space<hbm>>) dst(%arg10 : memref<2048xi32, #tpu.memory_space<vmem>>)
      tpu.yield
    }) : () -> ()
    "tpu.region"() ({
      %run_scoped3A = tpu.sem_alloc : memref<!tpu.dma_semaphore, #tpu.memory_space<semaphore_mem>>
      %dma_start3A_82 = arith.constant 12288 : i32
      %dma_start3A_83 = tpu.memref_slice %arg4[%dma_start3A_82] : memref<16384xf32, #tpu.memory_space<hbm>> -> memref<2048xf32, #tpu.memory_space<hbm>>
      %dma_start3A_84 = arith.constant 12288 : i32
      %dma_start3A_85 = tpu.memref_slice %arg4[%dma_start3A_84] : memref<16384xf32, #tpu.memory_space<hbm>> -> memref<2048xf32, #tpu.memory_space<hbm>>
      tpu.enqueue_dma source(%dma_start3A_85 : memref<2048xf32, #tpu.memory_space<hbm>>) target(%arg11 : memref<2048xf32, #tpu.memory_space<vmem>>) target_semaphore(%run_scoped3A : memref<!tpu.dma_semaphore, #tpu.memory_space<semaphore_mem>>)
      %dma_wait3A_86 = arith.constant 12288 : i32
      %dma_wait3A_87 = tpu.memref_slice %arg4[%dma_wait3A_86] : memref<16384xf32, #tpu.memory_space<hbm>> -> memref<2048xf32, #tpu.memory_space<hbm>>
      %dma_wait3A_88 = arith.constant 12288 : i32
      %dma_wait3A_89 = tpu.memref_slice %arg4[%dma_wait3A_88] : memref<16384xf32, #tpu.memory_space<hbm>> -> memref<2048xf32, #tpu.memory_space<hbm>>
      tpu.wait_dma2 semaphore(%run_scoped3A : memref<!tpu.dma_semaphore, #tpu.memory_space<semaphore_mem>>) src(%dma_wait3A_89 : memref<2048xf32, #tpu.memory_space<hbm>>) dst(%arg11 : memref<2048xf32, #tpu.memory_space<vmem>>)
      tpu.yield
    }) : () -> ()
    %scan3A_54 = arith.constant 0 : i32
    %scan3A_55 = arith.constant 0 : i32
    %scan3A_56 = arith.constant 128 : i32
    %scan3A_57 = arith.addi %scan3A_55, %scan3A_56 : i32
    %scan3A_58 = arith.constant 1 : i32
    scf.for %scan3A_82 = %scan3A_55 to %scan3A_57 step %scan3A_58  : i32 {
      %mul3A_83 = arith.constant 16 : i32
      %mul3A_84 = arith.muli %scan3A_82, %mul3A_83 : i32
      %add3A_85 = arith.constant 12288 : i32
      %add3A_86 = arith.addi %add3A_85, %mul3A_84 : i32
      %iota3A = tpu.iota {dimensions = array<i32: 0>} : vector<16xi32>
      %add3A_87 = vector.broadcast %add3A_86 : i32 to vector<16xi32>
      %add3A_88 = arith.addi %iota3A, %add3A_87 : vector<16xi32>
      %mul3A_89 = arith.constant 16 : i32
      %mul3A_90 = arith.muli %scan3A_82, %mul3A_89 : i32
      %get3A = arith.index_cast %mul3A_90 : i32 to index
      %get3A_91 = tpu.vector_load %arg10[%get3A] {strides = array<i32>} : memref<2048xi32, #tpu.memory_space<vmem>>, vector<16xi32>,
      %mul3A_92 = arith.constant 16 : i32
      %mul3A_93 = arith.muli %scan3A_82, %mul3A_92 : i32
      %get3A_94 = arith.index_cast %mul3A_93 : i32 to index
      %get3A_95 = tpu.vector_load %arg11[%get3A_94] {strides = array<i32>} : memref<2048xf32, #tpu.memory_space<vmem>>, vector<16xf32>,
      %gt3A = arith.constant 0.000000e+00 : f32
      %gt3A_96 = vector.broadcast %gt3A : f32 to vector<16xf32>
      %gt3A_97 = arith.cmpf ogt, %get3A_95, %gt3A_96 : vector<16xf32>
      %shift_right_logical3A = arith.constant 6 : i32
      %shift_right_logical3A_98 = vector.broadcast %shift_right_logical3A : i32 to vector<16xi32>
      %shift_right_logical3A_99 = arith.shrui %get3A_91, %shift_right_logical3A_98 : vector<16xi32>
      %eq3A = vector.broadcast %add3A : i32 to vector<16xi32>
      %eq3A_100 = arith.cmpi eq, %shift_right_logical3A_99, %eq3A : vector<16xi32>
      %and3A = arith.andi %gt3A_97, %eq3A_100 : vector<16xi1>
      %and3A_101 = arith.constant 63 : i32
      %and3A_102 = vector.broadcast %and3A_101 : i32 to vector<16xi32>
      %and3A_103 = arith.andi %get3A_91, %and3A_102 : vector<16xi32>
      %shift_right_logical3A_104 = arith.constant 8 : i32
      %shift_right_logical3A_105 = vector.broadcast %shift_right_logical3A_104 : i32 to vector<16xi32>
      %shift_right_logical3A_106 = arith.shrui %add3A_88, %shift_right_logical3A_105 : vector<16xi32>
      %gather3A = tpu.vector_load_idx %arg7[%and3A_103] : memref<64xi32, #tpu.memory_space<vmem>>[vector<16xi32>], vector<16xi32>,
      %eq3A_107 = arith.cmpi eq, %gather3A, %shift_right_logical3A_106 : vector<16xi32>
      %and3A_108 = arith.andi %and3A, %eq3A_107 : vector<16xi1>
      %ne3A = arith.cmpi ne, %gather3A, %shift_right_logical3A_106 : vector<16xi32>
      %and3A_109 = arith.andi %and3A, %ne3A : vector<16xi1>
      tpu.vector_store_idx %arg8[%and3A_103], %add3A_88 masked %and3A_108 : memref<64xi32, #tpu.memory_space<vmem>>[vector<16xi32>], vector<16xi32>, vector<16xi1>
      tpu.vector_store_idx %arg9[%and3A_103], %add3A_88 masked %and3A_109 : memref<64xi32, #tpu.memory_space<vmem>>[vector<16xi32>], vector<16xi32>, vector<16xi1>
    }
    %scan3A_59 = arith.constant 128 : i32
    "tpu.region"() ({
      %run_scoped3A = tpu.sem_alloc : memref<!tpu.dma_semaphore, #tpu.memory_space<semaphore_mem>>
      %dma_start3A_82 = arith.constant 14336 : i32
      %dma_start3A_83 = tpu.memref_slice %arg3[%dma_start3A_82] : memref<16384xi32, #tpu.memory_space<hbm>> -> memref<2048xi32, #tpu.memory_space<hbm>>
      %dma_start3A_84 = arith.constant 14336 : i32
      %dma_start3A_85 = tpu.memref_slice %arg3[%dma_start3A_84] : memref<16384xi32, #tpu.memory_space<hbm>> -> memref<2048xi32, #tpu.memory_space<hbm>>
      tpu.enqueue_dma source(%dma_start3A_85 : memref<2048xi32, #tpu.memory_space<hbm>>) target(%arg10 : memref<2048xi32, #tpu.memory_space<vmem>>) target_semaphore(%run_scoped3A : memref<!tpu.dma_semaphore, #tpu.memory_space<semaphore_mem>>)
      %dma_wait3A_86 = arith.constant 14336 : i32
      %dma_wait3A_87 = tpu.memref_slice %arg3[%dma_wait3A_86] : memref<16384xi32, #tpu.memory_space<hbm>> -> memref<2048xi32, #tpu.memory_space<hbm>>
      %dma_wait3A_88 = arith.constant 14336 : i32
      %dma_wait3A_89 = tpu.memref_slice %arg3[%dma_wait3A_88] : memref<16384xi32, #tpu.memory_space<hbm>> -> memref<2048xi32, #tpu.memory_space<hbm>>
      tpu.wait_dma2 semaphore(%run_scoped3A : memref<!tpu.dma_semaphore, #tpu.memory_space<semaphore_mem>>) src(%dma_wait3A_89 : memref<2048xi32, #tpu.memory_space<hbm>>) dst(%arg10 : memref<2048xi32, #tpu.memory_space<vmem>>)
      tpu.yield
    }) : () -> ()
    "tpu.region"() ({
      %run_scoped3A = tpu.sem_alloc : memref<!tpu.dma_semaphore, #tpu.memory_space<semaphore_mem>>
      %dma_start3A_82 = arith.constant 14336 : i32
      %dma_start3A_83 = tpu.memref_slice %arg4[%dma_start3A_82] : memref<16384xf32, #tpu.memory_space<hbm>> -> memref<2048xf32, #tpu.memory_space<hbm>>
      %dma_start3A_84 = arith.constant 14336 : i32
      %dma_start3A_85 = tpu.memref_slice %arg4[%dma_start3A_84] : memref<16384xf32, #tpu.memory_space<hbm>> -> memref<2048xf32, #tpu.memory_space<hbm>>
      tpu.enqueue_dma source(%dma_start3A_85 : memref<2048xf32, #tpu.memory_space<hbm>>) target(%arg11 : memref<2048xf32, #tpu.memory_space<vmem>>) target_semaphore(%run_scoped3A : memref<!tpu.dma_semaphore, #tpu.memory_space<semaphore_mem>>)
      %dma_wait3A_86 = arith.constant 14336 : i32
      %dma_wait3A_87 = tpu.memref_slice %arg4[%dma_wait3A_86] : memref<16384xf32, #tpu.memory_space<hbm>> -> memref<2048xf32, #tpu.memory_space<hbm>>
      %dma_wait3A_88 = arith.constant 14336 : i32
      %dma_wait3A_89 = tpu.memref_slice %arg4[%dma_wait3A_88] : memref<16384xf32, #tpu.memory_space<hbm>> -> memref<2048xf32, #tpu.memory_space<hbm>>
      tpu.wait_dma2 semaphore(%run_scoped3A : memref<!tpu.dma_semaphore, #tpu.memory_space<semaphore_mem>>) src(%dma_wait3A_89 : memref<2048xf32, #tpu.memory_space<hbm>>) dst(%arg11 : memref<2048xf32, #tpu.memory_space<vmem>>)
      tpu.yield
    }) : () -> ()
    %scan3A_60 = arith.constant 0 : i32
    %scan3A_61 = arith.constant 0 : i32
    %scan3A_62 = arith.constant 128 : i32
    %scan3A_63 = arith.addi %scan3A_61, %scan3A_62 : i32
    %scan3A_64 = arith.constant 1 : i32
    scf.for %scan3A_82 = %scan3A_61 to %scan3A_63 step %scan3A_64  : i32 {
      %mul3A_83 = arith.constant 16 : i32
      %mul3A_84 = arith.muli %scan3A_82, %mul3A_83 : i32
      %add3A_85 = arith.constant 14336 : i32
      %add3A_86 = arith.addi %add3A_85, %mul3A_84 : i32
      %iota3A = tpu.iota {dimensions = array<i32: 0>} : vector<16xi32>
      %add3A_87 = vector.broadcast %add3A_86 : i32 to vector<16xi32>
      %add3A_88 = arith.addi %iota3A, %add3A_87 : vector<16xi32>
      %mul3A_89 = arith.constant 16 : i32
      %mul3A_90 = arith.muli %scan3A_82, %mul3A_89 : i32
      %get3A = arith.index_cast %mul3A_90 : i32 to index
      %get3A_91 = tpu.vector_load %arg10[%get3A] {strides = array<i32>} : memref<2048xi32, #tpu.memory_space<vmem>>, vector<16xi32>,
      %mul3A_92 = arith.constant 16 : i32
      %mul3A_93 = arith.muli %scan3A_82, %mul3A_92 : i32
      %get3A_94 = arith.index_cast %mul3A_93 : i32 to index
      %get3A_95 = tpu.vector_load %arg11[%get3A_94] {strides = array<i32>} : memref<2048xf32, #tpu.memory_space<vmem>>, vector<16xf32>,
      %gt3A = arith.constant 0.000000e+00 : f32
      %gt3A_96 = vector.broadcast %gt3A : f32 to vector<16xf32>
      %gt3A_97 = arith.cmpf ogt, %get3A_95, %gt3A_96 : vector<16xf32>
      %shift_right_logical3A = arith.constant 6 : i32
      %shift_right_logical3A_98 = vector.broadcast %shift_right_logical3A : i32 to vector<16xi32>
      %shift_right_logical3A_99 = arith.shrui %get3A_91, %shift_right_logical3A_98 : vector<16xi32>
      %eq3A = vector.broadcast %add3A : i32 to vector<16xi32>
      %eq3A_100 = arith.cmpi eq, %shift_right_logical3A_99, %eq3A : vector<16xi32>
      %and3A = arith.andi %gt3A_97, %eq3A_100 : vector<16xi1>
      %and3A_101 = arith.constant 63 : i32
      %and3A_102 = vector.broadcast %and3A_101 : i32 to vector<16xi32>
      %and3A_103 = arith.andi %get3A_91, %and3A_102 : vector<16xi32>
      %shift_right_logical3A_104 = arith.constant 8 : i32
      %shift_right_logical3A_105 = vector.broadcast %shift_right_logical3A_104 : i32 to vector<16xi32>
      %shift_right_logical3A_106 = arith.shrui %add3A_88, %shift_right_logical3A_105 : vector<16xi32>
      %gather3A = tpu.vector_load_idx %arg7[%and3A_103] : memref<64xi32, #tpu.memory_space<vmem>>[vector<16xi32>], vector<16xi32>,
      %eq3A_107 = arith.cmpi eq, %gather3A, %shift_right_logical3A_106 : vector<16xi32>
      %and3A_108 = arith.andi %and3A, %eq3A_107 : vector<16xi1>
      %ne3A = arith.cmpi ne, %gather3A, %shift_right_logical3A_106 : vector<16xi32>
      %and3A_109 = arith.andi %and3A, %ne3A : vector<16xi1>
      tpu.vector_store_idx %arg8[%and3A_103], %add3A_88 masked %and3A_108 : memref<64xi32, #tpu.memory_space<vmem>>[vector<16xi32>], vector<16xi32>, vector<16xi1>
      tpu.vector_store_idx %arg9[%and3A_103], %add3A_88 masked %and3A_109 : memref<64xi32, #tpu.memory_space<vmem>>[vector<16xi32>], vector<16xi32>, vector<16xi1>
    }
    %scan3A_65 = arith.constant 128 : i32
    %dma_start3A = arith.constant 0 : i32
    %dma_start3A_66 = arith.constant 0 : i32
    %dma_start3A_67 = tpu.memref_slice %arg2[%dma_start3A, %dma_start3A_66] : memref<16384x768xf32, #tpu.memory_space<hbm>> -> memref<16384x768xf32, #tpu.memory_space<hbm>>
    tpu.enqueue_indirect_dma source(%dma_start3A_67 : memref<16384x768xf32, #tpu.memory_space<hbm>>) target(%arg12 : memref<64x768xf32, #tpu.memory_space<vmem>>) offsets(%arg8 : memref<64xi32, #tpu.memory_space<vmem>>) semaphore(%arg14 : memref<!tpu.dma_semaphore, #tpu.memory_space<semaphore_mem>>)
    %dma_wait3A = arith.constant 0 : i32
    %dma_wait3A_68 = arith.constant 0 : i32
    %dma_wait3A_69 = tpu.memref_slice %arg2[%dma_wait3A, %dma_wait3A_68] : memref<16384x768xf32, #tpu.memory_space<hbm>> -> memref<16384x768xf32, #tpu.memory_space<hbm>>
    tpu.wait_indirect_dma semaphore(%arg14 : memref<!tpu.dma_semaphore, #tpu.memory_space<semaphore_mem>>) src(%dma_wait3A_69 : memref<16384x768xf32, #tpu.memory_space<hbm>>) dst(%arg12 : memref<64x768xf32, #tpu.memory_space<vmem>>)
    %dma_start3A_70 = arith.constant 0 : i32
    %dma_start3A_71 = arith.constant 0 : i32
    %dma_start3A_72 = tpu.memref_slice %arg2[%dma_start3A_70, %dma_start3A_71] : memref<16384x768xf32, #tpu.memory_space<hbm>> -> memref<16384x768xf32, #tpu.memory_space<hbm>>
    tpu.enqueue_indirect_dma source(%dma_start3A_72 : memref<16384x768xf32, #tpu.memory_space<hbm>>) target(%arg13 : memref<64x768xf32, #tpu.memory_space<vmem>>) offsets(%arg9 : memref<64xi32, #tpu.memory_space<vmem>>) semaphore(%arg14 : memref<!tpu.dma_semaphore, #tpu.memory_space<semaphore_mem>>)
    %dma_wait3A_73 = arith.constant 0 : i32
    %dma_wait3A_74 = arith.constant 0 : i32
    %dma_wait3A_75 = tpu.memref_slice %arg2[%dma_wait3A_73, %dma_wait3A_74] : memref<16384x768xf32, #tpu.memory_space<hbm>> -> memref<16384x768xf32, #tpu.memory_space<hbm>>
    tpu.wait_indirect_dma semaphore(%arg14 : memref<!tpu.dma_semaphore, #tpu.memory_space<semaphore_mem>>) src(%dma_wait3A_75 : memref<16384x768xf32, #tpu.memory_space<hbm>>) dst(%arg13 : memref<64x768xf32, #tpu.memory_space<vmem>>)
    %scan3A_76 = arith.constant 0 : i32
    %scan3A_77 = arith.constant 0 : i32
    %scan3A_78 = arith.constant 64 : i32
    %scan3A_79 = arith.addi %scan3A_77, %scan3A_78 : i32
    %scan3A_80 = arith.constant 1 : i32
    scf.for %scan3A_82 = %scan3A_77 to %scan3A_79 step %scan3A_80  : i32 {
      %get3A = arith.index_cast %scan3A_82 : i32 to index
      %get3A_83 = arith.constant 0 : index
      %get3A_84 = tpu.vector_load %arg12[%get3A, %get3A_83] {strides = array<i32>} : memref<64x768xf32, #tpu.memory_space<vmem>>, vector<16xf32>,
      %get3A_85 = arith.index_cast %scan3A_82 : i32 to index
      %get3A_86 = arith.constant 0 : index
      %get3A_87 = tpu.vector_load %arg13[%get3A_85, %get3A_86] {strides = array<i32>} : memref<64x768xf32, #tpu.memory_space<vmem>>, vector<16xf32>,
      %add3A_88 = arith.addf %get3A_84, %get3A_87 : vector<16xf32>
      %swap3A_89 = arith.index_cast %scan3A_82 : i32 to index
      %swap3A_90 = arith.constant 0 : index
      %swap3A_91 = tpu.vector_load %arg12[%swap3A_89, %swap3A_90] {strides = array<i32>} : memref<64x768xf32, #tpu.memory_space<vmem>>, vector<16xf32>,
      tpu.vector_store %arg12[%swap3A_89, %swap3A_90], %add3A_88 {strides = array<i32>} : memref<64x768xf32, #tpu.memory_space<vmem>>, vector<16xf32>,
      %get3A_92 = arith.index_cast %scan3A_82 : i32 to index
      %get3A_93 = arith.constant 16 : index
      %get3A_94 = tpu.vector_load %arg12[%get3A_92, %get3A_93] {strides = array<i32>} : memref<64x768xf32, #tpu.memory_space<vmem>>, vector<16xf32>,
      %get3A_95 = arith.index_cast %scan3A_82 : i32 to index
      %get3A_96 = arith.constant 16 : index
      %get3A_97 = tpu.vector_load %arg13[%get3A_95, %get3A_96] {strides = array<i32>} : memref<64x768xf32, #tpu.memory_space<vmem>>, vector<16xf32>,
      %add3A_98 = arith.addf %get3A_94, %get3A_97 : vector<16xf32>
      %swap3A_99 = arith.index_cast %scan3A_82 : i32 to index
      %swap3A_100 = arith.constant 16 : index
      %swap3A_101 = tpu.vector_load %arg12[%swap3A_99, %swap3A_100] {strides = array<i32>} : memref<64x768xf32, #tpu.memory_space<vmem>>, vector<16xf32>,
      tpu.vector_store %arg12[%swap3A_99, %swap3A_100], %add3A_98 {strides = array<i32>} : memref<64x768xf32, #tpu.memory_space<vmem>>, vector<16xf32>,
      %get3A_102 = arith.index_cast %scan3A_82 : i32 to index
      %get3A_103 = arith.constant 32 : index
      %get3A_104 = tpu.vector_load %arg12[%get3A_102, %get3A_103] {strides = array<i32>} : memref<64x768xf32, #tpu.memory_space<vmem>>, vector<16xf32>,
      %get3A_105 = arith.index_cast %scan3A_82 : i32 to index
      %get3A_106 = arith.constant 32 : index
      %get3A_107 = tpu.vector_load %arg13[%get3A_105, %get3A_106] {strides = array<i32>} : memref<64x768xf32, #tpu.memory_space<vmem>>, vector<16xf32>,
      %add3A_108 = arith.addf %get3A_104, %get3A_107 : vector<16xf32>
      %swap3A_109 = arith.index_cast %scan3A_82 : i32 to index
      %swap3A_110 = arith.constant 32 : index
      %swap3A_111 = tpu.vector_load %arg12[%swap3A_109, %swap3A_110] {strides = array<i32>} : memref<64x768xf32, #tpu.memory_space<vmem>>, vector<16xf32>,
      tpu.vector_store %arg12[%swap3A_109, %swap3A_110], %add3A_108 {strides = array<i32>} : memref<64x768xf32, #tpu.memory_space<vmem>>, vector<16xf32>,
      %get3A_112 = arith.index_cast %scan3A_82 : i32 to index
      %get3A_113 = arith.constant 48 : index
      %get3A_114 = tpu.vector_load %arg12[%get3A_112, %get3A_113] {strides = array<i32>} : memref<64x768xf32, #tpu.memory_space<vmem>>, vector<16xf32>,
      %get3A_115 = arith.index_cast %scan3A_82 : i32 to index
      %get3A_116 = arith.constant 48 : index
      %get3A_117 = tpu.vector_load %arg13[%get3A_115, %get3A_116] {strides = array<i32>} : memref<64x768xf32, #tpu.memory_space<vmem>>, vector<16xf32>,
      %add3A_118 = arith.addf %get3A_114, %get3A_117 : vector<16xf32>
      %swap3A_119 = arith.index_cast %scan3A_82 : i32 to index
      %swap3A_120 = arith.constant 48 : index
      %swap3A_121 = tpu.vector_load %arg12[%swap3A_119, %swap3A_120] {strides = array<i32>} : memref<64x768xf32, #tpu.memory_space<vmem>>, vector<16xf32>,
      tpu.vector_store %arg12[%swap3A_119, %swap3A_120], %add3A_118 {strides = array<i32>} : memref<64x768xf32, #tpu.memory_space<vmem>>, vector<16xf32>,
      %get3A_122 = arith.index_cast %scan3A_82 : i32 to index
      %get3A_123 = arith.constant 64 : index
      %get3A_124 = tpu.vector_load %arg12[%get3A_122, %get3A_123] {strides = array<i32>} : memref<64x768xf32, #tpu.memory_space<vmem>>, vector<16xf32>,
      %get3A_125 = arith.index_cast %scan3A_82 : i32 to index
      %get3A_126 = arith.constant 64 : index
      %get3A_127 = tpu.vector_load %arg13[%get3A_125, %get3A_126] {strides = array<i32>} : memref<64x768xf32, #tpu.memory_space<vmem>>, vector<16xf32>,
      %add3A_128 = arith.addf %get3A_124, %get3A_127 : vector<16xf32>
      %swap3A_129 = arith.index_cast %scan3A_82 : i32 to index
      %swap3A_130 = arith.constant 64 : index
      %swap3A_131 = tpu.vector_load %arg12[%swap3A_129, %swap3A_130] {strides = array<i32>} : memref<64x768xf32, #tpu.memory_space<vmem>>, vector<16xf32>,
      tpu.vector_store %arg12[%swap3A_129, %swap3A_130], %add3A_128 {strides = array<i32>} : memref<64x768xf32, #tpu.memory_space<vmem>>, vector<16xf32>,
      %get3A_132 = arith.index_cast %scan3A_82 : i32 to index
      %get3A_133 = arith.constant 80 : index
      %get3A_134 = tpu.vector_load %arg12[%get3A_132, %get3A_133] {strides = array<i32>} : memref<64x768xf32, #tpu.memory_space<vmem>>, vector<16xf32>,
      %get3A_135 = arith.index_cast %scan3A_82 : i32 to index
      %get3A_136 = arith.constant 80 : index
      %get3A_137 = tpu.vector_load %arg13[%get3A_135, %get3A_136] {strides = array<i32>} : memref<64x768xf32, #tpu.memory_space<vmem>>, vector<16xf32>,
      %add3A_138 = arith.addf %get3A_134, %get3A_137 : vector<16xf32>
      %swap3A_139 = arith.index_cast %scan3A_82 : i32 to index
      %swap3A_140 = arith.constant 80 : index
      %swap3A_141 = tpu.vector_load %arg12[%swap3A_139, %swap3A_140] {strides = array<i32>} : memref<64x768xf32, #tpu.memory_space<vmem>>, vector<16xf32>,
      tpu.vector_store %arg12[%swap3A_139, %swap3A_140], %add3A_138 {strides = array<i32>} : memref<64x768xf32, #tpu.memory_space<vmem>>, vector<16xf32>,
      %get3A_142 = arith.index_cast %scan3A_82 : i32 to index
      %get3A_143 = arith.constant 96 : index
      %get3A_144 = tpu.vector_load %arg12[%get3A_142, %get3A_143] {strides = array<i32>} : memref<64x768xf32, #tpu.memory_space<vmem>>, vector<16xf32>,
      %get3A_145 = arith.index_cast %scan3A_82 : i32 to index
      %get3A_146 = arith.constant 96 : index
      %get3A_147 = tpu.vector_load %arg13[%get3A_145, %get3A_146] {strides = array<i32>} : memref<64x768xf32, #tpu.memory_space<vmem>>, vector<16xf32>,
      %add3A_148 = arith.addf %get3A_144, %get3A_147 : vector<16xf32>
      %swap3A_149 = arith.index_cast %scan3A_82 : i32 to index
      %swap3A_150 = arith.constant 96 : index
      %swap3A_151 = tpu.vector_load %arg12[%swap3A_149, %swap3A_150] {strides = array<i32>} : memref<64x768xf32, #tpu.memory_space<vmem>>, vector<16xf32>,
      tpu.vector_store %arg12[%swap3A_149, %swap3A_150], %add3A_148 {strides = array<i32>} : memref<64x768xf32, #tpu.memory_space<vmem>>, vector<16xf32>,
      %get3A_152 = arith.index_cast %scan3A_82 : i32 to index
      %get3A_153 = arith.constant 112 : index
      %get3A_154 = tpu.vector_load %arg12[%get3A_152, %get3A_153] {strides = array<i32>} : memref<64x768xf32, #tpu.memory_space<vmem>>, vector<16xf32>,
      %get3A_155 = arith.index_cast %scan3A_82 : i32 to index
      %get3A_156 = arith.constant 112 : index
      %get3A_157 = tpu.vector_load %arg13[%get3A_155, %get3A_156] {strides = array<i32>} : memref<64x768xf32, #tpu.memory_space<vmem>>, vector<16xf32>,
      %add3A_158 = arith.addf %get3A_154, %get3A_157 : vector<16xf32>
      %swap3A_159 = arith.index_cast %scan3A_82 : i32 to index
      %swap3A_160 = arith.constant 112 : index
      %swap3A_161 = tpu.vector_load %arg12[%swap3A_159, %swap3A_160] {strides = array<i32>} : memref<64x768xf32, #tpu.memory_space<vmem>>, vector<16xf32>,
      tpu.vector_store %arg12[%swap3A_159, %swap3A_160], %add3A_158 {strides = array<i32>} : memref<64x768xf32, #tpu.memory_space<vmem>>, vector<16xf32>,
      %get3A_162 = arith.index_cast %scan3A_82 : i32 to index
      %get3A_163 = arith.constant 128 : index
      %get3A_164 = tpu.vector_load %arg12[%get3A_162, %get3A_163] {strides = array<i32>} : memref<64x768xf32, #tpu.memory_space<vmem>>, vector<16xf32>,
      %get3A_165 = arith.index_cast %scan3A_82 : i32 to index
      %get3A_166 = arith.constant 128 : index
      %get3A_167 = tpu.vector_load %arg13[%get3A_165, %get3A_166] {strides = array<i32>} : memref<64x768xf32, #tpu.memory_space<vmem>>, vector<16xf32>,
      %add3A_168 = arith.addf %get3A_164, %get3A_167 : vector<16xf32>
      %swap3A_169 = arith.index_cast %scan3A_82 : i32 to index
      %swap3A_170 = arith.constant 128 : index
      %swap3A_171 = tpu.vector_load %arg12[%swap3A_169, %swap3A_170] {strides = array<i32>} : memref<64x768xf32, #tpu.memory_space<vmem>>, vector<16xf32>,
      tpu.vector_store %arg12[%swap3A_169, %swap3A_170], %add3A_168 {strides = array<i32>} : memref<64x768xf32, #tpu.memory_space<vmem>>, vector<16xf32>,
      %get3A_172 = arith.index_cast %scan3A_82 : i32 to index
      %get3A_173 = arith.constant 144 : index
      %get3A_174 = tpu.vector_load %arg12[%get3A_172, %get3A_173] {strides = array<i32>} : memref<64x768xf32, #tpu.memory_space<vmem>>, vector<16xf32>,
      %get3A_175 = arith.index_cast %scan3A_82 : i32 to index
      %get3A_176 = arith.constant 144 : index
      %get3A_177 = tpu.vector_load %arg13[%get3A_175, %get3A_176] {strides = array<i32>} : memref<64x768xf32, #tpu.memory_space<vmem>>, vector<16xf32>,
      %add3A_178 = arith.addf %get3A_174, %get3A_177 : vector<16xf32>
      %swap3A_179 = arith.index_cast %scan3A_82 : i32 to index
      %swap3A_180 = arith.constant 144 : index
      %swap3A_181 = tpu.vector_load %arg12[%swap3A_179, %swap3A_180] {strides = array<i32>} : memref<64x768xf32, #tpu.memory_space<vmem>>, vector<16xf32>,
      tpu.vector_store %arg12[%swap3A_179, %swap3A_180], %add3A_178 {strides = array<i32>} : memref<64x768xf32, #tpu.memory_space<vmem>>, vector<16xf32>,
      %get3A_182 = arith.index_cast %scan3A_82 : i32 to index
      %get3A_183 = arith.constant 160 : index
      %get3A_184 = tpu.vector_load %arg12[%get3A_182, %get3A_183] {strides = array<i32>} : memref<64x768xf32, #tpu.memory_space<vmem>>, vector<16xf32>,
      %get3A_185 = arith.index_cast %scan3A_82 : i32 to index
      %get3A_186 = arith.constant 160 : index
      %get3A_187 = tpu.vector_load %arg13[%get3A_185, %get3A_186] {strides = array<i32>} : memref<64x768xf32, #tpu.memory_space<vmem>>, vector<16xf32>,
      %add3A_188 = arith.addf %get3A_184, %get3A_187 : vector<16xf32>
      %swap3A_189 = arith.index_cast %scan3A_82 : i32 to index
      %swap3A_190 = arith.constant 160 : index
      %swap3A_191 = tpu.vector_load %arg12[%swap3A_189, %swap3A_190] {strides = array<i32>} : memref<64x768xf32, #tpu.memory_space<vmem>>, vector<16xf32>,
      tpu.vector_store %arg12[%swap3A_189, %swap3A_190], %add3A_188 {strides = array<i32>} : memref<64x768xf32, #tpu.memory_space<vmem>>, vector<16xf32>,
      %get3A_192 = arith.index_cast %scan3A_82 : i32 to index
      %get3A_193 = arith.constant 176 : index
      %get3A_194 = tpu.vector_load %arg12[%get3A_192, %get3A_193] {strides = array<i32>} : memref<64x768xf32, #tpu.memory_space<vmem>>, vector<16xf32>,
      %get3A_195 = arith.index_cast %scan3A_82 : i32 to index
      %get3A_196 = arith.constant 176 : index
      %get3A_197 = tpu.vector_load %arg13[%get3A_195, %get3A_196] {strides = array<i32>} : memref<64x768xf32, #tpu.memory_space<vmem>>, vector<16xf32>,
      %add3A_198 = arith.addf %get3A_194, %get3A_197 : vector<16xf32>
      %swap3A_199 = arith.index_cast %scan3A_82 : i32 to index
      %swap3A_200 = arith.constant 176 : index
      %swap3A_201 = tpu.vector_load %arg12[%swap3A_199, %swap3A_200] {strides = array<i32>} : memref<64x768xf32, #tpu.memory_space<vmem>>, vector<16xf32>,
      tpu.vector_store %arg12[%swap3A_199, %swap3A_200], %add3A_198 {strides = array<i32>} : memref<64x768xf32, #tpu.memory_space<vmem>>, vector<16xf32>,
      %get3A_202 = arith.index_cast %scan3A_82 : i32 to index
      %get3A_203 = arith.constant 192 : index
      %get3A_204 = tpu.vector_load %arg12[%get3A_202, %get3A_203] {strides = array<i32>} : memref<64x768xf32, #tpu.memory_space<vmem>>, vector<16xf32>,
      %get3A_205 = arith.index_cast %scan3A_82 : i32 to index
      %get3A_206 = arith.constant 192 : index
      %get3A_207 = tpu.vector_load %arg13[%get3A_205, %get3A_206] {strides = array<i32>} : memref<64x768xf32, #tpu.memory_space<vmem>>, vector<16xf32>,
      %add3A_208 = arith.addf %get3A_204, %get3A_207 : vector<16xf32>
      %swap3A_209 = arith.index_cast %scan3A_82 : i32 to index
      %swap3A_210 = arith.constant 192 : index
      %swap3A_211 = tpu.vector_load %arg12[%swap3A_209, %swap3A_210] {strides = array<i32>} : memref<64x768xf32, #tpu.memory_space<vmem>>, vector<16xf32>,
      tpu.vector_store %arg12[%swap3A_209, %swap3A_210], %add3A_208 {strides = array<i32>} : memref<64x768xf32, #tpu.memory_space<vmem>>, vector<16xf32>,
      %get3A_212 = arith.index_cast %scan3A_82 : i32 to index
      %get3A_213 = arith.constant 208 : index
      %get3A_214 = tpu.vector_load %arg12[%get3A_212, %get3A_213] {strides = array<i32>} : memref<64x768xf32, #tpu.memory_space<vmem>>, vector<16xf32>,
      %get3A_215 = arith.index_cast %scan3A_82 : i32 to index
      %get3A_216 = arith.constant 208 : index
      %get3A_217 = tpu.vector_load %arg13[%get3A_215, %get3A_216] {strides = array<i32>} : memref<64x768xf32, #tpu.memory_space<vmem>>, vector<16xf32>,
      %add3A_218 = arith.addf %get3A_214, %get3A_217 : vector<16xf32>
      %swap3A_219 = arith.index_cast %scan3A_82 : i32 to index
      %swap3A_220 = arith.constant 208 : index
      %swap3A_221 = tpu.vector_load %arg12[%swap3A_219, %swap3A_220] {strides = array<i32>} : memref<64x768xf32, #tpu.memory_space<vmem>>, vector<16xf32>,
      tpu.vector_store %arg12[%swap3A_219, %swap3A_220], %add3A_218 {strides = array<i32>} : memref<64x768xf32, #tpu.memory_space<vmem>>, vector<16xf32>,
      %get3A_222 = arith.index_cast %scan3A_82 : i32 to index
      %get3A_223 = arith.constant 224 : index
      %get3A_224 = tpu.vector_load %arg12[%get3A_222, %get3A_223] {strides = array<i32>} : memref<64x768xf32, #tpu.memory_space<vmem>>, vector<16xf32>,
      %get3A_225 = arith.index_cast %scan3A_82 : i32 to index
      %get3A_226 = arith.constant 224 : index
      %get3A_227 = tpu.vector_load %arg13[%get3A_225, %get3A_226] {strides = array<i32>} : memref<64x768xf32, #tpu.memory_space<vmem>>, vector<16xf32>,
      %add3A_228 = arith.addf %get3A_224, %get3A_227 : vector<16xf32>
      %swap3A_229 = arith.index_cast %scan3A_82 : i32 to index
      %swap3A_230 = arith.constant 224 : index
      %swap3A_231 = tpu.vector_load %arg12[%swap3A_229, %swap3A_230] {strides = array<i32>} : memref<64x768xf32, #tpu.memory_space<vmem>>, vector<16xf32>,
      tpu.vector_store %arg12[%swap3A_229, %swap3A_230], %add3A_228 {strides = array<i32>} : memref<64x768xf32, #tpu.memory_space<vmem>>, vector<16xf32>,
      %get3A_232 = arith.index_cast %scan3A_82 : i32 to index
      %get3A_233 = arith.constant 240 : index
      %get3A_234 = tpu.vector_load %arg12[%get3A_232, %get3A_233] {strides = array<i32>} : memref<64x768xf32, #tpu.memory_space<vmem>>, vector<16xf32>,
      %get3A_235 = arith.index_cast %scan3A_82 : i32 to index
      %get3A_236 = arith.constant 240 : index
      %get3A_237 = tpu.vector_load %arg13[%get3A_235, %get3A_236] {strides = array<i32>} : memref<64x768xf32, #tpu.memory_space<vmem>>, vector<16xf32>,
      %add3A_238 = arith.addf %get3A_234, %get3A_237 : vector<16xf32>
      %swap3A_239 = arith.index_cast %scan3A_82 : i32 to index
      %swap3A_240 = arith.constant 240 : index
      %swap3A_241 = tpu.vector_load %arg12[%swap3A_239, %swap3A_240] {strides = array<i32>} : memref<64x768xf32, #tpu.memory_space<vmem>>, vector<16xf32>,
      tpu.vector_store %arg12[%swap3A_239, %swap3A_240], %add3A_238 {strides = array<i32>} : memref<64x768xf32, #tpu.memory_space<vmem>>, vector<16xf32>,
      %get3A_242 = arith.index_cast %scan3A_82 : i32 to index
      %get3A_243 = arith.constant 256 : index
      %get3A_244 = tpu.vector_load %arg12[%get3A_242, %get3A_243] {strides = array<i32>} : memref<64x768xf32, #tpu.memory_space<vmem>>, vector<16xf32>,
      %get3A_245 = arith.index_cast %scan3A_82 : i32 to index
      %get3A_246 = arith.constant 256 : index
      %get3A_247 = tpu.vector_load %arg13[%get3A_245, %get3A_246] {strides = array<i32>} : memref<64x768xf32, #tpu.memory_space<vmem>>, vector<16xf32>,
      %add3A_248 = arith.addf %get3A_244, %get3A_247 : vector<16xf32>
      %swap3A_249 = arith.index_cast %scan3A_82 : i32 to index
      %swap3A_250 = arith.constant 256 : index
      %swap3A_251 = tpu.vector_load %arg12[%swap3A_249, %swap3A_250] {strides = array<i32>} : memref<64x768xf32, #tpu.memory_space<vmem>>, vector<16xf32>,
      tpu.vector_store %arg12[%swap3A_249, %swap3A_250], %add3A_248 {strides = array<i32>} : memref<64x768xf32, #tpu.memory_space<vmem>>, vector<16xf32>,
      %get3A_252 = arith.index_cast %scan3A_82 : i32 to index
      %get3A_253 = arith.constant 272 : index
      %get3A_254 = tpu.vector_load %arg12[%get3A_252, %get3A_253] {strides = array<i32>} : memref<64x768xf32, #tpu.memory_space<vmem>>, vector<16xf32>,
      %get3A_255 = arith.index_cast %scan3A_82 : i32 to index
      %get3A_256 = arith.constant 272 : index
      %get3A_257 = tpu.vector_load %arg13[%get3A_255, %get3A_256] {strides = array<i32>} : memref<64x768xf32, #tpu.memory_space<vmem>>, vector<16xf32>,
      %add3A_258 = arith.addf %get3A_254, %get3A_257 : vector<16xf32>
      %swap3A_259 = arith.index_cast %scan3A_82 : i32 to index
      %swap3A_260 = arith.constant 272 : index
      %swap3A_261 = tpu.vector_load %arg12[%swap3A_259, %swap3A_260] {strides = array<i32>} : memref<64x768xf32, #tpu.memory_space<vmem>>, vector<16xf32>,
      tpu.vector_store %arg12[%swap3A_259, %swap3A_260], %add3A_258 {strides = array<i32>} : memref<64x768xf32, #tpu.memory_space<vmem>>, vector<16xf32>,
      %get3A_262 = arith.index_cast %scan3A_82 : i32 to index
      %get3A_263 = arith.constant 288 : index
      %get3A_264 = tpu.vector_load %arg12[%get3A_262, %get3A_263] {strides = array<i32>} : memref<64x768xf32, #tpu.memory_space<vmem>>, vector<16xf32>,
      %get3A_265 = arith.index_cast %scan3A_82 : i32 to index
      %get3A_266 = arith.constant 288 : index
      %get3A_267 = tpu.vector_load %arg13[%get3A_265, %get3A_266] {strides = array<i32>} : memref<64x768xf32, #tpu.memory_space<vmem>>, vector<16xf32>,
      %add3A_268 = arith.addf %get3A_264, %get3A_267 : vector<16xf32>
      %swap3A_269 = arith.index_cast %scan3A_82 : i32 to index
      %swap3A_270 = arith.constant 288 : index
      %swap3A_271 = tpu.vector_load %arg12[%swap3A_269, %swap3A_270] {strides = array<i32>} : memref<64x768xf32, #tpu.memory_space<vmem>>, vector<16xf32>,
      tpu.vector_store %arg12[%swap3A_269, %swap3A_270], %add3A_268 {strides = array<i32>} : memref<64x768xf32, #tpu.memory_space<vmem>>, vector<16xf32>,
      %get3A_272 = arith.index_cast %scan3A_82 : i32 to index
      %get3A_273 = arith.constant 304 : index
      %get3A_274 = tpu.vector_load %arg12[%get3A_272, %get3A_273] {strides = array<i32>} : memref<64x768xf32, #tpu.memory_space<vmem>>, vector<16xf32>,
      %get3A_275 = arith.index_cast %scan3A_82 : i32 to index
      %get3A_276 = arith.constant 304 : index
      %get3A_277 = tpu.vector_load %arg13[%get3A_275, %get3A_276] {strides = array<i32>} : memref<64x768xf32, #tpu.memory_space<vmem>>, vector<16xf32>,
      %add3A_278 = arith.addf %get3A_274, %get3A_277 : vector<16xf32>
      %swap3A_279 = arith.index_cast %scan3A_82 : i32 to index
      %swap3A_280 = arith.constant 304 : index
      %swap3A_281 = tpu.vector_load %arg12[%swap3A_279, %swap3A_280] {strides = array<i32>} : memref<64x768xf32, #tpu.memory_space<vmem>>, vector<16xf32>,
      tpu.vector_store %arg12[%swap3A_279, %swap3A_280], %add3A_278 {strides = array<i32>} : memref<64x768xf32, #tpu.memory_space<vmem>>, vector<16xf32>,
      %get3A_282 = arith.index_cast %scan3A_82 : i32 to index
      %get3A_283 = arith.constant 320 : index
      %get3A_284 = tpu.vector_load %arg12[%get3A_282, %get3A_283] {strides = array<i32>} : memref<64x768xf32, #tpu.memory_space<vmem>>, vector<16xf32>,
      %get3A_285 = arith.index_cast %scan3A_82 : i32 to index
      %get3A_286 = arith.constant 320 : index
      %get3A_287 = tpu.vector_load %arg13[%get3A_285, %get3A_286] {strides = array<i32>} : memref<64x768xf32, #tpu.memory_space<vmem>>, vector<16xf32>,
      %add3A_288 = arith.addf %get3A_284, %get3A_287 : vector<16xf32>
      %swap3A_289 = arith.index_cast %scan3A_82 : i32 to index
      %swap3A_290 = arith.constant 320 : index
      %swap3A_291 = tpu.vector_load %arg12[%swap3A_289, %swap3A_290] {strides = array<i32>} : memref<64x768xf32, #tpu.memory_space<vmem>>, vector<16xf32>,
      tpu.vector_store %arg12[%swap3A_289, %swap3A_290], %add3A_288 {strides = array<i32>} : memref<64x768xf32, #tpu.memory_space<vmem>>, vector<16xf32>,
      %get3A_292 = arith.index_cast %scan3A_82 : i32 to index
      %get3A_293 = arith.constant 336 : index
      %get3A_294 = tpu.vector_load %arg12[%get3A_292, %get3A_293] {strides = array<i32>} : memref<64x768xf32, #tpu.memory_space<vmem>>, vector<16xf32>,
      %get3A_295 = arith.index_cast %scan3A_82 : i32 to index
      %get3A_296 = arith.constant 336 : index
      %get3A_297 = tpu.vector_load %arg13[%get3A_295, %get3A_296] {strides = array<i32>} : memref<64x768xf32, #tpu.memory_space<vmem>>, vector<16xf32>,
      %add3A_298 = arith.addf %get3A_294, %get3A_297 : vector<16xf32>
      %swap3A_299 = arith.index_cast %scan3A_82 : i32 to index
      %swap3A_300 = arith.constant 336 : index
      %swap3A_301 = tpu.vector_load %arg12[%swap3A_299, %swap3A_300] {strides = array<i32>} : memref<64x768xf32, #tpu.memory_space<vmem>>, vector<16xf32>,
      tpu.vector_store %arg12[%swap3A_299, %swap3A_300], %add3A_298 {strides = array<i32>} : memref<64x768xf32, #tpu.memory_space<vmem>>, vector<16xf32>,
      %get3A_302 = arith.index_cast %scan3A_82 : i32 to index
      %get3A_303 = arith.constant 352 : index
      %get3A_304 = tpu.vector_load %arg12[%get3A_302, %get3A_303] {strides = array<i32>} : memref<64x768xf32, #tpu.memory_space<vmem>>, vector<16xf32>,
      %get3A_305 = arith.index_cast %scan3A_82 : i32 to index
      %get3A_306 = arith.constant 352 : index
      %get3A_307 = tpu.vector_load %arg13[%get3A_305, %get3A_306] {strides = array<i32>} : memref<64x768xf32, #tpu.memory_space<vmem>>, vector<16xf32>,
      %add3A_308 = arith.addf %get3A_304, %get3A_307 : vector<16xf32>
      %swap3A_309 = arith.index_cast %scan3A_82 : i32 to index
      %swap3A_310 = arith.constant 352 : index
      %swap3A_311 = tpu.vector_load %arg12[%swap3A_309, %swap3A_310] {strides = array<i32>} : memref<64x768xf32, #tpu.memory_space<vmem>>, vector<16xf32>,
      tpu.vector_store %arg12[%swap3A_309, %swap3A_310], %add3A_308 {strides = array<i32>} : memref<64x768xf32, #tpu.memory_space<vmem>>, vector<16xf32>,
      %get3A_312 = arith.index_cast %scan3A_82 : i32 to index
      %get3A_313 = arith.constant 368 : index
      %get3A_314 = tpu.vector_load %arg12[%get3A_312, %get3A_313] {strides = array<i32>} : memref<64x768xf32, #tpu.memory_space<vmem>>, vector<16xf32>,
      %get3A_315 = arith.index_cast %scan3A_82 : i32 to index
      %get3A_316 = arith.constant 368 : index
      %get3A_317 = tpu.vector_load %arg13[%get3A_315, %get3A_316] {strides = array<i32>} : memref<64x768xf32, #tpu.memory_space<vmem>>, vector<16xf32>,
      %add3A_318 = arith.addf %get3A_314, %get3A_317 : vector<16xf32>
      %swap3A_319 = arith.index_cast %scan3A_82 : i32 to index
      %swap3A_320 = arith.constant 368 : index
      %swap3A_321 = tpu.vector_load %arg12[%swap3A_319, %swap3A_320] {strides = array<i32>} : memref<64x768xf32, #tpu.memory_space<vmem>>, vector<16xf32>,
      tpu.vector_store %arg12[%swap3A_319, %swap3A_320], %add3A_318 {strides = array<i32>} : memref<64x768xf32, #tpu.memory_space<vmem>>, vector<16xf32>,
      %get3A_322 = arith.index_cast %scan3A_82 : i32 to index
      %get3A_323 = arith.constant 384 : index
      %get3A_324 = tpu.vector_load %arg12[%get3A_322, %get3A_323] {strides = array<i32>} : memref<64x768xf32, #tpu.memory_space<vmem>>, vector<16xf32>,
      %get3A_325 = arith.index_cast %scan3A_82 : i32 to index
      %get3A_326 = arith.constant 384 : index
      %get3A_327 = tpu.vector_load %arg13[%get3A_325, %get3A_326] {strides = array<i32>} : memref<64x768xf32, #tpu.memory_space<vmem>>, vector<16xf32>,
      %add3A_328 = arith.addf %get3A_324, %get3A_327 : vector<16xf32>
      %swap3A_329 = arith.index_cast %scan3A_82 : i32 to index
      %swap3A_330 = arith.constant 384 : index
      %swap3A_331 = tpu.vector_load %arg12[%swap3A_329, %swap3A_330] {strides = array<i32>} : memref<64x768xf32, #tpu.memory_space<vmem>>, vector<16xf32>,
      tpu.vector_store %arg12[%swap3A_329, %swap3A_330], %add3A_328 {strides = array<i32>} : memref<64x768xf32, #tpu.memory_space<vmem>>, vector<16xf32>,
      %get3A_332 = arith.index_cast %scan3A_82 : i32 to index
      %get3A_333 = arith.constant 400 : index
      %get3A_334 = tpu.vector_load %arg12[%get3A_332, %get3A_333] {strides = array<i32>} : memref<64x768xf32, #tpu.memory_space<vmem>>, vector<16xf32>,
      %get3A_335 = arith.index_cast %scan3A_82 : i32 to index
      %get3A_336 = arith.constant 400 : index
      %get3A_337 = tpu.vector_load %arg13[%get3A_335, %get3A_336] {strides = array<i32>} : memref<64x768xf32, #tpu.memory_space<vmem>>, vector<16xf32>,
      %add3A_338 = arith.addf %get3A_334, %get3A_337 : vector<16xf32>
      %swap3A_339 = arith.index_cast %scan3A_82 : i32 to index
      %swap3A_340 = arith.constant 400 : index
      %swap3A_341 = tpu.vector_load %arg12[%swap3A_339, %swap3A_340] {strides = array<i32>} : memref<64x768xf32, #tpu.memory_space<vmem>>, vector<16xf32>,
      tpu.vector_store %arg12[%swap3A_339, %swap3A_340], %add3A_338 {strides = array<i32>} : memref<64x768xf32, #tpu.memory_space<vmem>>, vector<16xf32>,
      %get3A_342 = arith.index_cast %scan3A_82 : i32 to index
      %get3A_343 = arith.constant 416 : index
      %get3A_344 = tpu.vector_load %arg12[%get3A_342, %get3A_343] {strides = array<i32>} : memref<64x768xf32, #tpu.memory_space<vmem>>, vector<16xf32>,
      %get3A_345 = arith.index_cast %scan3A_82 : i32 to index
      %get3A_346 = arith.constant 416 : index
      %get3A_347 = tpu.vector_load %arg13[%get3A_345, %get3A_346] {strides = array<i32>} : memref<64x768xf32, #tpu.memory_space<vmem>>, vector<16xf32>,
      %add3A_348 = arith.addf %get3A_344, %get3A_347 : vector<16xf32>
      %swap3A_349 = arith.index_cast %scan3A_82 : i32 to index
      %swap3A_350 = arith.constant 416 : index
      %swap3A_351 = tpu.vector_load %arg12[%swap3A_349, %swap3A_350] {strides = array<i32>} : memref<64x768xf32, #tpu.memory_space<vmem>>, vector<16xf32>,
      tpu.vector_store %arg12[%swap3A_349, %swap3A_350], %add3A_348 {strides = array<i32>} : memref<64x768xf32, #tpu.memory_space<vmem>>, vector<16xf32>,
      %get3A_352 = arith.index_cast %scan3A_82 : i32 to index
      %get3A_353 = arith.constant 432 : index
      %get3A_354 = tpu.vector_load %arg12[%get3A_352, %get3A_353] {strides = array<i32>} : memref<64x768xf32, #tpu.memory_space<vmem>>, vector<16xf32>,
      %get3A_355 = arith.index_cast %scan3A_82 : i32 to index
      %get3A_356 = arith.constant 432 : index
      %get3A_357 = tpu.vector_load %arg13[%get3A_355, %get3A_356] {strides = array<i32>} : memref<64x768xf32, #tpu.memory_space<vmem>>, vector<16xf32>,
      %add3A_358 = arith.addf %get3A_354, %get3A_357 : vector<16xf32>
      %swap3A_359 = arith.index_cast %scan3A_82 : i32 to index
      %swap3A_360 = arith.constant 432 : index
      %swap3A_361 = tpu.vector_load %arg12[%swap3A_359, %swap3A_360] {strides = array<i32>} : memref<64x768xf32, #tpu.memory_space<vmem>>, vector<16xf32>,
      tpu.vector_store %arg12[%swap3A_359, %swap3A_360], %add3A_358 {strides = array<i32>} : memref<64x768xf32, #tpu.memory_space<vmem>>, vector<16xf32>,
      %get3A_362 = arith.index_cast %scan3A_82 : i32 to index
      %get3A_363 = arith.constant 448 : index
      %get3A_364 = tpu.vector_load %arg12[%get3A_362, %get3A_363] {strides = array<i32>} : memref<64x768xf32, #tpu.memory_space<vmem>>, vector<16xf32>,
      %get3A_365 = arith.index_cast %scan3A_82 : i32 to index
      %get3A_366 = arith.constant 448 : index
      %get3A_367 = tpu.vector_load %arg13[%get3A_365, %get3A_366] {strides = array<i32>} : memref<64x768xf32, #tpu.memory_space<vmem>>, vector<16xf32>,
      %add3A_368 = arith.addf %get3A_364, %get3A_367 : vector<16xf32>
      %swap3A_369 = arith.index_cast %scan3A_82 : i32 to index
      %swap3A_370 = arith.constant 448 : index
      %swap3A_371 = tpu.vector_load %arg12[%swap3A_369, %swap3A_370] {strides = array<i32>} : memref<64x768xf32, #tpu.memory_space<vmem>>, vector<16xf32>,
      tpu.vector_store %arg12[%swap3A_369, %swap3A_370], %add3A_368 {strides = array<i32>} : memref<64x768xf32, #tpu.memory_space<vmem>>, vector<16xf32>,
      %get3A_372 = arith.index_cast %scan3A_82 : i32 to index
      %get3A_373 = arith.constant 464 : index
      %get3A_374 = tpu.vector_load %arg12[%get3A_372, %get3A_373] {strides = array<i32>} : memref<64x768xf32, #tpu.memory_space<vmem>>, vector<16xf32>,
      %get3A_375 = arith.index_cast %scan3A_82 : i32 to index
      %get3A_376 = arith.constant 464 : index
      %get3A_377 = tpu.vector_load %arg13[%get3A_375, %get3A_376] {strides = array<i32>} : memref<64x768xf32, #tpu.memory_space<vmem>>, vector<16xf32>,
      %add3A_378 = arith.addf %get3A_374, %get3A_377 : vector<16xf32>
      %swap3A_379 = arith.index_cast %scan3A_82 : i32 to index
      %swap3A_380 = arith.constant 464 : index
      %swap3A_381 = tpu.vector_load %arg12[%swap3A_379, %swap3A_380] {strides = array<i32>} : memref<64x768xf32, #tpu.memory_space<vmem>>, vector<16xf32>,
      tpu.vector_store %arg12[%swap3A_379, %swap3A_380], %add3A_378 {strides = array<i32>} : memref<64x768xf32, #tpu.memory_space<vmem>>, vector<16xf32>,
      %get3A_382 = arith.index_cast %scan3A_82 : i32 to index
      %get3A_383 = arith.constant 480 : index
      %get3A_384 = tpu.vector_load %arg12[%get3A_382, %get3A_383] {strides = array<i32>} : memref<64x768xf32, #tpu.memory_space<vmem>>, vector<16xf32>,
      %get3A_385 = arith.index_cast %scan3A_82 : i32 to index
      %get3A_386 = arith.constant 480 : index
      %get3A_387 = tpu.vector_load %arg13[%get3A_385, %get3A_386] {strides = array<i32>} : memref<64x768xf32, #tpu.memory_space<vmem>>, vector<16xf32>,
      %add3A_388 = arith.addf %get3A_384, %get3A_387 : vector<16xf32>
      %swap3A_389 = arith.index_cast %scan3A_82 : i32 to index
      %swap3A_390 = arith.constant 480 : index
      %swap3A_391 = tpu.vector_load %arg12[%swap3A_389, %swap3A_390] {strides = array<i32>} : memref<64x768xf32, #tpu.memory_space<vmem>>, vector<16xf32>,
      tpu.vector_store %arg12[%swap3A_389, %swap3A_390], %add3A_388 {strides = array<i32>} : memref<64x768xf32, #tpu.memory_space<vmem>>, vector<16xf32>,
      %get3A_392 = arith.index_cast %scan3A_82 : i32 to index
      %get3A_393 = arith.constant 496 : index
      %get3A_394 = tpu.vector_load %arg12[%get3A_392, %get3A_393] {strides = array<i32>} : memref<64x768xf32, #tpu.memory_space<vmem>>, vector<16xf32>,
      %get3A_395 = arith.index_cast %scan3A_82 : i32 to index
      %get3A_396 = arith.constant 496 : index
      %get3A_397 = tpu.vector_load %arg13[%get3A_395, %get3A_396] {strides = array<i32>} : memref<64x768xf32, #tpu.memory_space<vmem>>, vector<16xf32>,
      %add3A_398 = arith.addf %get3A_394, %get3A_397 : vector<16xf32>
      %swap3A_399 = arith.index_cast %scan3A_82 : i32 to index
      %swap3A_400 = arith.constant 496 : index
      %swap3A_401 = tpu.vector_load %arg12[%swap3A_399, %swap3A_400] {strides = array<i32>} : memref<64x768xf32, #tpu.memory_space<vmem>>, vector<16xf32>,
      tpu.vector_store %arg12[%swap3A_399, %swap3A_400], %add3A_398 {strides = array<i32>} : memref<64x768xf32, #tpu.memory_space<vmem>>, vector<16xf32>,
      %get3A_402 = arith.index_cast %scan3A_82 : i32 to index
      %get3A_403 = arith.constant 512 : index
      %get3A_404 = tpu.vector_load %arg12[%get3A_402, %get3A_403] {strides = array<i32>} : memref<64x768xf32, #tpu.memory_space<vmem>>, vector<16xf32>,
      %get3A_405 = arith.index_cast %scan3A_82 : i32 to index
      %get3A_406 = arith.constant 512 : index
      %get3A_407 = tpu.vector_load %arg13[%get3A_405, %get3A_406] {strides = array<i32>} : memref<64x768xf32, #tpu.memory_space<vmem>>, vector<16xf32>,
      %add3A_408 = arith.addf %get3A_404, %get3A_407 : vector<16xf32>
      %swap3A_409 = arith.index_cast %scan3A_82 : i32 to index
      %swap3A_410 = arith.constant 512 : index
      %swap3A_411 = tpu.vector_load %arg12[%swap3A_409, %swap3A_410] {strides = array<i32>} : memref<64x768xf32, #tpu.memory_space<vmem>>, vector<16xf32>,
      tpu.vector_store %arg12[%swap3A_409, %swap3A_410], %add3A_408 {strides = array<i32>} : memref<64x768xf32, #tpu.memory_space<vmem>>, vector<16xf32>,
      %get3A_412 = arith.index_cast %scan3A_82 : i32 to index
      %get3A_413 = arith.constant 528 : index
      %get3A_414 = tpu.vector_load %arg12[%get3A_412, %get3A_413] {strides = array<i32>} : memref<64x768xf32, #tpu.memory_space<vmem>>, vector<16xf32>,
      %get3A_415 = arith.index_cast %scan3A_82 : i32 to index
      %get3A_416 = arith.constant 528 : index
      %get3A_417 = tpu.vector_load %arg13[%get3A_415, %get3A_416] {strides = array<i32>} : memref<64x768xf32, #tpu.memory_space<vmem>>, vector<16xf32>,
      %add3A_418 = arith.addf %get3A_414, %get3A_417 : vector<16xf32>
      %swap3A_419 = arith.index_cast %scan3A_82 : i32 to index
      %swap3A_420 = arith.constant 528 : index
      %swap3A_421 = tpu.vector_load %arg12[%swap3A_419, %swap3A_420] {strides = array<i32>} : memref<64x768xf32, #tpu.memory_space<vmem>>, vector<16xf32>,
      tpu.vector_store %arg12[%swap3A_419, %swap3A_420], %add3A_418 {strides = array<i32>} : memref<64x768xf32, #tpu.memory_space<vmem>>, vector<16xf32>,
      %get3A_422 = arith.index_cast %scan3A_82 : i32 to index
      %get3A_423 = arith.constant 544 : index
      %get3A_424 = tpu.vector_load %arg12[%get3A_422, %get3A_423] {strides = array<i32>} : memref<64x768xf32, #tpu.memory_space<vmem>>, vector<16xf32>,
      %get3A_425 = arith.index_cast %scan3A_82 : i32 to index
      %get3A_426 = arith.constant 544 : index
      %get3A_427 = tpu.vector_load %arg13[%get3A_425, %get3A_426] {strides = array<i32>} : memref<64x768xf32, #tpu.memory_space<vmem>>, vector<16xf32>,
      %add3A_428 = arith.addf %get3A_424, %get3A_427 : vector<16xf32>
      %swap3A_429 = arith.index_cast %scan3A_82 : i32 to index
      %swap3A_430 = arith.constant 544 : index
      %swap3A_431 = tpu.vector_load %arg12[%swap3A_429, %swap3A_430] {strides = array<i32>} : memref<64x768xf32, #tpu.memory_space<vmem>>, vector<16xf32>,
      tpu.vector_store %arg12[%swap3A_429, %swap3A_430], %add3A_428 {strides = array<i32>} : memref<64x768xf32, #tpu.memory_space<vmem>>, vector<16xf32>,
      %get3A_432 = arith.index_cast %scan3A_82 : i32 to index
      %get3A_433 = arith.constant 560 : index
      %get3A_434 = tpu.vector_load %arg12[%get3A_432, %get3A_433] {strides = array<i32>} : memref<64x768xf32, #tpu.memory_space<vmem>>, vector<16xf32>,
      %get3A_435 = arith.index_cast %scan3A_82 : i32 to index
      %get3A_436 = arith.constant 560 : index
      %get3A_437 = tpu.vector_load %arg13[%get3A_435, %get3A_436] {strides = array<i32>} : memref<64x768xf32, #tpu.memory_space<vmem>>, vector<16xf32>,
      %add3A_438 = arith.addf %get3A_434, %get3A_437 : vector<16xf32>
      %swap3A_439 = arith.index_cast %scan3A_82 : i32 to index
      %swap3A_440 = arith.constant 560 : index
      %swap3A_441 = tpu.vector_load %arg12[%swap3A_439, %swap3A_440] {strides = array<i32>} : memref<64x768xf32, #tpu.memory_space<vmem>>, vector<16xf32>,
      tpu.vector_store %arg12[%swap3A_439, %swap3A_440], %add3A_438 {strides = array<i32>} : memref<64x768xf32, #tpu.memory_space<vmem>>, vector<16xf32>,
      %get3A_442 = arith.index_cast %scan3A_82 : i32 to index
      %get3A_443 = arith.constant 576 : index
      %get3A_444 = tpu.vector_load %arg12[%get3A_442, %get3A_443] {strides = array<i32>} : memref<64x768xf32, #tpu.memory_space<vmem>>, vector<16xf32>,
      %get3A_445 = arith.index_cast %scan3A_82 : i32 to index
      %get3A_446 = arith.constant 576 : index
      %get3A_447 = tpu.vector_load %arg13[%get3A_445, %get3A_446] {strides = array<i32>} : memref<64x768xf32, #tpu.memory_space<vmem>>, vector<16xf32>,
      %add3A_448 = arith.addf %get3A_444, %get3A_447 : vector<16xf32>
      %swap3A_449 = arith.index_cast %scan3A_82 : i32 to index
      %swap3A_450 = arith.constant 576 : index
      %swap3A_451 = tpu.vector_load %arg12[%swap3A_449, %swap3A_450] {strides = array<i32>} : memref<64x768xf32, #tpu.memory_space<vmem>>, vector<16xf32>,
      tpu.vector_store %arg12[%swap3A_449, %swap3A_450], %add3A_448 {strides = array<i32>} : memref<64x768xf32, #tpu.memory_space<vmem>>, vector<16xf32>,
      %get3A_452 = arith.index_cast %scan3A_82 : i32 to index
      %get3A_453 = arith.constant 592 : index
      %get3A_454 = tpu.vector_load %arg12[%get3A_452, %get3A_453] {strides = array<i32>} : memref<64x768xf32, #tpu.memory_space<vmem>>, vector<16xf32>,
      %get3A_455 = arith.index_cast %scan3A_82 : i32 to index
      %get3A_456 = arith.constant 592 : index
      %get3A_457 = tpu.vector_load %arg13[%get3A_455, %get3A_456] {strides = array<i32>} : memref<64x768xf32, #tpu.memory_space<vmem>>, vector<16xf32>,
      %add3A_458 = arith.addf %get3A_454, %get3A_457 : vector<16xf32>
      %swap3A_459 = arith.index_cast %scan3A_82 : i32 to index
      %swap3A_460 = arith.constant 592 : index
      %swap3A_461 = tpu.vector_load %arg12[%swap3A_459, %swap3A_460] {strides = array<i32>} : memref<64x768xf32, #tpu.memory_space<vmem>>, vector<16xf32>,
      tpu.vector_store %arg12[%swap3A_459, %swap3A_460], %add3A_458 {strides = array<i32>} : memref<64x768xf32, #tpu.memory_space<vmem>>, vector<16xf32>,
      %get3A_462 = arith.index_cast %scan3A_82 : i32 to index
      %get3A_463 = arith.constant 608 : index
      %get3A_464 = tpu.vector_load %arg12[%get3A_462, %get3A_463] {strides = array<i32>} : memref<64x768xf32, #tpu.memory_space<vmem>>, vector<16xf32>,
      %get3A_465 = arith.index_cast %scan3A_82 : i32 to index
      %get3A_466 = arith.constant 608 : index
      %get3A_467 = tpu.vector_load %arg13[%get3A_465, %get3A_466] {strides = array<i32>} : memref<64x768xf32, #tpu.memory_space<vmem>>, vector<16xf32>,
      %add3A_468 = arith.addf %get3A_464, %get3A_467 : vector<16xf32>
      %swap3A_469 = arith.index_cast %scan3A_82 : i32 to index
      %swap3A_470 = arith.constant 608 : index
      %swap3A_471 = tpu.vector_load %arg12[%swap3A_469, %swap3A_470] {strides = array<i32>} : memref<64x768xf32, #tpu.memory_space<vmem>>, vector<16xf32>,
      tpu.vector_store %arg12[%swap3A_469, %swap3A_470], %add3A_468 {strides = array<i32>} : memref<64x768xf32, #tpu.memory_space<vmem>>, vector<16xf32>,
      %get3A_472 = arith.index_cast %scan3A_82 : i32 to index
      %get3A_473 = arith.constant 624 : index
      %get3A_474 = tpu.vector_load %arg12[%get3A_472, %get3A_473] {strides = array<i32>} : memref<64x768xf32, #tpu.memory_space<vmem>>, vector<16xf32>,
      %get3A_475 = arith.index_cast %scan3A_82 : i32 to index
      %get3A_476 = arith.constant 624 : index
      %get3A_477 = tpu.vector_load %arg13[%get3A_475, %get3A_476] {strides = array<i32>} : memref<64x768xf32, #tpu.memory_space<vmem>>, vector<16xf32>,
      %add3A_478 = arith.addf %get3A_474, %get3A_477 : vector<16xf32>
      %swap3A_479 = arith.index_cast %scan3A_82 : i32 to index
      %swap3A_480 = arith.constant 624 : index
      %swap3A_481 = tpu.vector_load %arg12[%swap3A_479, %swap3A_480] {strides = array<i32>} : memref<64x768xf32, #tpu.memory_space<vmem>>, vector<16xf32>,
      tpu.vector_store %arg12[%swap3A_479, %swap3A_480], %add3A_478 {strides = array<i32>} : memref<64x768xf32, #tpu.memory_space<vmem>>, vector<16xf32>,
      %get3A_482 = arith.index_cast %scan3A_82 : i32 to index
      %get3A_483 = arith.constant 640 : index
      %get3A_484 = tpu.vector_load %arg12[%get3A_482, %get3A_483] {strides = array<i32>} : memref<64x768xf32, #tpu.memory_space<vmem>>, vector<16xf32>,
      %get3A_485 = arith.index_cast %scan3A_82 : i32 to index
      %get3A_486 = arith.constant 640 : index
      %get3A_487 = tpu.vector_load %arg13[%get3A_485, %get3A_486] {strides = array<i32>} : memref<64x768xf32, #tpu.memory_space<vmem>>, vector<16xf32>,
      %add3A_488 = arith.addf %get3A_484, %get3A_487 : vector<16xf32>
      %swap3A_489 = arith.index_cast %scan3A_82 : i32 to index
      %swap3A_490 = arith.constant 640 : index
      %swap3A_491 = tpu.vector_load %arg12[%swap3A_489, %swap3A_490] {strides = array<i32>} : memref<64x768xf32, #tpu.memory_space<vmem>>, vector<16xf32>,
      tpu.vector_store %arg12[%swap3A_489, %swap3A_490], %add3A_488 {strides = array<i32>} : memref<64x768xf32, #tpu.memory_space<vmem>>, vector<16xf32>,
      %get3A_492 = arith.index_cast %scan3A_82 : i32 to index
      %get3A_493 = arith.constant 656 : index
      %get3A_494 = tpu.vector_load %arg12[%get3A_492, %get3A_493] {strides = array<i32>} : memref<64x768xf32, #tpu.memory_space<vmem>>, vector<16xf32>,
      %get3A_495 = arith.index_cast %scan3A_82 : i32 to index
      %get3A_496 = arith.constant 656 : index
      %get3A_497 = tpu.vector_load %arg13[%get3A_495, %get3A_496] {strides = array<i32>} : memref<64x768xf32, #tpu.memory_space<vmem>>, vector<16xf32>,
      %add3A_498 = arith.addf %get3A_494, %get3A_497 : vector<16xf32>
      %swap3A_499 = arith.index_cast %scan3A_82 : i32 to index
      %swap3A_500 = arith.constant 656 : index
      %swap3A_501 = tpu.vector_load %arg12[%swap3A_499, %swap3A_500] {strides = array<i32>} : memref<64x768xf32, #tpu.memory_space<vmem>>, vector<16xf32>,
      tpu.vector_store %arg12[%swap3A_499, %swap3A_500], %add3A_498 {strides = array<i32>} : memref<64x768xf32, #tpu.memory_space<vmem>>, vector<16xf32>,
      %get3A_502 = arith.index_cast %scan3A_82 : i32 to index
      %get3A_503 = arith.constant 672 : index
      %get3A_504 = tpu.vector_load %arg12[%get3A_502, %get3A_503] {strides = array<i32>} : memref<64x768xf32, #tpu.memory_space<vmem>>, vector<16xf32>,
      %get3A_505 = arith.index_cast %scan3A_82 : i32 to index
      %get3A_506 = arith.constant 672 : index
      %get3A_507 = tpu.vector_load %arg13[%get3A_505, %get3A_506] {strides = array<i32>} : memref<64x768xf32, #tpu.memory_space<vmem>>, vector<16xf32>,
      %add3A_508 = arith.addf %get3A_504, %get3A_507 : vector<16xf32>
      %swap3A_509 = arith.index_cast %scan3A_82 : i32 to index
      %swap3A_510 = arith.constant 672 : index
      %swap3A_511 = tpu.vector_load %arg12[%swap3A_509, %swap3A_510] {strides = array<i32>} : memref<64x768xf32, #tpu.memory_space<vmem>>, vector<16xf32>,
      tpu.vector_store %arg12[%swap3A_509, %swap3A_510], %add3A_508 {strides = array<i32>} : memref<64x768xf32, #tpu.memory_space<vmem>>, vector<16xf32>,
      %get3A_512 = arith.index_cast %scan3A_82 : i32 to index
      %get3A_513 = arith.constant 688 : index
      %get3A_514 = tpu.vector_load %arg12[%get3A_512, %get3A_513] {strides = array<i32>} : memref<64x768xf32, #tpu.memory_space<vmem>>, vector<16xf32>,
      %get3A_515 = arith.index_cast %scan3A_82 : i32 to index
      %get3A_516 = arith.constant 688 : index
      %get3A_517 = tpu.vector_load %arg13[%get3A_515, %get3A_516] {strides = array<i32>} : memref<64x768xf32, #tpu.memory_space<vmem>>, vector<16xf32>,
      %add3A_518 = arith.addf %get3A_514, %get3A_517 : vector<16xf32>
      %swap3A_519 = arith.index_cast %scan3A_82 : i32 to index
      %swap3A_520 = arith.constant 688 : index
      %swap3A_521 = tpu.vector_load %arg12[%swap3A_519, %swap3A_520] {strides = array<i32>} : memref<64x768xf32, #tpu.memory_space<vmem>>, vector<16xf32>,
      tpu.vector_store %arg12[%swap3A_519, %swap3A_520], %add3A_518 {strides = array<i32>} : memref<64x768xf32, #tpu.memory_space<vmem>>, vector<16xf32>,
      %get3A_522 = arith.index_cast %scan3A_82 : i32 to index
      %get3A_523 = arith.constant 704 : index
      %get3A_524 = tpu.vector_load %arg12[%get3A_522, %get3A_523] {strides = array<i32>} : memref<64x768xf32, #tpu.memory_space<vmem>>, vector<16xf32>,
      %get3A_525 = arith.index_cast %scan3A_82 : i32 to index
      %get3A_526 = arith.constant 704 : index
      %get3A_527 = tpu.vector_load %arg13[%get3A_525, %get3A_526] {strides = array<i32>} : memref<64x768xf32, #tpu.memory_space<vmem>>, vector<16xf32>,
      %add3A_528 = arith.addf %get3A_524, %get3A_527 : vector<16xf32>
      %swap3A_529 = arith.index_cast %scan3A_82 : i32 to index
      %swap3A_530 = arith.constant 704 : index
      %swap3A_531 = tpu.vector_load %arg12[%swap3A_529, %swap3A_530] {strides = array<i32>} : memref<64x768xf32, #tpu.memory_space<vmem>>, vector<16xf32>,
      tpu.vector_store %arg12[%swap3A_529, %swap3A_530], %add3A_528 {strides = array<i32>} : memref<64x768xf32, #tpu.memory_space<vmem>>, vector<16xf32>,
      %get3A_532 = arith.index_cast %scan3A_82 : i32 to index
      %get3A_533 = arith.constant 720 : index
      %get3A_534 = tpu.vector_load %arg12[%get3A_532, %get3A_533] {strides = array<i32>} : memref<64x768xf32, #tpu.memory_space<vmem>>, vector<16xf32>,
      %get3A_535 = arith.index_cast %scan3A_82 : i32 to index
      %get3A_536 = arith.constant 720 : index
      %get3A_537 = tpu.vector_load %arg13[%get3A_535, %get3A_536] {strides = array<i32>} : memref<64x768xf32, #tpu.memory_space<vmem>>, vector<16xf32>,
      %add3A_538 = arith.addf %get3A_534, %get3A_537 : vector<16xf32>
      %swap3A_539 = arith.index_cast %scan3A_82 : i32 to index
      %swap3A_540 = arith.constant 720 : index
      %swap3A_541 = tpu.vector_load %arg12[%swap3A_539, %swap3A_540] {strides = array<i32>} : memref<64x768xf32, #tpu.memory_space<vmem>>, vector<16xf32>,
      tpu.vector_store %arg12[%swap3A_539, %swap3A_540], %add3A_538 {strides = array<i32>} : memref<64x768xf32, #tpu.memory_space<vmem>>, vector<16xf32>,
      %get3A_542 = arith.index_cast %scan3A_82 : i32 to index
      %get3A_543 = arith.constant 736 : index
      %get3A_544 = tpu.vector_load %arg12[%get3A_542, %get3A_543] {strides = array<i32>} : memref<64x768xf32, #tpu.memory_space<vmem>>, vector<16xf32>,
      %get3A_545 = arith.index_cast %scan3A_82 : i32 to index
      %get3A_546 = arith.constant 736 : index
      %get3A_547 = tpu.vector_load %arg13[%get3A_545, %get3A_546] {strides = array<i32>} : memref<64x768xf32, #tpu.memory_space<vmem>>, vector<16xf32>,
      %add3A_548 = arith.addf %get3A_544, %get3A_547 : vector<16xf32>
      %swap3A_549 = arith.index_cast %scan3A_82 : i32 to index
      %swap3A_550 = arith.constant 736 : index
      %swap3A_551 = tpu.vector_load %arg12[%swap3A_549, %swap3A_550] {strides = array<i32>} : memref<64x768xf32, #tpu.memory_space<vmem>>, vector<16xf32>,
      tpu.vector_store %arg12[%swap3A_549, %swap3A_550], %add3A_548 {strides = array<i32>} : memref<64x768xf32, #tpu.memory_space<vmem>>, vector<16xf32>,
      %get3A_552 = arith.index_cast %scan3A_82 : i32 to index
      %get3A_553 = arith.constant 752 : index
      %get3A_554 = tpu.vector_load %arg12[%get3A_552, %get3A_553] {strides = array<i32>} : memref<64x768xf32, #tpu.memory_space<vmem>>, vector<16xf32>,
      %get3A_555 = arith.index_cast %scan3A_82 : i32 to index
      %get3A_556 = arith.constant 752 : index
      %get3A_557 = tpu.vector_load %arg13[%get3A_555, %get3A_556] {strides = array<i32>} : memref<64x768xf32, #tpu.memory_space<vmem>>, vector<16xf32>,
      %add3A_558 = arith.addf %get3A_554, %get3A_557 : vector<16xf32>
      %swap3A_559 = arith.index_cast %scan3A_82 : i32 to index
      %swap3A_560 = arith.constant 752 : index
      %swap3A_561 = tpu.vector_load %arg12[%swap3A_559, %swap3A_560] {strides = array<i32>} : memref<64x768xf32, #tpu.memory_space<vmem>>, vector<16xf32>,
      tpu.vector_store %arg12[%swap3A_559, %swap3A_560], %add3A_558 {strides = array<i32>} : memref<64x768xf32, #tpu.memory_space<vmem>>, vector<16xf32>,
    }
    %scan3A_81 = arith.constant 64 : i32
    "tpu.region"() ({
      %run_scoped3A = tpu.sem_alloc : memref<!tpu.dma_semaphore, #tpu.memory_space<semaphore_mem>>
      %dma_start3A_82 = arith.constant 0 : i32
      %dma_start3A_83 = tpu.memref_slice %arg6[%mul3A_2, %dma_start3A_82] : memref<2048x768xf32, #tpu.memory_space<hbm>> -> memref<64x768xf32, #tpu.memory_space<hbm>>
      %dma_start3A_84 = arith.constant 0 : i32
      %dma_start3A_85 = tpu.memref_slice %arg6[%mul3A_2, %dma_start3A_84] : memref<2048x768xf32, #tpu.memory_space<hbm>> -> memref<64x768xf32, #tpu.memory_space<hbm>>
      tpu.enqueue_dma source(%arg12 : memref<64x768xf32, #tpu.memory_space<vmem>>) target(%dma_start3A_85 : memref<64x768xf32, #tpu.memory_space<hbm>>) target_semaphore(%run_scoped3A : memref<!tpu.dma_semaphore, #tpu.memory_space<semaphore_mem>>)
      %dma_wait3A_86 = arith.constant 0 : i32
      %dma_wait3A_87 = tpu.memref_slice %arg6[%mul3A_2, %dma_wait3A_86] : memref<2048x768xf32, #tpu.memory_space<hbm>> -> memref<64x768xf32, #tpu.memory_space<hbm>>
      %dma_wait3A_88 = arith.constant 0 : i32
      %dma_wait3A_89 = tpu.memref_slice %arg6[%mul3A_2, %dma_wait3A_88] : memref<2048x768xf32, #tpu.memory_space<hbm>> -> memref<64x768xf32, #tpu.memory_space<hbm>>
      tpu.wait_dma2 semaphore(%run_scoped3A : memref<!tpu.dma_semaphore, #tpu.memory_space<semaphore_mem>>) src(%arg12 : memref<64x768xf32, #tpu.memory_space<vmem>>) dst(%dma_wait3A_89 : memref<64x768xf32, #tpu.memory_space<hbm>>)
      tpu.yield
    }) : () -> ()
    return
  }
}

#map = affine_map<(d0, d1) -> (0)>
#map1 = affine_map<(d0, d1) -> (0, 0)>
module attributes {stable_mosaic.version = 14 : i64} {
  func.func @_dispatch(%arg0: i32, %arg1: i32, %arg2: memref<2048xi32, #tpu.memory_space<hbm>>, %arg3: memref<2048xi32, #tpu.memory_space<hbm>>, %arg4: memref<2048xf32, #tpu.memory_space<hbm>>, %arg5: memref<2048xf32, #tpu.memory_space<hbm>>, %arg6: memref<2048x768xf32, #tpu.memory_space<hbm>>, %arg7: memref<16384xi32, #tpu.memory_space<hbm>>, %arg8: memref<64x256xf32, #tpu.memory_space<hbm>>, %arg9: memref<16384x768xf32, #tpu.memory_space<hbm>>, %arg10: memref<2048xi32, #tpu.memory_space<vmem>>, %arg11: memref<2048xi32, #tpu.memory_space<vmem>>, %arg12: memref<2048xf32, #tpu.memory_space<vmem>>, %arg13: memref<2048xf32, #tpu.memory_space<vmem>>, %arg14: memref<272xi32, #tpu.memory_space<vmem>>, %arg15: memref<272xf32, #tpu.memory_space<vmem>>, %arg16: memref<64x768xf32, #tpu.memory_space<vmem>>, %arg17: memref<!tpu.dma_semaphore, #tpu.memory_space<semaphore_mem>>) attributes {dimension_semantics = [#tpu.dimension_semantics<core_parallel>, #tpu.dimension_semantics<subcore_parallel>], iteration_bounds = array<i64: 2, 16>, scalar_prefetch = 0 : i64, scratch_operands = 8 : i64, tpu.core_type = #tpu.core_type<sc_vector_subcore>, window_params = [{transform_indices = #map}, {transform_indices = #map}, {transform_indices = #map}, {transform_indices = #map}, {transform_indices = #map1}, {transform_indices = #map}, {transform_indices = #map1}, {transform_indices = #map1}]} {
    %mul3A = arith.constant 2 : i32
    %mul3A_0 = arith.muli %arg1, %mul3A : i32
    %add3A = arith.addi %mul3A_0, %arg0 : i32
    "tpu.region"() ({
      %run_scoped3A = tpu.sem_alloc : memref<!tpu.dma_semaphore, #tpu.memory_space<semaphore_mem>>
      tpu.enqueue_dma source(%arg2 : memref<2048xi32, #tpu.memory_space<hbm>>) target(%arg10 : memref<2048xi32, #tpu.memory_space<vmem>>) target_semaphore(%run_scoped3A : memref<!tpu.dma_semaphore, #tpu.memory_space<semaphore_mem>>)
      tpu.wait_dma2 semaphore(%run_scoped3A : memref<!tpu.dma_semaphore, #tpu.memory_space<semaphore_mem>>) src(%arg2 : memref<2048xi32, #tpu.memory_space<hbm>>) dst(%arg10 : memref<2048xi32, #tpu.memory_space<vmem>>)
      tpu.yield
    }) : () -> ()
    "tpu.region"() ({
      %run_scoped3A = tpu.sem_alloc : memref<!tpu.dma_semaphore, #tpu.memory_space<semaphore_mem>>
      tpu.enqueue_dma source(%arg3 : memref<2048xi32, #tpu.memory_space<hbm>>) target(%arg11 : memref<2048xi32, #tpu.memory_space<vmem>>) target_semaphore(%run_scoped3A : memref<!tpu.dma_semaphore, #tpu.memory_space<semaphore_mem>>)
      tpu.wait_dma2 semaphore(%run_scoped3A : memref<!tpu.dma_semaphore, #tpu.memory_space<semaphore_mem>>) src(%arg3 : memref<2048xi32, #tpu.memory_space<hbm>>) dst(%arg11 : memref<2048xi32, #tpu.memory_space<vmem>>)
      tpu.yield
    }) : () -> ()
    "tpu.region"() ({
      %run_scoped3A = tpu.sem_alloc : memref<!tpu.dma_semaphore, #tpu.memory_space<semaphore_mem>>
      tpu.enqueue_dma source(%arg4 : memref<2048xf32, #tpu.memory_space<hbm>>) target(%arg12 : memref<2048xf32, #tpu.memory_space<vmem>>) target_semaphore(%run_scoped3A : memref<!tpu.dma_semaphore, #tpu.memory_space<semaphore_mem>>)
      tpu.wait_dma2 semaphore(%run_scoped3A : memref<!tpu.dma_semaphore, #tpu.memory_space<semaphore_mem>>) src(%arg4 : memref<2048xf32, #tpu.memory_space<hbm>>) dst(%arg12 : memref<2048xf32, #tpu.memory_space<vmem>>)
      tpu.yield
    }) : () -> ()
    "tpu.region"() ({
      %run_scoped3A = tpu.sem_alloc : memref<!tpu.dma_semaphore, #tpu.memory_space<semaphore_mem>>
      tpu.enqueue_dma source(%arg5 : memref<2048xf32, #tpu.memory_space<hbm>>) target(%arg13 : memref<2048xf32, #tpu.memory_space<vmem>>) target_semaphore(%run_scoped3A : memref<!tpu.dma_semaphore, #tpu.memory_space<semaphore_mem>>)
      tpu.wait_dma2 semaphore(%run_scoped3A : memref<!tpu.dma_semaphore, #tpu.memory_space<semaphore_mem>>) src(%arg5 : memref<2048xf32, #tpu.memory_space<hbm>>) dst(%arg13 : memref<2048xf32, #tpu.memory_space<vmem>>)
      tpu.yield
    }) : () -> ()
    %broadcast_in_dim3A = arith.constant 0 : i32
    %broadcast_in_dim3A_1 = vector.broadcast %broadcast_in_dim3A : i32 to vector<16xi32>
    %broadcast_in_dim3A_2 = arith.constant 0.000000e+00 : f32
    %broadcast_in_dim3A_3 = vector.broadcast %broadcast_in_dim3A_2 : f32 to vector<16xf32>
    %mul3A_4 = arith.constant 2 : i32
    %mul3A_5 = arith.muli %add3A, %mul3A_4 : i32
    %add3A_6 = arith.constant 0 : i32
    %add3A_7 = arith.addi %mul3A_5, %add3A_6 : i32
    %swap3A = arith.constant 0 : index
    %swap3A_8 = tpu.vector_load %arg14[%swap3A] {strides = array<i32>} : memref<272xi32, #tpu.memory_space<vmem>>, vector<16xi32>,
    tpu.vector_store %arg14[%swap3A], %broadcast_in_dim3A_1 {strides = array<i32>} : memref<272xi32, #tpu.memory_space<vmem>>, vector<16xi32>,
    %swap3A_9 = arith.constant 0 : index
    %swap3A_10 = tpu.vector_load %arg15[%swap3A_9] {strides = array<i32>} : memref<272xf32, #tpu.memory_space<vmem>>, vector<16xf32>,
    tpu.vector_store %arg15[%swap3A_9], %broadcast_in_dim3A_3 {strides = array<i32>} : memref<272xf32, #tpu.memory_space<vmem>>, vector<16xf32>,
    %swap3A_11 = arith.constant 16 : index
    %swap3A_12 = tpu.vector_load %arg14[%swap3A_11] {strides = array<i32>} : memref<272xi32, #tpu.memory_space<vmem>>, vector<16xi32>,
    tpu.vector_store %arg14[%swap3A_11], %broadcast_in_dim3A_1 {strides = array<i32>} : memref<272xi32, #tpu.memory_space<vmem>>, vector<16xi32>,
    %swap3A_13 = arith.constant 16 : index
    %swap3A_14 = tpu.vector_load %arg15[%swap3A_13] {strides = array<i32>} : memref<272xf32, #tpu.memory_space<vmem>>, vector<16xf32>,
    tpu.vector_store %arg15[%swap3A_13], %broadcast_in_dim3A_3 {strides = array<i32>} : memref<272xf32, #tpu.memory_space<vmem>>, vector<16xf32>,
    %swap3A_15 = arith.constant 32 : index
    %swap3A_16 = tpu.vector_load %arg14[%swap3A_15] {strides = array<i32>} : memref<272xi32, #tpu.memory_space<vmem>>, vector<16xi32>,
    tpu.vector_store %arg14[%swap3A_15], %broadcast_in_dim3A_1 {strides = array<i32>} : memref<272xi32, #tpu.memory_space<vmem>>, vector<16xi32>,
    %swap3A_17 = arith.constant 32 : index
    %swap3A_18 = tpu.vector_load %arg15[%swap3A_17] {strides = array<i32>} : memref<272xf32, #tpu.memory_space<vmem>>, vector<16xf32>,
    tpu.vector_store %arg15[%swap3A_17], %broadcast_in_dim3A_3 {strides = array<i32>} : memref<272xf32, #tpu.memory_space<vmem>>, vector<16xf32>,
    %swap3A_19 = arith.constant 48 : index
    %swap3A_20 = tpu.vector_load %arg14[%swap3A_19] {strides = array<i32>} : memref<272xi32, #tpu.memory_space<vmem>>, vector<16xi32>,
    tpu.vector_store %arg14[%swap3A_19], %broadcast_in_dim3A_1 {strides = array<i32>} : memref<272xi32, #tpu.memory_space<vmem>>, vector<16xi32>,
    %swap3A_21 = arith.constant 48 : index
    %swap3A_22 = tpu.vector_load %arg15[%swap3A_21] {strides = array<i32>} : memref<272xf32, #tpu.memory_space<vmem>>, vector<16xf32>,
    tpu.vector_store %arg15[%swap3A_21], %broadcast_in_dim3A_3 {strides = array<i32>} : memref<272xf32, #tpu.memory_space<vmem>>, vector<16xf32>,
    %swap3A_23 = arith.constant 64 : index
    %swap3A_24 = tpu.vector_load %arg14[%swap3A_23] {strides = array<i32>} : memref<272xi32, #tpu.memory_space<vmem>>, vector<16xi32>,
    tpu.vector_store %arg14[%swap3A_23], %broadcast_in_dim3A_1 {strides = array<i32>} : memref<272xi32, #tpu.memory_space<vmem>>, vector<16xi32>,
    %swap3A_25 = arith.constant 64 : index
    %swap3A_26 = tpu.vector_load %arg15[%swap3A_25] {strides = array<i32>} : memref<272xf32, #tpu.memory_space<vmem>>, vector<16xf32>,
    tpu.vector_store %arg15[%swap3A_25], %broadcast_in_dim3A_3 {strides = array<i32>} : memref<272xf32, #tpu.memory_space<vmem>>, vector<16xf32>,
    %swap3A_27 = arith.constant 80 : index
    %swap3A_28 = tpu.vector_load %arg14[%swap3A_27] {strides = array<i32>} : memref<272xi32, #tpu.memory_space<vmem>>, vector<16xi32>,
    tpu.vector_store %arg14[%swap3A_27], %broadcast_in_dim3A_1 {strides = array<i32>} : memref<272xi32, #tpu.memory_space<vmem>>, vector<16xi32>,
    %swap3A_29 = arith.constant 80 : index
    %swap3A_30 = tpu.vector_load %arg15[%swap3A_29] {strides = array<i32>} : memref<272xf32, #tpu.memory_space<vmem>>, vector<16xf32>,
    tpu.vector_store %arg15[%swap3A_29], %broadcast_in_dim3A_3 {strides = array<i32>} : memref<272xf32, #tpu.memory_space<vmem>>, vector<16xf32>,
    %swap3A_31 = arith.constant 96 : index
    %swap3A_32 = tpu.vector_load %arg14[%swap3A_31] {strides = array<i32>} : memref<272xi32, #tpu.memory_space<vmem>>, vector<16xi32>,
    tpu.vector_store %arg14[%swap3A_31], %broadcast_in_dim3A_1 {strides = array<i32>} : memref<272xi32, #tpu.memory_space<vmem>>, vector<16xi32>,
    %swap3A_33 = arith.constant 96 : index
    %swap3A_34 = tpu.vector_load %arg15[%swap3A_33] {strides = array<i32>} : memref<272xf32, #tpu.memory_space<vmem>>, vector<16xf32>,
    tpu.vector_store %arg15[%swap3A_33], %broadcast_in_dim3A_3 {strides = array<i32>} : memref<272xf32, #tpu.memory_space<vmem>>, vector<16xf32>,
    %swap3A_35 = arith.constant 112 : index
    %swap3A_36 = tpu.vector_load %arg14[%swap3A_35] {strides = array<i32>} : memref<272xi32, #tpu.memory_space<vmem>>, vector<16xi32>,
    tpu.vector_store %arg14[%swap3A_35], %broadcast_in_dim3A_1 {strides = array<i32>} : memref<272xi32, #tpu.memory_space<vmem>>, vector<16xi32>,
    %swap3A_37 = arith.constant 112 : index
    %swap3A_38 = tpu.vector_load %arg15[%swap3A_37] {strides = array<i32>} : memref<272xf32, #tpu.memory_space<vmem>>, vector<16xf32>,
    tpu.vector_store %arg15[%swap3A_37], %broadcast_in_dim3A_3 {strides = array<i32>} : memref<272xf32, #tpu.memory_space<vmem>>, vector<16xf32>,
    %swap3A_39 = arith.constant 128 : index
    %swap3A_40 = tpu.vector_load %arg14[%swap3A_39] {strides = array<i32>} : memref<272xi32, #tpu.memory_space<vmem>>, vector<16xi32>,
    tpu.vector_store %arg14[%swap3A_39], %broadcast_in_dim3A_1 {strides = array<i32>} : memref<272xi32, #tpu.memory_space<vmem>>, vector<16xi32>,
    %swap3A_41 = arith.constant 128 : index
    %swap3A_42 = tpu.vector_load %arg15[%swap3A_41] {strides = array<i32>} : memref<272xf32, #tpu.memory_space<vmem>>, vector<16xf32>,
    tpu.vector_store %arg15[%swap3A_41], %broadcast_in_dim3A_3 {strides = array<i32>} : memref<272xf32, #tpu.memory_space<vmem>>, vector<16xf32>,
    %swap3A_43 = arith.constant 144 : index
    %swap3A_44 = tpu.vector_load %arg14[%swap3A_43] {strides = array<i32>} : memref<272xi32, #tpu.memory_space<vmem>>, vector<16xi32>,
    tpu.vector_store %arg14[%swap3A_43], %broadcast_in_dim3A_1 {strides = array<i32>} : memref<272xi32, #tpu.memory_space<vmem>>, vector<16xi32>,
    %swap3A_45 = arith.constant 144 : index
    %swap3A_46 = tpu.vector_load %arg15[%swap3A_45] {strides = array<i32>} : memref<272xf32, #tpu.memory_space<vmem>>, vector<16xf32>,
    tpu.vector_store %arg15[%swap3A_45], %broadcast_in_dim3A_3 {strides = array<i32>} : memref<272xf32, #tpu.memory_space<vmem>>, vector<16xf32>,
    %swap3A_47 = arith.constant 160 : index
    %swap3A_48 = tpu.vector_load %arg14[%swap3A_47] {strides = array<i32>} : memref<272xi32, #tpu.memory_space<vmem>>, vector<16xi32>,
    tpu.vector_store %arg14[%swap3A_47], %broadcast_in_dim3A_1 {strides = array<i32>} : memref<272xi32, #tpu.memory_space<vmem>>, vector<16xi32>,
    %swap3A_49 = arith.constant 160 : index
    %swap3A_50 = tpu.vector_load %arg15[%swap3A_49] {strides = array<i32>} : memref<272xf32, #tpu.memory_space<vmem>>, vector<16xf32>,
    tpu.vector_store %arg15[%swap3A_49], %broadcast_in_dim3A_3 {strides = array<i32>} : memref<272xf32, #tpu.memory_space<vmem>>, vector<16xf32>,
    %swap3A_51 = arith.constant 176 : index
    %swap3A_52 = tpu.vector_load %arg14[%swap3A_51] {strides = array<i32>} : memref<272xi32, #tpu.memory_space<vmem>>, vector<16xi32>,
    tpu.vector_store %arg14[%swap3A_51], %broadcast_in_dim3A_1 {strides = array<i32>} : memref<272xi32, #tpu.memory_space<vmem>>, vector<16xi32>,
    %swap3A_53 = arith.constant 176 : index
    %swap3A_54 = tpu.vector_load %arg15[%swap3A_53] {strides = array<i32>} : memref<272xf32, #tpu.memory_space<vmem>>, vector<16xf32>,
    tpu.vector_store %arg15[%swap3A_53], %broadcast_in_dim3A_3 {strides = array<i32>} : memref<272xf32, #tpu.memory_space<vmem>>, vector<16xf32>,
    %swap3A_55 = arith.constant 192 : index
    %swap3A_56 = tpu.vector_load %arg14[%swap3A_55] {strides = array<i32>} : memref<272xi32, #tpu.memory_space<vmem>>, vector<16xi32>,
    tpu.vector_store %arg14[%swap3A_55], %broadcast_in_dim3A_1 {strides = array<i32>} : memref<272xi32, #tpu.memory_space<vmem>>, vector<16xi32>,
    %swap3A_57 = arith.constant 192 : index
    %swap3A_58 = tpu.vector_load %arg15[%swap3A_57] {strides = array<i32>} : memref<272xf32, #tpu.memory_space<vmem>>, vector<16xf32>,
    tpu.vector_store %arg15[%swap3A_57], %broadcast_in_dim3A_3 {strides = array<i32>} : memref<272xf32, #tpu.memory_space<vmem>>, vector<16xf32>,
    %swap3A_59 = arith.constant 208 : index
    %swap3A_60 = tpu.vector_load %arg14[%swap3A_59] {strides = array<i32>} : memref<272xi32, #tpu.memory_space<vmem>>, vector<16xi32>,
    tpu.vector_store %arg14[%swap3A_59], %broadcast_in_dim3A_1 {strides = array<i32>} : memref<272xi32, #tpu.memory_space<vmem>>, vector<16xi32>,
    %swap3A_61 = arith.constant 208 : index
    %swap3A_62 = tpu.vector_load %arg15[%swap3A_61] {strides = array<i32>} : memref<272xf32, #tpu.memory_space<vmem>>, vector<16xf32>,
    tpu.vector_store %arg15[%swap3A_61], %broadcast_in_dim3A_3 {strides = array<i32>} : memref<272xf32, #tpu.memory_space<vmem>>, vector<16xf32>,
    %swap3A_63 = arith.constant 224 : index
    %swap3A_64 = tpu.vector_load %arg14[%swap3A_63] {strides = array<i32>} : memref<272xi32, #tpu.memory_space<vmem>>, vector<16xi32>,
    tpu.vector_store %arg14[%swap3A_63], %broadcast_in_dim3A_1 {strides = array<i32>} : memref<272xi32, #tpu.memory_space<vmem>>, vector<16xi32>,
    %swap3A_65 = arith.constant 224 : index
    %swap3A_66 = tpu.vector_load %arg15[%swap3A_65] {strides = array<i32>} : memref<272xf32, #tpu.memory_space<vmem>>, vector<16xf32>,
    tpu.vector_store %arg15[%swap3A_65], %broadcast_in_dim3A_3 {strides = array<i32>} : memref<272xf32, #tpu.memory_space<vmem>>, vector<16xf32>,
    %swap3A_67 = arith.constant 240 : index
    %swap3A_68 = tpu.vector_load %arg14[%swap3A_67] {strides = array<i32>} : memref<272xi32, #tpu.memory_space<vmem>>, vector<16xi32>,
    tpu.vector_store %arg14[%swap3A_67], %broadcast_in_dim3A_1 {strides = array<i32>} : memref<272xi32, #tpu.memory_space<vmem>>, vector<16xi32>,
    %swap3A_69 = arith.constant 240 : index
    %swap3A_70 = tpu.vector_load %arg15[%swap3A_69] {strides = array<i32>} : memref<272xf32, #tpu.memory_space<vmem>>, vector<16xf32>,
    tpu.vector_store %arg15[%swap3A_69], %broadcast_in_dim3A_3 {strides = array<i32>} : memref<272xf32, #tpu.memory_space<vmem>>, vector<16xf32>,
    %swap3A_71 = arith.constant 256 : index
    %swap3A_72 = tpu.vector_load %arg14[%swap3A_71] {strides = array<i32>} : memref<272xi32, #tpu.memory_space<vmem>>, vector<16xi32>,
    tpu.vector_store %arg14[%swap3A_71], %broadcast_in_dim3A_1 {strides = array<i32>} : memref<272xi32, #tpu.memory_space<vmem>>, vector<16xi32>,
    %swap3A_73 = arith.constant 256 : index
    %swap3A_74 = tpu.vector_load %arg15[%swap3A_73] {strides = array<i32>} : memref<272xf32, #tpu.memory_space<vmem>>, vector<16xf32>,
    tpu.vector_store %arg15[%swap3A_73], %broadcast_in_dim3A_3 {strides = array<i32>} : memref<272xf32, #tpu.memory_space<vmem>>, vector<16xf32>,
    %scan3A = arith.constant 0 : i32
    %scan3A_75 = arith.constant 0 : i32
    %scan3A_76 = arith.constant 128 : i32
    %scan3A_77 = arith.addi %scan3A_75, %scan3A_76 : i32
    %scan3A_78 = arith.constant 1 : i32
    %scan3A_79 = scf.for %scan3A_210 = %scan3A_75 to %scan3A_77 step %scan3A_78 iter_args(%scan3A_211 = %scan3A) -> (i32)  : i32 {
      %mul3A_212 = arith.constant 16 : i32
      %mul3A_213 = arith.muli %scan3A_210, %mul3A_212 : i32
      %get3A_214 = arith.index_cast %mul3A_213 : i32 to index
      %get3A_215 = tpu.vector_load %arg10[%get3A_214] {strides = array<i32>} : memref<2048xi32, #tpu.memory_space<vmem>>, vector<16xi32>,
      %mul3A_216 = arith.constant 16 : i32
      %mul3A_217 = arith.muli %scan3A_210, %mul3A_216 : i32
      %get3A_218 = arith.index_cast %mul3A_217 : i32 to index
      %get3A_219 = tpu.vector_load %arg11[%get3A_218] {strides = array<i32>} : memref<2048xi32, #tpu.memory_space<vmem>>, vector<16xi32>,
      %eq3A_220 = vector.broadcast %add3A_7 : i32 to vector<16xi32>
      %eq3A_221 = arith.cmpi eq, %get3A_215, %eq3A_220 : vector<16xi32>
      %eq3A_222 = vector.broadcast %add3A_7 : i32 to vector<16xi32>
      %eq3A_223 = arith.cmpi eq, %get3A_219, %eq3A_222 : vector<16xi32>
      %or3A = arith.ori %eq3A_221, %eq3A_223 : vector<16xi1>
      %mul3A_224 = arith.constant 16 : i32
      %mul3A_225 = arith.muli %scan3A_210, %mul3A_224 : i32
      %get3A_226 = arith.index_cast %mul3A_225 : i32 to index
      %get3A_227 = tpu.vector_load %arg12[%get3A_226] {strides = array<i32>} : memref<2048xf32, #tpu.memory_space<vmem>>, vector<16xf32>,
      %mul3A_228 = arith.constant 16 : i32
      %mul3A_229 = arith.muli %scan3A_210, %mul3A_228 : i32
      %get3A_230 = arith.index_cast %mul3A_229 : i32 to index
      %get3A_231 = tpu.vector_load %arg13[%get3A_230] {strides = array<i32>} : memref<2048xf32, #tpu.memory_space<vmem>>, vector<16xf32>,
      %select_n3A_232 = arith.select %eq3A_221, %get3A_227, %get3A_231 : vector<16xi1>, vector<16xf32>
      %iota3A_233 = tpu.iota {dimensions = array<i32: 0>} : vector<16xi32>
      %mul3A_234 = arith.constant 16 : i32
      %mul3A_235 = arith.muli %scan3A_210, %mul3A_234 : i32
      %add3A_236 = vector.broadcast %mul3A_235 : i32 to vector<16xi32>
      %add3A_237 = arith.addi %iota3A_233, %add3A_236 : vector<16xi32>
      %broadcast_in_dim3A_238 = arith.constant 1 : i32
      %broadcast_in_dim3A_239 = vector.broadcast %broadcast_in_dim3A_238 : i32 to vector<16xi32>
      %masked_cumsum3A = tpu.scan <sum>, %broadcast_in_dim3A_239 masked %or3A : vector<16xi32>, vector<16xi1> -> vector<16xi32>
      %add3A_240 = vector.broadcast %scan3A_211 : i32 to vector<16xi32>
      %add3A_241 = arith.addi %add3A_240, %masked_cumsum3A : vector<16xi32>
      %sub3A = arith.constant 1 : i32
      %sub3A_242 = vector.broadcast %sub3A : i32 to vector<16xi32>
      %sub3A_243 = arith.subi %add3A_241, %sub3A_242 : vector<16xi32>
      %lt3A = arith.constant 255 : i32
      %lt3A_244 = arith.cmpi slt, %scan3A_211, %lt3A : i32
      %convert_element_type3A = arith.extui %lt3A_244 : i1 to i32
      %cond3A = arith.constant 0 : i32
      %cond3A_245 = arith.cmpi ne, %convert_element_type3A, %cond3A : i32
      scf.if %cond3A_245 {
        tpu.vector_store_idx %arg14[%sub3A_243], %add3A_237 masked %or3A : memref<272xi32, #tpu.memory_space<vmem>>[vector<16xi32>], vector<16xi32>, vector<16xi1>
        tpu.vector_store_idx %arg15[%sub3A_243], %select_n3A_232 masked %or3A : memref<272xf32, #tpu.memory_space<vmem>>[vector<16xi32>], vector<16xf32>, vector<16xi1>
      } else {
      }
      %all_reduce_population_count3A = tpu.all_reduce %or3A {dim = 0 : i64, kind = #tpu.reduction_kind<sum>} : vector<16xi1> -> vector<16xi32>
      %reduce_max3A = arith.constant true
      %reduce_max3A_246 = vector.broadcast %reduce_max3A : i1 to vector<16xi1>
      %reduce_max3A_247 = arith.constant -2147483648 : i32
      %reduce_max3A_248 = vector.broadcast %reduce_max3A_247 : i32 to vector<16xi32>
      %reduce_max3A_249 = arith.xori %all_reduce_population_count3A, %reduce_max3A_248 : vector<16xi32>
      %reduce_max3A_250 = tpu.scan <max>, %reduce_max3A_249 masked %reduce_max3A_246 : vector<16xi32>, vector<16xi1> -> vector<16xi32>
      %reduce_max3A_251 = arith.xori %reduce_max3A_250, %reduce_max3A_248 : vector<16xi32>
      %reduce_max3A_252 = vector.extract %reduce_max3A_251[15] : i32 from vector<16xi32>
      %add3A_253 = arith.addi %scan3A_211, %reduce_max3A_252 : i32
      scf.yield %add3A_253 : i32
    }
    %scan3A_80 = arith.constant 128 : i32
    %min3A = arith.constant 255 : i32
    %min3A_81 = arith.minsi %scan3A_79, %min3A : i32
    %iota3A = tpu.iota {dimensions = array<i32: 0>} : vector<16xi32>
    %get3A = arith.constant 240 : index
    %get3A_82 = tpu.vector_load %arg15[%get3A] {strides = array<i32>} : memref<272xf32, #tpu.memory_space<vmem>>, vector<16xf32>,
    %eq3A = arith.constant 15 : i32
    %eq3A_83 = vector.broadcast %eq3A : i32 to vector<16xi32>
    %eq3A_84 = arith.cmpi eq, %iota3A, %eq3A_83 : vector<16xi32>
    %jit3A = arith.constant 0.000000e+00 : f32
    %broadcast_in_dim3A_85 = vector.broadcast %jit3A : f32 to vector<16xf32>
    %select_n3A = arith.select %eq3A_84, %broadcast_in_dim3A_85, %get3A_82 : vector<16xi1>, vector<16xf32>
    %swap3A_86 = arith.constant 240 : index
    %swap3A_87 = tpu.vector_load %arg15[%swap3A_86] {strides = array<i32>} : memref<272xf32, #tpu.memory_space<vmem>>, vector<16xf32>,
    tpu.vector_store %arg15[%swap3A_86], %select_n3A {strides = array<i32>} : memref<272xf32, #tpu.memory_space<vmem>>, vector<16xf32>,
    %mul3A_88 = arith.constant 256 : i32
    %mul3A_89 = arith.muli %add3A_7, %mul3A_88 : i32
    "tpu.region"() ({
      %run_scoped3A = tpu.sem_alloc : memref<!tpu.dma_semaphore, #tpu.memory_space<semaphore_mem>>
      %dma_start3A = arith.constant 0 : i32
      %dma_start3A_210 = tpu.memref_slice %arg14[%dma_start3A] : memref<272xi32, #tpu.memory_space<vmem>> -> memref<256xi32, #tpu.memory_space<vmem>>
      %dma_start3A_211 = tpu.memref_slice %arg7[%mul3A_89] : memref<16384xi32, #tpu.memory_space<hbm>> -> memref<256xi32, #tpu.memory_space<hbm>>
      %dma_start3A_212 = tpu.memref_slice %arg7[%mul3A_89] : memref<16384xi32, #tpu.memory_space<hbm>> -> memref<256xi32, #tpu.memory_space<hbm>>
      %dma_start3A_213 = arith.constant 0 : i32
      %dma_start3A_214 = tpu.memref_slice %arg14[%dma_start3A_213] : memref<272xi32, #tpu.memory_space<vmem>> -> memref<256xi32, #tpu.memory_space<vmem>>
      tpu.enqueue_dma source(%dma_start3A_214 : memref<256xi32, #tpu.memory_space<vmem>>) target(%dma_start3A_212 : memref<256xi32, #tpu.memory_space<hbm>>) target_semaphore(%run_scoped3A : memref<!tpu.dma_semaphore, #tpu.memory_space<semaphore_mem>>)
      %dma_wait3A = arith.constant 0 : i32
      %dma_wait3A_215 = tpu.memref_slice %arg14[%dma_wait3A] : memref<272xi32, #tpu.memory_space<vmem>> -> memref<256xi32, #tpu.memory_space<vmem>>
      %dma_wait3A_216 = tpu.memref_slice %arg7[%mul3A_89] : memref<16384xi32, #tpu.memory_space<hbm>> -> memref<256xi32, #tpu.memory_space<hbm>>
      %dma_wait3A_217 = tpu.memref_slice %arg7[%mul3A_89] : memref<16384xi32, #tpu.memory_space<hbm>> -> memref<256xi32, #tpu.memory_space<hbm>>
      %dma_wait3A_218 = arith.constant 0 : i32
      %dma_wait3A_219 = tpu.memref_slice %arg14[%dma_wait3A_218] : memref<272xi32, #tpu.memory_space<vmem>> -> memref<256xi32, #tpu.memory_space<vmem>>
      tpu.wait_dma2 semaphore(%run_scoped3A : memref<!tpu.dma_semaphore, #tpu.memory_space<semaphore_mem>>) src(%dma_wait3A_219 : memref<256xi32, #tpu.memory_space<vmem>>) dst(%dma_wait3A_217 : memref<256xi32, #tpu.memory_space<hbm>>)
      tpu.yield
    }) : () -> ()
    "tpu.region"() ({
      %run_scoped3A = tpu.sem_alloc : memref<!tpu.dma_semaphore, #tpu.memory_space<semaphore_mem>>
      %dma_start3A = arith.constant 0 : i32
      %dma_start3A_210 = tpu.memref_slice %arg15[%dma_start3A] : memref<272xf32, #tpu.memory_space<vmem>> -> memref<256xf32, #tpu.memory_space<vmem>>
      %dma_start3A_211 = arith.constant 0 : i32
      %dma_start3A_212 = tpu.memref_slice %arg8[%add3A_7, %dma_start3A_211] : memref<64x256xf32, #tpu.memory_space<hbm>> -> memref<1x256xf32, #tpu.memory_space<hbm>>
      %dma_start3A_213 = tpu.memref_squeeze %dma_start3A_212 : memref<1x256xf32, #tpu.memory_space<hbm>> -> memref<256xf32, #tpu.memory_space<hbm>>
      %dma_start3A_214 = arith.constant 0 : i32
      %dma_start3A_215 = tpu.memref_slice %arg8[%add3A_7, %dma_start3A_214] : memref<64x256xf32, #tpu.memory_space<hbm>> -> memref<1x256xf32, #tpu.memory_space<hbm>>
      %dma_start3A_216 = tpu.memref_squeeze %dma_start3A_215 : memref<1x256xf32, #tpu.memory_space<hbm>> -> memref<256xf32, #tpu.memory_space<hbm>>
      %dma_start3A_217 = arith.constant 0 : i32
      %dma_start3A_218 = tpu.memref_slice %arg15[%dma_start3A_217] : memref<272xf32, #tpu.memory_space<vmem>> -> memref<256xf32, #tpu.memory_space<vmem>>
      tpu.enqueue_dma source(%dma_start3A_218 : memref<256xf32, #tpu.memory_space<vmem>>) target(%dma_start3A_216 : memref<256xf32, #tpu.memory_space<hbm>>) target_semaphore(%run_scoped3A : memref<!tpu.dma_semaphore, #tpu.memory_space<semaphore_mem>>)
      %dma_wait3A = arith.constant 0 : i32
      %dma_wait3A_219 = tpu.memref_slice %arg15[%dma_wait3A] : memref<272xf32, #tpu.memory_space<vmem>> -> memref<256xf32, #tpu.memory_space<vmem>>
      %dma_wait3A_220 = arith.constant 0 : i32
      %dma_wait3A_221 = tpu.memref_slice %arg8[%add3A_7, %dma_wait3A_220] : memref<64x256xf32, #tpu.memory_space<hbm>> -> memref<1x256xf32, #tpu.memory_space<hbm>>
      %dma_wait3A_222 = tpu.memref_squeeze %dma_wait3A_221 : memref<1x256xf32, #tpu.memory_space<hbm>> -> memref<256xf32, #tpu.memory_space<hbm>>
      %dma_wait3A_223 = arith.constant 0 : i32
      %dma_wait3A_224 = tpu.memref_slice %arg8[%add3A_7, %dma_wait3A_223] : memref<64x256xf32, #tpu.memory_space<hbm>> -> memref<1x256xf32, #tpu.memory_space<hbm>>
      %dma_wait3A_225 = tpu.memref_squeeze %dma_wait3A_224 : memref<1x256xf32, #tpu.memory_space<hbm>> -> memref<256xf32, #tpu.memory_space<hbm>>
      %dma_wait3A_226 = arith.constant 0 : i32
      %dma_wait3A_227 = tpu.memref_slice %arg15[%dma_wait3A_226] : memref<272xf32, #tpu.memory_space<vmem>> -> memref<256xf32, #tpu.memory_space<vmem>>
      tpu.wait_dma2 semaphore(%run_scoped3A : memref<!tpu.dma_semaphore, #tpu.memory_space<semaphore_mem>>) src(%dma_wait3A_227 : memref<256xf32, #tpu.memory_space<vmem>>) dst(%dma_wait3A_225 : memref<256xf32, #tpu.memory_space<hbm>>)
      tpu.yield
    }) : () -> ()
    %add3A_90 = arith.constant 63 : i32
    %add3A_91 = arith.addi %min3A_81, %add3A_90 : i32
    %div3A = arith.constant 64 : i32
    %div3A_92 = arith.divsi %add3A_91, %div3A : i32
    %while3A = arith.constant 0 : i32
    %while3A_93 = arith.constant 0 : i32
    %while3A_94 = arith.subi %div3A_92, %while3A_93 : i32
    %while3A_95 = arith.addi %while3A_93, %while3A_94 : i32
    %while3A_96 = arith.constant 1 : i32
    %while3A_97 = arith.divsi %while3A_94, %while3A_96 : i32
    %while3A_98 = arith.muli %while3A_97, %while3A_96 : i32
    %while3A_99 = arith.addi %while3A_93, %while3A_98 : i32
    %while3A_100 = arith.constant 1 : i32
    scf.for %while3A_210 = %while3A_93 to %while3A_99 step %while3A_100  : i32 {
      %mul3A_211 = arith.constant 64 : i32
      %mul3A_212 = arith.muli %while3A_210, %mul3A_211 : i32
      %dma_start3A = tpu.memref_slice %arg14[%mul3A_212] : memref<272xi32, #tpu.memory_space<vmem>> -> memref<64xi32, #tpu.memory_space<vmem>>
      %dma_start3A_213 = arith.constant 0 : i32
      %dma_start3A_214 = arith.constant 0 : i32
      %dma_start3A_215 = tpu.memref_slice %arg6[%dma_start3A_213, %dma_start3A_214] : memref<2048x768xf32, #tpu.memory_space<hbm>> -> memref<2048x768xf32, #tpu.memory_space<hbm>>
      tpu.enqueue_indirect_dma source(%dma_start3A_215 : memref<2048x768xf32, #tpu.memory_space<hbm>>) target(%arg16 : memref<64x768xf32, #tpu.memory_space<vmem>>) offsets(%dma_start3A : memref<64xi32, #tpu.memory_space<vmem>>) semaphore(%arg17 : memref<!tpu.dma_semaphore, #tpu.memory_space<semaphore_mem>>)
      %dma_wait3A = tpu.memref_slice %arg14[%mul3A_212] : memref<272xi32, #tpu.memory_space<vmem>> -> memref<64xi32, #tpu.memory_space<vmem>>
      %dma_wait3A_216 = arith.constant 0 : i32
      %dma_wait3A_217 = arith.constant 0 : i32
      %dma_wait3A_218 = tpu.memref_slice %arg6[%dma_wait3A_216, %dma_wait3A_217] : memref<2048x768xf32, #tpu.memory_space<hbm>> -> memref<2048x768xf32, #tpu.memory_space<hbm>>
      tpu.wait_indirect_dma semaphore(%arg17 : memref<!tpu.dma_semaphore, #tpu.memory_space<semaphore_mem>>) src(%dma_wait3A_218 : memref<2048x768xf32, #tpu.memory_space<hbm>>) dst(%arg16 : memref<64x768xf32, #tpu.memory_space<vmem>>)
      %mul3A_219 = arith.constant 256 : i32
      %mul3A_220 = arith.muli %add3A_7, %mul3A_219 : i32
      %mul3A_221 = arith.constant 64 : i32
      %mul3A_222 = arith.muli %while3A_210, %mul3A_221 : i32
      %add3A_223 = arith.addi %mul3A_220, %mul3A_222 : i32
      "tpu.region"() ({
        %run_scoped3A = tpu.sem_alloc : memref<!tpu.dma_semaphore, #tpu.memory_space<semaphore_mem>>
        %dma_start3A_224 = arith.constant 0 : i32
        %dma_start3A_225 = tpu.memref_slice %arg9[%add3A_223, %dma_start3A_224] : memref<16384x768xf32, #tpu.memory_space<hbm>> -> memref<64x768xf32, #tpu.memory_space<hbm>>
        %dma_start3A_226 = arith.constant 0 : i32
        %dma_start3A_227 = tpu.memref_slice %arg9[%add3A_223, %dma_start3A_226] : memref<16384x768xf32, #tpu.memory_space<hbm>> -> memref<64x768xf32, #tpu.memory_space<hbm>>
        tpu.enqueue_dma source(%arg16 : memref<64x768xf32, #tpu.memory_space<vmem>>) target(%dma_start3A_227 : memref<64x768xf32, #tpu.memory_space<hbm>>) target_semaphore(%run_scoped3A : memref<!tpu.dma_semaphore, #tpu.memory_space<semaphore_mem>>)
        %dma_wait3A_228 = arith.constant 0 : i32
        %dma_wait3A_229 = tpu.memref_slice %arg9[%add3A_223, %dma_wait3A_228] : memref<16384x768xf32, #tpu.memory_space<hbm>> -> memref<64x768xf32, #tpu.memory_space<hbm>>
        %dma_wait3A_230 = arith.constant 0 : i32
        %dma_wait3A_231 = tpu.memref_slice %arg9[%add3A_223, %dma_wait3A_230] : memref<16384x768xf32, #tpu.memory_space<hbm>> -> memref<64x768xf32, #tpu.memory_space<hbm>>
        tpu.wait_dma2 semaphore(%run_scoped3A : memref<!tpu.dma_semaphore, #tpu.memory_space<semaphore_mem>>) src(%arg16 : memref<64x768xf32, #tpu.memory_space<vmem>>) dst(%dma_wait3A_231 : memref<64x768xf32, #tpu.memory_space<hbm>>)
        tpu.yield
      }) : () -> ()
    }
    %while3A_101 = arith.constant 1 : i32
    scf.for %while3A_210 = %while3A_99 to %while3A_95 step %while3A_101  : i32 {
      %mul3A_211 = arith.constant 64 : i32
      %mul3A_212 = arith.muli %while3A_210, %mul3A_211 : i32
      %dma_start3A = tpu.memref_slice %arg14[%mul3A_212] : memref<272xi32, #tpu.memory_space<vmem>> -> memref<64xi32, #tpu.memory_space<vmem>>
      %dma_start3A_213 = arith.constant 0 : i32
      %dma_start3A_214 = arith.constant 0 : i32
      %dma_start3A_215 = tpu.memref_slice %arg6[%dma_start3A_213, %dma_start3A_214] : memref<2048x768xf32, #tpu.memory_space<hbm>> -> memref<2048x768xf32, #tpu.memory_space<hbm>>
      tpu.enqueue_indirect_dma source(%dma_start3A_215 : memref<2048x768xf32, #tpu.memory_space<hbm>>) target(%arg16 : memref<64x768xf32, #tpu.memory_space<vmem>>) offsets(%dma_start3A : memref<64xi32, #tpu.memory_space<vmem>>) semaphore(%arg17 : memref<!tpu.dma_semaphore, #tpu.memory_space<semaphore_mem>>)
      %dma_wait3A = tpu.memref_slice %arg14[%mul3A_212] : memref<272xi32, #tpu.memory_space<vmem>> -> memref<64xi32, #tpu.memory_space<vmem>>
      %dma_wait3A_216 = arith.constant 0 : i32
      %dma_wait3A_217 = arith.constant 0 : i32
      %dma_wait3A_218 = tpu.memref_slice %arg6[%dma_wait3A_216, %dma_wait3A_217] : memref<2048x768xf32, #tpu.memory_space<hbm>> -> memref<2048x768xf32, #tpu.memory_space<hbm>>
      tpu.wait_indirect_dma semaphore(%arg17 : memref<!tpu.dma_semaphore, #tpu.memory_space<semaphore_mem>>) src(%dma_wait3A_218 : memref<2048x768xf32, #tpu.memory_space<hbm>>) dst(%arg16 : memref<64x768xf32, #tpu.memory_space<vmem>>)
      %mul3A_219 = arith.constant 256 : i32
      %mul3A_220 = arith.muli %add3A_7, %mul3A_219 : i32
      %mul3A_221 = arith.constant 64 : i32
      %mul3A_222 = arith.muli %while3A_210, %mul3A_221 : i32
      %add3A_223 = arith.addi %mul3A_220, %mul3A_222 : i32
      "tpu.region"() ({
        %run_scoped3A = tpu.sem_alloc : memref<!tpu.dma_semaphore, #tpu.memory_space<semaphore_mem>>
        %dma_start3A_224 = arith.constant 0 : i32
        %dma_start3A_225 = tpu.memref_slice %arg9[%add3A_223, %dma_start3A_224] : memref<16384x768xf32, #tpu.memory_space<hbm>> -> memref<64x768xf32, #tpu.memory_space<hbm>>
        %dma_start3A_226 = arith.constant 0 : i32
        %dma_start3A_227 = tpu.memref_slice %arg9[%add3A_223, %dma_start3A_226] : memref<16384x768xf32, #tpu.memory_space<hbm>> -> memref<64x768xf32, #tpu.memory_space<hbm>>
        tpu.enqueue_dma source(%arg16 : memref<64x768xf32, #tpu.memory_space<vmem>>) target(%dma_start3A_227 : memref<64x768xf32, #tpu.memory_space<hbm>>) target_semaphore(%run_scoped3A : memref<!tpu.dma_semaphore, #tpu.memory_space<semaphore_mem>>)
        %dma_wait3A_228 = arith.constant 0 : i32
        %dma_wait3A_229 = tpu.memref_slice %arg9[%add3A_223, %dma_wait3A_228] : memref<16384x768xf32, #tpu.memory_space<hbm>> -> memref<64x768xf32, #tpu.memory_space<hbm>>
        %dma_wait3A_230 = arith.constant 0 : i32
        %dma_wait3A_231 = tpu.memref_slice %arg9[%add3A_223, %dma_wait3A_230] : memref<16384x768xf32, #tpu.memory_space<hbm>> -> memref<64x768xf32, #tpu.memory_space<hbm>>
        tpu.wait_dma2 semaphore(%run_scoped3A : memref<!tpu.dma_semaphore, #tpu.memory_space<semaphore_mem>>) src(%arg16 : memref<64x768xf32, #tpu.memory_space<vmem>>) dst(%dma_wait3A_231 : memref<64x768xf32, #tpu.memory_space<hbm>>)
        tpu.yield
      }) : () -> ()
    }
    %mul3A_102 = arith.constant 2 : i32
    %mul3A_103 = arith.muli %add3A, %mul3A_102 : i32
    %add3A_104 = arith.constant 1 : i32
    %add3A_105 = arith.addi %mul3A_103, %add3A_104 : i32
    %swap3A_106 = arith.constant 0 : index
    %swap3A_107 = tpu.vector_load %arg14[%swap3A_106] {strides = array<i32>} : memref<272xi32, #tpu.memory_space<vmem>>, vector<16xi32>,
    tpu.vector_store %arg14[%swap3A_106], %broadcast_in_dim3A_1 {strides = array<i32>} : memref<272xi32, #tpu.memory_space<vmem>>, vector<16xi32>,
    %swap3A_108 = arith.constant 0 : index
    %swap3A_109 = tpu.vector_load %arg15[%swap3A_108] {strides = array<i32>} : memref<272xf32, #tpu.memory_space<vmem>>, vector<16xf32>,
    tpu.vector_store %arg15[%swap3A_108], %broadcast_in_dim3A_3 {strides = array<i32>} : memref<272xf32, #tpu.memory_space<vmem>>, vector<16xf32>,
    %swap3A_110 = arith.constant 16 : index
    %swap3A_111 = tpu.vector_load %arg14[%swap3A_110] {strides = array<i32>} : memref<272xi32, #tpu.memory_space<vmem>>, vector<16xi32>,
    tpu.vector_store %arg14[%swap3A_110], %broadcast_in_dim3A_1 {strides = array<i32>} : memref<272xi32, #tpu.memory_space<vmem>>, vector<16xi32>,
    %swap3A_112 = arith.constant 16 : index
    %swap3A_113 = tpu.vector_load %arg15[%swap3A_112] {strides = array<i32>} : memref<272xf32, #tpu.memory_space<vmem>>, vector<16xf32>,
    tpu.vector_store %arg15[%swap3A_112], %broadcast_in_dim3A_3 {strides = array<i32>} : memref<272xf32, #tpu.memory_space<vmem>>, vector<16xf32>,
    %swap3A_114 = arith.constant 32 : index
    %swap3A_115 = tpu.vector_load %arg14[%swap3A_114] {strides = array<i32>} : memref<272xi32, #tpu.memory_space<vmem>>, vector<16xi32>,
    tpu.vector_store %arg14[%swap3A_114], %broadcast_in_dim3A_1 {strides = array<i32>} : memref<272xi32, #tpu.memory_space<vmem>>, vector<16xi32>,
    %swap3A_116 = arith.constant 32 : index
    %swap3A_117 = tpu.vector_load %arg15[%swap3A_116] {strides = array<i32>} : memref<272xf32, #tpu.memory_space<vmem>>, vector<16xf32>,
    tpu.vector_store %arg15[%swap3A_116], %broadcast_in_dim3A_3 {strides = array<i32>} : memref<272xf32, #tpu.memory_space<vmem>>, vector<16xf32>,
    %swap3A_118 = arith.constant 48 : index
    %swap3A_119 = tpu.vector_load %arg14[%swap3A_118] {strides = array<i32>} : memref<272xi32, #tpu.memory_space<vmem>>, vector<16xi32>,
    tpu.vector_store %arg14[%swap3A_118], %broadcast_in_dim3A_1 {strides = array<i32>} : memref<272xi32, #tpu.memory_space<vmem>>, vector<16xi32>,
    %swap3A_120 = arith.constant 48 : index
    %swap3A_121 = tpu.vector_load %arg15[%swap3A_120] {strides = array<i32>} : memref<272xf32, #tpu.memory_space<vmem>>, vector<16xf32>,
    tpu.vector_store %arg15[%swap3A_120], %broadcast_in_dim3A_3 {strides = array<i32>} : memref<272xf32, #tpu.memory_space<vmem>>, vector<16xf32>,
    %swap3A_122 = arith.constant 64 : index
    %swap3A_123 = tpu.vector_load %arg14[%swap3A_122] {strides = array<i32>} : memref<272xi32, #tpu.memory_space<vmem>>, vector<16xi32>,
    tpu.vector_store %arg14[%swap3A_122], %broadcast_in_dim3A_1 {strides = array<i32>} : memref<272xi32, #tpu.memory_space<vmem>>, vector<16xi32>,
    %swap3A_124 = arith.constant 64 : index
    %swap3A_125 = tpu.vector_load %arg15[%swap3A_124] {strides = array<i32>} : memref<272xf32, #tpu.memory_space<vmem>>, vector<16xf32>,
    tpu.vector_store %arg15[%swap3A_124], %broadcast_in_dim3A_3 {strides = array<i32>} : memref<272xf32, #tpu.memory_space<vmem>>, vector<16xf32>,
    %swap3A_126 = arith.constant 80 : index
    %swap3A_127 = tpu.vector_load %arg14[%swap3A_126] {strides = array<i32>} : memref<272xi32, #tpu.memory_space<vmem>>, vector<16xi32>,
    tpu.vector_store %arg14[%swap3A_126], %broadcast_in_dim3A_1 {strides = array<i32>} : memref<272xi32, #tpu.memory_space<vmem>>, vector<16xi32>,
    %swap3A_128 = arith.constant 80 : index
    %swap3A_129 = tpu.vector_load %arg15[%swap3A_128] {strides = array<i32>} : memref<272xf32, #tpu.memory_space<vmem>>, vector<16xf32>,
    tpu.vector_store %arg15[%swap3A_128], %broadcast_in_dim3A_3 {strides = array<i32>} : memref<272xf32, #tpu.memory_space<vmem>>, vector<16xf32>,
    %swap3A_130 = arith.constant 96 : index
    %swap3A_131 = tpu.vector_load %arg14[%swap3A_130] {strides = array<i32>} : memref<272xi32, #tpu.memory_space<vmem>>, vector<16xi32>,
    tpu.vector_store %arg14[%swap3A_130], %broadcast_in_dim3A_1 {strides = array<i32>} : memref<272xi32, #tpu.memory_space<vmem>>, vector<16xi32>,
    %swap3A_132 = arith.constant 96 : index
    %swap3A_133 = tpu.vector_load %arg15[%swap3A_132] {strides = array<i32>} : memref<272xf32, #tpu.memory_space<vmem>>, vector<16xf32>,
    tpu.vector_store %arg15[%swap3A_132], %broadcast_in_dim3A_3 {strides = array<i32>} : memref<272xf32, #tpu.memory_space<vmem>>, vector<16xf32>,
    %swap3A_134 = arith.constant 112 : index
    %swap3A_135 = tpu.vector_load %arg14[%swap3A_134] {strides = array<i32>} : memref<272xi32, #tpu.memory_space<vmem>>, vector<16xi32>,
    tpu.vector_store %arg14[%swap3A_134], %broadcast_in_dim3A_1 {strides = array<i32>} : memref<272xi32, #tpu.memory_space<vmem>>, vector<16xi32>,
    %swap3A_136 = arith.constant 112 : index
    %swap3A_137 = tpu.vector_load %arg15[%swap3A_136] {strides = array<i32>} : memref<272xf32, #tpu.memory_space<vmem>>, vector<16xf32>,
    tpu.vector_store %arg15[%swap3A_136], %broadcast_in_dim3A_3 {strides = array<i32>} : memref<272xf32, #tpu.memory_space<vmem>>, vector<16xf32>,
    %swap3A_138 = arith.constant 128 : index
    %swap3A_139 = tpu.vector_load %arg14[%swap3A_138] {strides = array<i32>} : memref<272xi32, #tpu.memory_space<vmem>>, vector<16xi32>,
    tpu.vector_store %arg14[%swap3A_138], %broadcast_in_dim3A_1 {strides = array<i32>} : memref<272xi32, #tpu.memory_space<vmem>>, vector<16xi32>,
    %swap3A_140 = arith.constant 128 : index
    %swap3A_141 = tpu.vector_load %arg15[%swap3A_140] {strides = array<i32>} : memref<272xf32, #tpu.memory_space<vmem>>, vector<16xf32>,
    tpu.vector_store %arg15[%swap3A_140], %broadcast_in_dim3A_3 {strides = array<i32>} : memref<272xf32, #tpu.memory_space<vmem>>, vector<16xf32>,
    %swap3A_142 = arith.constant 144 : index
    %swap3A_143 = tpu.vector_load %arg14[%swap3A_142] {strides = array<i32>} : memref<272xi32, #tpu.memory_space<vmem>>, vector<16xi32>,
    tpu.vector_store %arg14[%swap3A_142], %broadcast_in_dim3A_1 {strides = array<i32>} : memref<272xi32, #tpu.memory_space<vmem>>, vector<16xi32>,
    %swap3A_144 = arith.constant 144 : index
    %swap3A_145 = tpu.vector_load %arg15[%swap3A_144] {strides = array<i32>} : memref<272xf32, #tpu.memory_space<vmem>>, vector<16xf32>,
    tpu.vector_store %arg15[%swap3A_144], %broadcast_in_dim3A_3 {strides = array<i32>} : memref<272xf32, #tpu.memory_space<vmem>>, vector<16xf32>,
    %swap3A_146 = arith.constant 160 : index
    %swap3A_147 = tpu.vector_load %arg14[%swap3A_146] {strides = array<i32>} : memref<272xi32, #tpu.memory_space<vmem>>, vector<16xi32>,
    tpu.vector_store %arg14[%swap3A_146], %broadcast_in_dim3A_1 {strides = array<i32>} : memref<272xi32, #tpu.memory_space<vmem>>, vector<16xi32>,
    %swap3A_148 = arith.constant 160 : index
    %swap3A_149 = tpu.vector_load %arg15[%swap3A_148] {strides = array<i32>} : memref<272xf32, #tpu.memory_space<vmem>>, vector<16xf32>,
    tpu.vector_store %arg15[%swap3A_148], %broadcast_in_dim3A_3 {strides = array<i32>} : memref<272xf32, #tpu.memory_space<vmem>>, vector<16xf32>,
    %swap3A_150 = arith.constant 176 : index
    %swap3A_151 = tpu.vector_load %arg14[%swap3A_150] {strides = array<i32>} : memref<272xi32, #tpu.memory_space<vmem>>, vector<16xi32>,
    tpu.vector_store %arg14[%swap3A_150], %broadcast_in_dim3A_1 {strides = array<i32>} : memref<272xi32, #tpu.memory_space<vmem>>, vector<16xi32>,
    %swap3A_152 = arith.constant 176 : index
    %swap3A_153 = tpu.vector_load %arg15[%swap3A_152] {strides = array<i32>} : memref<272xf32, #tpu.memory_space<vmem>>, vector<16xf32>,
    tpu.vector_store %arg15[%swap3A_152], %broadcast_in_dim3A_3 {strides = array<i32>} : memref<272xf32, #tpu.memory_space<vmem>>, vector<16xf32>,
    %swap3A_154 = arith.constant 192 : index
    %swap3A_155 = tpu.vector_load %arg14[%swap3A_154] {strides = array<i32>} : memref<272xi32, #tpu.memory_space<vmem>>, vector<16xi32>,
    tpu.vector_store %arg14[%swap3A_154], %broadcast_in_dim3A_1 {strides = array<i32>} : memref<272xi32, #tpu.memory_space<vmem>>, vector<16xi32>,
    %swap3A_156 = arith.constant 192 : index
    %swap3A_157 = tpu.vector_load %arg15[%swap3A_156] {strides = array<i32>} : memref<272xf32, #tpu.memory_space<vmem>>, vector<16xf32>,
    tpu.vector_store %arg15[%swap3A_156], %broadcast_in_dim3A_3 {strides = array<i32>} : memref<272xf32, #tpu.memory_space<vmem>>, vector<16xf32>,
    %swap3A_158 = arith.constant 208 : index
    %swap3A_159 = tpu.vector_load %arg14[%swap3A_158] {strides = array<i32>} : memref<272xi32, #tpu.memory_space<vmem>>, vector<16xi32>,
    tpu.vector_store %arg14[%swap3A_158], %broadcast_in_dim3A_1 {strides = array<i32>} : memref<272xi32, #tpu.memory_space<vmem>>, vector<16xi32>,
    %swap3A_160 = arith.constant 208 : index
    %swap3A_161 = tpu.vector_load %arg15[%swap3A_160] {strides = array<i32>} : memref<272xf32, #tpu.memory_space<vmem>>, vector<16xf32>,
    tpu.vector_store %arg15[%swap3A_160], %broadcast_in_dim3A_3 {strides = array<i32>} : memref<272xf32, #tpu.memory_space<vmem>>, vector<16xf32>,
    %swap3A_162 = arith.constant 224 : index
    %swap3A_163 = tpu.vector_load %arg14[%swap3A_162] {strides = array<i32>} : memref<272xi32, #tpu.memory_space<vmem>>, vector<16xi32>,
    tpu.vector_store %arg14[%swap3A_162], %broadcast_in_dim3A_1 {strides = array<i32>} : memref<272xi32, #tpu.memory_space<vmem>>, vector<16xi32>,
    %swap3A_164 = arith.constant 224 : index
    %swap3A_165 = tpu.vector_load %arg15[%swap3A_164] {strides = array<i32>} : memref<272xf32, #tpu.memory_space<vmem>>, vector<16xf32>,
    tpu.vector_store %arg15[%swap3A_164], %broadcast_in_dim3A_3 {strides = array<i32>} : memref<272xf32, #tpu.memory_space<vmem>>, vector<16xf32>,
    %swap3A_166 = arith.constant 240 : index
    %swap3A_167 = tpu.vector_load %arg14[%swap3A_166] {strides = array<i32>} : memref<272xi32, #tpu.memory_space<vmem>>, vector<16xi32>,
    tpu.vector_store %arg14[%swap3A_166], %broadcast_in_dim3A_1 {strides = array<i32>} : memref<272xi32, #tpu.memory_space<vmem>>, vector<16xi32>,
    %swap3A_168 = arith.constant 240 : index
    %swap3A_169 = tpu.vector_load %arg15[%swap3A_168] {strides = array<i32>} : memref<272xf32, #tpu.memory_space<vmem>>, vector<16xf32>,
    tpu.vector_store %arg15[%swap3A_168], %broadcast_in_dim3A_3 {strides = array<i32>} : memref<272xf32, #tpu.memory_space<vmem>>, vector<16xf32>,
    %swap3A_170 = arith.constant 256 : index
    %swap3A_171 = tpu.vector_load %arg14[%swap3A_170] {strides = array<i32>} : memref<272xi32, #tpu.memory_space<vmem>>, vector<16xi32>,
    tpu.vector_store %arg14[%swap3A_170], %broadcast_in_dim3A_1 {strides = array<i32>} : memref<272xi32, #tpu.memory_space<vmem>>, vector<16xi32>,
    %swap3A_172 = arith.constant 256 : index
    %swap3A_173 = tpu.vector_load %arg15[%swap3A_172] {strides = array<i32>} : memref<272xf32, #tpu.memory_space<vmem>>, vector<16xf32>,
    tpu.vector_store %arg15[%swap3A_172], %broadcast_in_dim3A_3 {strides = array<i32>} : memref<272xf32, #tpu.memory_space<vmem>>, vector<16xf32>,
    %scan3A_174 = arith.constant 0 : i32
    %scan3A_175 = arith.constant 0 : i32
    %scan3A_176 = arith.constant 128 : i32
    %scan3A_177 = arith.addi %scan3A_175, %scan3A_176 : i32
    %scan3A_178 = arith.constant 1 : i32
    %scan3A_179 = scf.for %scan3A_210 = %scan3A_175 to %scan3A_177 step %scan3A_178 iter_args(%scan3A_211 = %scan3A_174) -> (i32)  : i32 {
      %mul3A_212 = arith.constant 16 : i32
      %mul3A_213 = arith.muli %scan3A_210, %mul3A_212 : i32
      %get3A_214 = arith.index_cast %mul3A_213 : i32 to index
      %get3A_215 = tpu.vector_load %arg10[%get3A_214] {strides = array<i32>} : memref<2048xi32, #tpu.memory_space<vmem>>, vector<16xi32>,
      %mul3A_216 = arith.constant 16 : i32
      %mul3A_217 = arith.muli %scan3A_210, %mul3A_216 : i32
      %get3A_218 = arith.index_cast %mul3A_217 : i32 to index
      %get3A_219 = tpu.vector_load %arg11[%get3A_218] {strides = array<i32>} : memref<2048xi32, #tpu.memory_space<vmem>>, vector<16xi32>,
      %eq3A_220 = vector.broadcast %add3A_105 : i32 to vector<16xi32>
      %eq3A_221 = arith.cmpi eq, %get3A_215, %eq3A_220 : vector<16xi32>
      %eq3A_222 = vector.broadcast %add3A_105 : i32 to vector<16xi32>
      %eq3A_223 = arith.cmpi eq, %get3A_219, %eq3A_222 : vector<16xi32>
      %or3A = arith.ori %eq3A_221, %eq3A_223 : vector<16xi1>
      %mul3A_224 = arith.constant 16 : i32
      %mul3A_225 = arith.muli %scan3A_210, %mul3A_224 : i32
      %get3A_226 = arith.index_cast %mul3A_225 : i32 to index
      %get3A_227 = tpu.vector_load %arg12[%get3A_226] {strides = array<i32>} : memref<2048xf32, #tpu.memory_space<vmem>>, vector<16xf32>,
      %mul3A_228 = arith.constant 16 : i32
      %mul3A_229 = arith.muli %scan3A_210, %mul3A_228 : i32
      %get3A_230 = arith.index_cast %mul3A_229 : i32 to index
      %get3A_231 = tpu.vector_load %arg13[%get3A_230] {strides = array<i32>} : memref<2048xf32, #tpu.memory_space<vmem>>, vector<16xf32>,
      %select_n3A_232 = arith.select %eq3A_221, %get3A_227, %get3A_231 : vector<16xi1>, vector<16xf32>
      %iota3A_233 = tpu.iota {dimensions = array<i32: 0>} : vector<16xi32>
      %mul3A_234 = arith.constant 16 : i32
      %mul3A_235 = arith.muli %scan3A_210, %mul3A_234 : i32
      %add3A_236 = vector.broadcast %mul3A_235 : i32 to vector<16xi32>
      %add3A_237 = arith.addi %iota3A_233, %add3A_236 : vector<16xi32>
      %broadcast_in_dim3A_238 = arith.constant 1 : i32
      %broadcast_in_dim3A_239 = vector.broadcast %broadcast_in_dim3A_238 : i32 to vector<16xi32>
      %masked_cumsum3A = tpu.scan <sum>, %broadcast_in_dim3A_239 masked %or3A : vector<16xi32>, vector<16xi1> -> vector<16xi32>
      %add3A_240 = vector.broadcast %scan3A_211 : i32 to vector<16xi32>
      %add3A_241 = arith.addi %add3A_240, %masked_cumsum3A : vector<16xi32>
      %sub3A = arith.constant 1 : i32
      %sub3A_242 = vector.broadcast %sub3A : i32 to vector<16xi32>
      %sub3A_243 = arith.subi %add3A_241, %sub3A_242 : vector<16xi32>
      %lt3A = arith.constant 255 : i32
      %lt3A_244 = arith.cmpi slt, %scan3A_211, %lt3A : i32
      %convert_element_type3A = arith.extui %lt3A_244 : i1 to i32
      %cond3A = arith.constant 0 : i32
      %cond3A_245 = arith.cmpi ne, %convert_element_type3A, %cond3A : i32
      scf.if %cond3A_245 {
        tpu.vector_store_idx %arg14[%sub3A_243], %add3A_237 masked %or3A : memref<272xi32, #tpu.memory_space<vmem>>[vector<16xi32>], vector<16xi32>, vector<16xi1>
        tpu.vector_store_idx %arg15[%sub3A_243], %select_n3A_232 masked %or3A : memref<272xf32, #tpu.memory_space<vmem>>[vector<16xi32>], vector<16xf32>, vector<16xi1>
      } else {
      }
      %all_reduce_population_count3A = tpu.all_reduce %or3A {dim = 0 : i64, kind = #tpu.reduction_kind<sum>} : vector<16xi1> -> vector<16xi32>
      %reduce_max3A = arith.constant true
      %reduce_max3A_246 = vector.broadcast %reduce_max3A : i1 to vector<16xi1>
      %reduce_max3A_247 = arith.constant -2147483648 : i32
      %reduce_max3A_248 = vector.broadcast %reduce_max3A_247 : i32 to vector<16xi32>
      %reduce_max3A_249 = arith.xori %all_reduce_population_count3A, %reduce_max3A_248 : vector<16xi32>
      %reduce_max3A_250 = tpu.scan <max>, %reduce_max3A_249 masked %reduce_max3A_246 : vector<16xi32>, vector<16xi1> -> vector<16xi32>
      %reduce_max3A_251 = arith.xori %reduce_max3A_250, %reduce_max3A_248 : vector<16xi32>
      %reduce_max3A_252 = vector.extract %reduce_max3A_251[15] : i32 from vector<16xi32>
      %add3A_253 = arith.addi %scan3A_211, %reduce_max3A_252 : i32
      scf.yield %add3A_253 : i32
    }
    %scan3A_180 = arith.constant 128 : i32
    %min3A_181 = arith.constant 255 : i32
    %min3A_182 = arith.minsi %scan3A_179, %min3A_181 : i32
    %iota3A_183 = tpu.iota {dimensions = array<i32: 0>} : vector<16xi32>
    %get3A_184 = arith.constant 240 : index
    %get3A_185 = tpu.vector_load %arg15[%get3A_184] {strides = array<i32>} : memref<272xf32, #tpu.memory_space<vmem>>, vector<16xf32>,
    %eq3A_186 = arith.constant 15 : i32
    %eq3A_187 = vector.broadcast %eq3A_186 : i32 to vector<16xi32>
    %eq3A_188 = arith.cmpi eq, %iota3A_183, %eq3A_187 : vector<16xi32>
    %jit3A_189 = arith.constant 0.000000e+00 : f32
    %broadcast_in_dim3A_190 = vector.broadcast %jit3A_189 : f32 to vector<16xf32>
    %select_n3A_191 = arith.select %eq3A_188, %broadcast_in_dim3A_190, %get3A_185 : vector<16xi1>, vector<16xf32>
    %swap3A_192 = arith.constant 240 : index
    %swap3A_193 = tpu.vector_load %arg15[%swap3A_192] {strides = array<i32>} : memref<272xf32, #tpu.memory_space<vmem>>, vector<16xf32>,
    tpu.vector_store %arg15[%swap3A_192], %select_n3A_191 {strides = array<i32>} : memref<272xf32, #tpu.memory_space<vmem>>, vector<16xf32>,
    %mul3A_194 = arith.constant 256 : i32
    %mul3A_195 = arith.muli %add3A_105, %mul3A_194 : i32
    "tpu.region"() ({
      %run_scoped3A = tpu.sem_alloc : memref<!tpu.dma_semaphore, #tpu.memory_space<semaphore_mem>>
      %dma_start3A = arith.constant 0 : i32
      %dma_start3A_210 = tpu.memref_slice %arg14[%dma_start3A] : memref<272xi32, #tpu.memory_space<vmem>> -> memref<256xi32, #tpu.memory_space<vmem>>
      %dma_start3A_211 = tpu.memref_slice %arg7[%mul3A_195] : memref<16384xi32, #tpu.memory_space<hbm>> -> memref<256xi32, #tpu.memory_space<hbm>>
      %dma_start3A_212 = tpu.memref_slice %arg7[%mul3A_195] : memref<16384xi32, #tpu.memory_space<hbm>> -> memref<256xi32, #tpu.memory_space<hbm>>
      %dma_start3A_213 = arith.constant 0 : i32
      %dma_start3A_214 = tpu.memref_slice %arg14[%dma_start3A_213] : memref<272xi32, #tpu.memory_space<vmem>> -> memref<256xi32, #tpu.memory_space<vmem>>
      tpu.enqueue_dma source(%dma_start3A_214 : memref<256xi32, #tpu.memory_space<vmem>>) target(%dma_start3A_212 : memref<256xi32, #tpu.memory_space<hbm>>) target_semaphore(%run_scoped3A : memref<!tpu.dma_semaphore, #tpu.memory_space<semaphore_mem>>)
      %dma_wait3A = arith.constant 0 : i32
      %dma_wait3A_215 = tpu.memref_slice %arg14[%dma_wait3A] : memref<272xi32, #tpu.memory_space<vmem>> -> memref<256xi32, #tpu.memory_space<vmem>>
      %dma_wait3A_216 = tpu.memref_slice %arg7[%mul3A_195] : memref<16384xi32, #tpu.memory_space<hbm>> -> memref<256xi32, #tpu.memory_space<hbm>>
      %dma_wait3A_217 = tpu.memref_slice %arg7[%mul3A_195] : memref<16384xi32, #tpu.memory_space<hbm>> -> memref<256xi32, #tpu.memory_space<hbm>>
      %dma_wait3A_218 = arith.constant 0 : i32
      %dma_wait3A_219 = tpu.memref_slice %arg14[%dma_wait3A_218] : memref<272xi32, #tpu.memory_space<vmem>> -> memref<256xi32, #tpu.memory_space<vmem>>
      tpu.wait_dma2 semaphore(%run_scoped3A : memref<!tpu.dma_semaphore, #tpu.memory_space<semaphore_mem>>) src(%dma_wait3A_219 : memref<256xi32, #tpu.memory_space<vmem>>) dst(%dma_wait3A_217 : memref<256xi32, #tpu.memory_space<hbm>>)
      tpu.yield
    }) : () -> ()
    "tpu.region"() ({
      %run_scoped3A = tpu.sem_alloc : memref<!tpu.dma_semaphore, #tpu.memory_space<semaphore_mem>>
      %dma_start3A = arith.constant 0 : i32
      %dma_start3A_210 = tpu.memref_slice %arg15[%dma_start3A] : memref<272xf32, #tpu.memory_space<vmem>> -> memref<256xf32, #tpu.memory_space<vmem>>
      %dma_start3A_211 = arith.constant 0 : i32
      %dma_start3A_212 = tpu.memref_slice %arg8[%add3A_105, %dma_start3A_211] : memref<64x256xf32, #tpu.memory_space<hbm>> -> memref<1x256xf32, #tpu.memory_space<hbm>>
      %dma_start3A_213 = tpu.memref_squeeze %dma_start3A_212 : memref<1x256xf32, #tpu.memory_space<hbm>> -> memref<256xf32, #tpu.memory_space<hbm>>
      %dma_start3A_214 = arith.constant 0 : i32
      %dma_start3A_215 = tpu.memref_slice %arg8[%add3A_105, %dma_start3A_214] : memref<64x256xf32, #tpu.memory_space<hbm>> -> memref<1x256xf32, #tpu.memory_space<hbm>>
      %dma_start3A_216 = tpu.memref_squeeze %dma_start3A_215 : memref<1x256xf32, #tpu.memory_space<hbm>> -> memref<256xf32, #tpu.memory_space<hbm>>
      %dma_start3A_217 = arith.constant 0 : i32
      %dma_start3A_218 = tpu.memref_slice %arg15[%dma_start3A_217] : memref<272xf32, #tpu.memory_space<vmem>> -> memref<256xf32, #tpu.memory_space<vmem>>
      tpu.enqueue_dma source(%dma_start3A_218 : memref<256xf32, #tpu.memory_space<vmem>>) target(%dma_start3A_216 : memref<256xf32, #tpu.memory_space<hbm>>) target_semaphore(%run_scoped3A : memref<!tpu.dma_semaphore, #tpu.memory_space<semaphore_mem>>)
      %dma_wait3A = arith.constant 0 : i32
      %dma_wait3A_219 = tpu.memref_slice %arg15[%dma_wait3A] : memref<272xf32, #tpu.memory_space<vmem>> -> memref<256xf32, #tpu.memory_space<vmem>>
      %dma_wait3A_220 = arith.constant 0 : i32
      %dma_wait3A_221 = tpu.memref_slice %arg8[%add3A_105, %dma_wait3A_220] : memref<64x256xf32, #tpu.memory_space<hbm>> -> memref<1x256xf32, #tpu.memory_space<hbm>>
      %dma_wait3A_222 = tpu.memref_squeeze %dma_wait3A_221 : memref<1x256xf32, #tpu.memory_space<hbm>> -> memref<256xf32, #tpu.memory_space<hbm>>
      %dma_wait3A_223 = arith.constant 0 : i32
      %dma_wait3A_224 = tpu.memref_slice %arg8[%add3A_105, %dma_wait3A_223] : memref<64x256xf32, #tpu.memory_space<hbm>> -> memref<1x256xf32, #tpu.memory_space<hbm>>
      %dma_wait3A_225 = tpu.memref_squeeze %dma_wait3A_224 : memref<1x256xf32, #tpu.memory_space<hbm>> -> memref<256xf32, #tpu.memory_space<hbm>>
      %dma_wait3A_226 = arith.constant 0 : i32
      %dma_wait3A_227 = tpu.memref_slice %arg15[%dma_wait3A_226] : memref<272xf32, #tpu.memory_space<vmem>> -> memref<256xf32, #tpu.memory_space<vmem>>
      tpu.wait_dma2 semaphore(%run_scoped3A : memref<!tpu.dma_semaphore, #tpu.memory_space<semaphore_mem>>) src(%dma_wait3A_227 : memref<256xf32, #tpu.memory_space<vmem>>) dst(%dma_wait3A_225 : memref<256xf32, #tpu.memory_space<hbm>>)
      tpu.yield
    }) : () -> ()
    %add3A_196 = arith.constant 63 : i32
    %add3A_197 = arith.addi %min3A_182, %add3A_196 : i32
    %div3A_198 = arith.constant 64 : i32
    %div3A_199 = arith.divsi %add3A_197, %div3A_198 : i32
    %while3A_200 = arith.constant 0 : i32
    %while3A_201 = arith.constant 0 : i32
    %while3A_202 = arith.subi %div3A_199, %while3A_201 : i32
    %while3A_203 = arith.addi %while3A_201, %while3A_202 : i32
    %while3A_204 = arith.constant 1 : i32
    %while3A_205 = arith.divsi %while3A_202, %while3A_204 : i32
    %while3A_206 = arith.muli %while3A_205, %while3A_204 : i32
    %while3A_207 = arith.addi %while3A_201, %while3A_206 : i32
    %while3A_208 = arith.constant 1 : i32
    scf.for %while3A_210 = %while3A_201 to %while3A_207 step %while3A_208  : i32 {
      %mul3A_211 = arith.constant 64 : i32
      %mul3A_212 = arith.muli %while3A_210, %mul3A_211 : i32
      %dma_start3A = tpu.memref_slice %arg14[%mul3A_212] : memref<272xi32, #tpu.memory_space<vmem>> -> memref<64xi32, #tpu.memory_space<vmem>>
      %dma_start3A_213 = arith.constant 0 : i32
      %dma_start3A_214 = arith.constant 0 : i32
      %dma_start3A_215 = tpu.memref_slice %arg6[%dma_start3A_213, %dma_start3A_214] : memref<2048x768xf32, #tpu.memory_space<hbm>> -> memref<2048x768xf32, #tpu.memory_space<hbm>>
      tpu.enqueue_indirect_dma source(%dma_start3A_215 : memref<2048x768xf32, #tpu.memory_space<hbm>>) target(%arg16 : memref<64x768xf32, #tpu.memory_space<vmem>>) offsets(%dma_start3A : memref<64xi32, #tpu.memory_space<vmem>>) semaphore(%arg17 : memref<!tpu.dma_semaphore, #tpu.memory_space<semaphore_mem>>)
      %dma_wait3A = tpu.memref_slice %arg14[%mul3A_212] : memref<272xi32, #tpu.memory_space<vmem>> -> memref<64xi32, #tpu.memory_space<vmem>>
      %dma_wait3A_216 = arith.constant 0 : i32
      %dma_wait3A_217 = arith.constant 0 : i32
      %dma_wait3A_218 = tpu.memref_slice %arg6[%dma_wait3A_216, %dma_wait3A_217] : memref<2048x768xf32, #tpu.memory_space<hbm>> -> memref<2048x768xf32, #tpu.memory_space<hbm>>
      tpu.wait_indirect_dma semaphore(%arg17 : memref<!tpu.dma_semaphore, #tpu.memory_space<semaphore_mem>>) src(%dma_wait3A_218 : memref<2048x768xf32, #tpu.memory_space<hbm>>) dst(%arg16 : memref<64x768xf32, #tpu.memory_space<vmem>>)
      %mul3A_219 = arith.constant 256 : i32
      %mul3A_220 = arith.muli %add3A_105, %mul3A_219 : i32
      %mul3A_221 = arith.constant 64 : i32
      %mul3A_222 = arith.muli %while3A_210, %mul3A_221 : i32
      %add3A_223 = arith.addi %mul3A_220, %mul3A_222 : i32
      "tpu.region"() ({
        %run_scoped3A = tpu.sem_alloc : memref<!tpu.dma_semaphore, #tpu.memory_space<semaphore_mem>>
        %dma_start3A_224 = arith.constant 0 : i32
        %dma_start3A_225 = tpu.memref_slice %arg9[%add3A_223, %dma_start3A_224] : memref<16384x768xf32, #tpu.memory_space<hbm>> -> memref<64x768xf32, #tpu.memory_space<hbm>>
        %dma_start3A_226 = arith.constant 0 : i32
        %dma_start3A_227 = tpu.memref_slice %arg9[%add3A_223, %dma_start3A_226] : memref<16384x768xf32, #tpu.memory_space<hbm>> -> memref<64x768xf32, #tpu.memory_space<hbm>>
        tpu.enqueue_dma source(%arg16 : memref<64x768xf32, #tpu.memory_space<vmem>>) target(%dma_start3A_227 : memref<64x768xf32, #tpu.memory_space<hbm>>) target_semaphore(%run_scoped3A : memref<!tpu.dma_semaphore, #tpu.memory_space<semaphore_mem>>)
        %dma_wait3A_228 = arith.constant 0 : i32
        %dma_wait3A_229 = tpu.memref_slice %arg9[%add3A_223, %dma_wait3A_228] : memref<16384x768xf32, #tpu.memory_space<hbm>> -> memref<64x768xf32, #tpu.memory_space<hbm>>
        %dma_wait3A_230 = arith.constant 0 : i32
        %dma_wait3A_231 = tpu.memref_slice %arg9[%add3A_223, %dma_wait3A_230] : memref<16384x768xf32, #tpu.memory_space<hbm>> -> memref<64x768xf32, #tpu.memory_space<hbm>>
        tpu.wait_dma2 semaphore(%run_scoped3A : memref<!tpu.dma_semaphore, #tpu.memory_space<semaphore_mem>>) src(%arg16 : memref<64x768xf32, #tpu.memory_space<vmem>>) dst(%dma_wait3A_231 : memref<64x768xf32, #tpu.memory_space<hbm>>)
        tpu.yield
      }) : () -> ()
    }
    %while3A_209 = arith.constant 1 : i32
    scf.for %while3A_210 = %while3A_207 to %while3A_203 step %while3A_209  : i32 {
      %mul3A_211 = arith.constant 64 : i32
      %mul3A_212 = arith.muli %while3A_210, %mul3A_211 : i32
      %dma_start3A = tpu.memref_slice %arg14[%mul3A_212] : memref<272xi32, #tpu.memory_space<vmem>> -> memref<64xi32, #tpu.memory_space<vmem>>
      %dma_start3A_213 = arith.constant 0 : i32
      %dma_start3A_214 = arith.constant 0 : i32
      %dma_start3A_215 = tpu.memref_slice %arg6[%dma_start3A_213, %dma_start3A_214] : memref<2048x768xf32, #tpu.memory_space<hbm>> -> memref<2048x768xf32, #tpu.memory_space<hbm>>
      tpu.enqueue_indirect_dma source(%dma_start3A_215 : memref<2048x768xf32, #tpu.memory_space<hbm>>) target(%arg16 : memref<64x768xf32, #tpu.memory_space<vmem>>) offsets(%dma_start3A : memref<64xi32, #tpu.memory_space<vmem>>) semaphore(%arg17 : memref<!tpu.dma_semaphore, #tpu.memory_space<semaphore_mem>>)
      %dma_wait3A = tpu.memref_slice %arg14[%mul3A_212] : memref<272xi32, #tpu.memory_space<vmem>> -> memref<64xi32, #tpu.memory_space<vmem>>
      %dma_wait3A_216 = arith.constant 0 : i32
      %dma_wait3A_217 = arith.constant 0 : i32
      %dma_wait3A_218 = tpu.memref_slice %arg6[%dma_wait3A_216, %dma_wait3A_217] : memref<2048x768xf32, #tpu.memory_space<hbm>> -> memref<2048x768xf32, #tpu.memory_space<hbm>>
      tpu.wait_indirect_dma semaphore(%arg17 : memref<!tpu.dma_semaphore, #tpu.memory_space<semaphore_mem>>) src(%dma_wait3A_218 : memref<2048x768xf32, #tpu.memory_space<hbm>>) dst(%arg16 : memref<64x768xf32, #tpu.memory_space<vmem>>)
      %mul3A_219 = arith.constant 256 : i32
      %mul3A_220 = arith.muli %add3A_105, %mul3A_219 : i32
      %mul3A_221 = arith.constant 64 : i32
      %mul3A_222 = arith.muli %while3A_210, %mul3A_221 : i32
      %add3A_223 = arith.addi %mul3A_220, %mul3A_222 : i32
      "tpu.region"() ({
        %run_scoped3A = tpu.sem_alloc : memref<!tpu.dma_semaphore, #tpu.memory_space<semaphore_mem>>
        %dma_start3A_224 = arith.constant 0 : i32
        %dma_start3A_225 = tpu.memref_slice %arg9[%add3A_223, %dma_start3A_224] : memref<16384x768xf32, #tpu.memory_space<hbm>> -> memref<64x768xf32, #tpu.memory_space<hbm>>
        %dma_start3A_226 = arith.constant 0 : i32
        %dma_start3A_227 = tpu.memref_slice %arg9[%add3A_223, %dma_start3A_226] : memref<16384x768xf32, #tpu.memory_space<hbm>> -> memref<64x768xf32, #tpu.memory_space<hbm>>
        tpu.enqueue_dma source(%arg16 : memref<64x768xf32, #tpu.memory_space<vmem>>) target(%dma_start3A_227 : memref<64x768xf32, #tpu.memory_space<hbm>>) target_semaphore(%run_scoped3A : memref<!tpu.dma_semaphore, #tpu.memory_space<semaphore_mem>>)
        %dma_wait3A_228 = arith.constant 0 : i32
        %dma_wait3A_229 = tpu.memref_slice %arg9[%add3A_223, %dma_wait3A_228] : memref<16384x768xf32, #tpu.memory_space<hbm>> -> memref<64x768xf32, #tpu.memory_space<hbm>>
        %dma_wait3A_230 = arith.constant 0 : i32
        %dma_wait3A_231 = tpu.memref_slice %arg9[%add3A_223, %dma_wait3A_230] : memref<16384x768xf32, #tpu.memory_space<hbm>> -> memref<64x768xf32, #tpu.memory_space<hbm>>
        tpu.wait_dma2 semaphore(%run_scoped3A : memref<!tpu.dma_semaphore, #tpu.memory_space<semaphore_mem>>) src(%arg16 : memref<64x768xf32, #tpu.memory_space<vmem>>) dst(%dma_wait3A_231 : memref<64x768xf32, #tpu.memory_space<hbm>>)
        tpu.yield
      }) : () -> ()
    }
    return
  }
}

module attributes {stable_mosaic.version = 14 : i64} {
  func.func @_router_body(%arg0: i32, %arg1: memref<256x768xf32, #tpu.memory_space<vmem>>, %arg2: memref<768x64xf32, #tpu.memory_space<vmem>>, %arg3: memref<256xi32, #tpu.memory_space<vmem>>, %arg4: memref<256xi32, #tpu.memory_space<vmem>>, %arg5: memref<256xf32, #tpu.memory_space<vmem>>, %arg6: memref<256xf32, #tpu.memory_space<vmem>>, %arg7: memref<1x64xf32, #tpu.memory_space<vmem>>, %arg8: memref<1x64xf32, #tpu.memory_space<vmem>>, %arg9: memref<1x1xf32, #tpu.memory_space<vmem>>) attributes {dimension_semantics = [#tpu.dimension_semantics<arbitrary>], iteration_bounds = array<i64: 8>, scalar_prefetch = 0 : i64, scratch_operands = 0 : i64, tpu.core_type = #tpu.core_type<tc>, window_params = [{transform_indices = @transform_0, window_bounds = array<i64: 256, 768>}, {pipeline_mode = #tpu.pipeline_mode<synchronous>, transform_indices = @transform_1, window_bounds = array<i64: 768, 64>}, {transform_indices = @transform_2, window_bounds = array<i64: 256>}, {transform_indices = @transform_3, window_bounds = array<i64: 256>}, {transform_indices = @transform_4, window_bounds = array<i64: 256>}, {transform_indices = @transform_5, window_bounds = array<i64: 256>}, {pipeline_mode = #tpu.pipeline_mode<synchronous>, transform_indices = @transform_6, window_bounds = array<i64: 1, 64>}, {pipeline_mode = #tpu.pipeline_mode<synchronous>, transform_indices = @transform_7, window_bounds = array<i64: 1, 64>}, {pipeline_mode = #tpu.pipeline_mode<synchronous>, transform_indices = @transform_8, window_bounds = array<i64: 1, 1>}]} {
    %get3A = arith.constant 0 : index
    %get3A_0 = arith.constant 0 : index
    %get3A_1 = vector.load %arg1[%get3A, %get3A_0] : memref<256x768xf32, #tpu.memory_space<vmem>>, vector<256x768xf32>
    %get3A_2 = arith.constant 0 : index
    %get3A_3 = arith.constant 0 : index
    %get3A_4 = vector.load %arg2[%get3A_2, %get3A_3] : memref<768x64xf32, #tpu.memory_space<vmem>>, vector<768x64xf32>
    %dot_general3A = arith.constant dense<0.000000e+00> : vector<256x64xf32>
    %dot_general3A_5 = tpu.matmul %get3A_1, %get3A_4, %dot_general3A {dimension_numbers = #tpu.dot_dimension_numbers<[1], [0], [0], [1], [0, 0, 1, 1], [], []>, transpose_lhs_hint = false} : vector<256x768xf32>, vector<768x64xf32>, vector<256x64xf32> -> vector<256x64xf32>
    %reduce_max3A = arith.constant dense<0xFF800000> : vector<256xf32>
    %reduce_max3A_6 = vector.multi_reduction <maximumf>, %dot_general3A_5, %reduce_max3A [1] : vector<256x64xf32> to vector<256xf32>
    %broadcast_in_dim3A = vector.shape_cast %reduce_max3A_6 : vector<256xf32> to vector<256x1xf32>
    %sub3A = vector.broadcast %broadcast_in_dim3A : vector<256x1xf32> to vector<256x64xf32>
    %sub3A_7 = arith.subf %dot_general3A_5, %sub3A : vector<256x64xf32>
    %exp3A = math.exp %sub3A_7 : vector<256x64xf32>
    %reduce_sum3A = arith.constant dense<0.000000e+00> : vector<256xf32>
    %reduce_sum3A_8 = vector.multi_reduction <add>, %exp3A, %reduce_sum3A [1] : vector<256x64xf32> to vector<256xf32>
    %broadcast_in_dim3A_9 = vector.shape_cast %reduce_sum3A_8 : vector<256xf32> to vector<256x1xf32>
    %div3A = vector.broadcast %broadcast_in_dim3A_9 : vector<256x1xf32> to vector<256x64xf32>
    %div3A_10 = arith.divf %exp3A, %div3A : vector<256x64xf32>
    %iota3A = tpu.iota {dimensions = array<i32: 1>} : vector<256x64xi32>
    %reduce_max3A_11 = arith.constant dense<0xFF800000> : vector<256xf32>
    %reduce_max3A_12 = vector.multi_reduction <maximumf>, %div3A_10, %reduce_max3A_11 [1] : vector<256x64xf32> to vector<256xf32>
    %broadcast_in_dim3A_13 = vector.shape_cast %reduce_max3A_12 : vector<256xf32> to vector<256x1xf32>
    %eq3A = vector.broadcast %broadcast_in_dim3A_13 : vector<256x1xf32> to vector<256x64xf32>
    %eq3A_14 = arith.cmpf oeq, %div3A_10, %eq3A : vector<256x64xf32>
    %jit3A = arith.constant 64 : i32
    %broadcast_in_dim3A_15 = vector.broadcast %jit3A : i32 to vector<256x64xi32>
    %select_n3A = arith.select %eq3A_14, %iota3A, %broadcast_in_dim3A_15 : vector<256x64xi1>, vector<256x64xi32>
    %reduce_min3A = arith.constant dense<2147483647> : vector<256xi32>
    %reduce_min3A_16 = vector.multi_reduction <minsi>, %select_n3A, %reduce_min3A [1] : vector<256x64xi32> to vector<256xi32>
    %broadcast_in_dim3A_17 = vector.shape_cast %reduce_min3A_16 : vector<256xi32> to vector<256x1xi32>
    %eq3A_18 = vector.broadcast %broadcast_in_dim3A_17 : vector<256x1xi32> to vector<256x64xi32>
    %eq3A_19 = arith.cmpi eq, %iota3A, %eq3A_18 : vector<256x64xi32>
    %jit3A_20 = arith.constant -1.000000e+00 : f32
    %broadcast_in_dim3A_21 = vector.broadcast %jit3A_20 : f32 to vector<256x64xf32>
    %select_n3A_22 = arith.select %eq3A_19, %broadcast_in_dim3A_21, %div3A_10 : vector<256x64xi1>, vector<256x64xf32>
    %reduce_max3A_23 = arith.constant dense<0xFF800000> : vector<256xf32>
    %reduce_max3A_24 = vector.multi_reduction <maximumf>, %select_n3A_22, %reduce_max3A_23 [1] : vector<256x64xf32> to vector<256xf32>
    %broadcast_in_dim3A_25 = vector.shape_cast %reduce_max3A_24 : vector<256xf32> to vector<256x1xf32>
    %eq3A_26 = vector.broadcast %broadcast_in_dim3A_25 : vector<256x1xf32> to vector<256x64xf32>
    %eq3A_27 = arith.cmpf oeq, %select_n3A_22, %eq3A_26 : vector<256x64xf32>
    %jit3A_28 = arith.constant 64 : i32
    %broadcast_in_dim3A_29 = vector.broadcast %jit3A_28 : i32 to vector<256x64xi32>
    %select_n3A_30 = arith.select %eq3A_27, %iota3A, %broadcast_in_dim3A_29 : vector<256x64xi1>, vector<256x64xi32>
    %reduce_min3A_31 = arith.constant dense<2147483647> : vector<256xi32>
    %reduce_min3A_32 = vector.multi_reduction <minsi>, %select_n3A_30, %reduce_min3A_31 [1] : vector<256x64xi32> to vector<256xi32>
    %add3A = arith.addf %broadcast_in_dim3A_13, %broadcast_in_dim3A_25 : vector<256x1xf32>
    %swap3A = arith.constant 0 : index
    %swap3A_33 = vector.load %arg3[%swap3A] : memref<256xi32, #tpu.memory_space<vmem>>, vector<256xi32>
    tpu.vector_store %arg3[%swap3A], %reduce_min3A_16 {strides = array<i32>} : memref<256xi32, #tpu.memory_space<vmem>>, vector<256xi32>,
    %swap3A_34 = arith.constant 0 : index
    %swap3A_35 = vector.load %arg4[%swap3A_34] : memref<256xi32, #tpu.memory_space<vmem>>, vector<256xi32>
    tpu.vector_store %arg4[%swap3A_34], %reduce_min3A_32 {strides = array<i32>} : memref<256xi32, #tpu.memory_space<vmem>>, vector<256xi32>,
    %div3A_36 = arith.divf %broadcast_in_dim3A_13, %add3A : vector<256x1xf32>
    %squeeze3A = vector.shape_cast %div3A_36 : vector<256x1xf32> to vector<256xf32>
    %swap3A_37 = arith.constant 0 : index
    %swap3A_38 = vector.load %arg5[%swap3A_37] : memref<256xf32, #tpu.memory_space<vmem>>, vector<256xf32>
    tpu.vector_store %arg5[%swap3A_37], %squeeze3A {strides = array<i32>} : memref<256xf32, #tpu.memory_space<vmem>>, vector<256xf32>,
    %div3A_39 = arith.divf %broadcast_in_dim3A_25, %add3A : vector<256x1xf32>
    %squeeze3A_40 = vector.shape_cast %div3A_39 : vector<256x1xf32> to vector<256xf32>
    %swap3A_41 = arith.constant 0 : index
    %swap3A_42 = vector.load %arg6[%swap3A_41] : memref<256xf32, #tpu.memory_space<vmem>>, vector<256xf32>
    tpu.vector_store %arg6[%swap3A_41], %squeeze3A_40 {strides = array<i32>} : memref<256xf32, #tpu.memory_space<vmem>>, vector<256xf32>,
    %broadcast_in_dim3A_43 = vector.shape_cast %reduce_min3A_16 : vector<256xi32> to vector<256x1xi32>
    %eq3A_44 = vector.broadcast %broadcast_in_dim3A_43 : vector<256x1xi32> to vector<256x64xi32>
    %eq3A_45 = arith.cmpi eq, %iota3A, %eq3A_44 : vector<256x64xi32>
    %convert_element_type3A = arith.extui %eq3A_45 : vector<256x64xi1> to vector<256x64xi32>
    %convert_element_type3A_46 = arith.sitofp %convert_element_type3A : vector<256x64xi32> to vector<256x64xf32>
    %broadcast_in_dim3A_47 = vector.shape_cast %reduce_min3A_32 : vector<256xi32> to vector<256x1xi32>
    %eq3A_48 = vector.broadcast %broadcast_in_dim3A_47 : vector<256x1xi32> to vector<256x64xi32>
    %eq3A_49 = arith.cmpi eq, %iota3A, %eq3A_48 : vector<256x64xi32>
    %convert_element_type3A_50 = arith.extui %eq3A_49 : vector<256x64xi1> to vector<256x64xi32>
    %convert_element_type3A_51 = arith.sitofp %convert_element_type3A_50 : vector<256x64xi32> to vector<256x64xf32>
    %add3A_52 = arith.addf %convert_element_type3A_46, %convert_element_type3A_51 : vector<256x64xf32>
    %reduce_sum3A_53 = arith.constant dense<0.000000e+00> : vector<64xf32>
    %reduce_sum3A_54 = vector.multi_reduction <add>, %add3A_52, %reduce_sum3A_53 [0] : vector<256x64xf32> to vector<64xf32>
    %broadcast_in_dim3A_55 = vector.shape_cast %reduce_sum3A_54 : vector<64xf32> to vector<1x64xf32>
    %reduce_sum3A_56 = arith.constant dense<0.000000e+00> : vector<64xf32>
    %reduce_sum3A_57 = vector.multi_reduction <add>, %div3A_10, %reduce_sum3A_56 [0] : vector<256x64xf32> to vector<64xf32>
    %broadcast_in_dim3A_58 = vector.shape_cast %reduce_sum3A_57 : vector<64xf32> to vector<1x64xf32>
    %eq3A_59 = arith.constant 0 : i32
    %eq3A_60 = arith.cmpi eq, %arg0, %eq3A_59 : i32
    %convert_element_type3A_61 = arith.extui %eq3A_60 : i1 to i32
    %cond3A = arith.constant 0 : i32
    %cond3A_62 = arith.cmpi ne, %convert_element_type3A_61, %cond3A : i32
    scf.if %cond3A_62 {
      %swap3A_72 = arith.constant 0 : index
      %swap3A_73 = arith.constant 0 : index
      %swap3A_74 = vector.load %arg7[%swap3A_72, %swap3A_73] : memref<1x64xf32, #tpu.memory_space<vmem>>, vector<1x64xf32>
      tpu.vector_store %arg7[%swap3A_72, %swap3A_73], %broadcast_in_dim3A_55 {strides = array<i32>} : memref<1x64xf32, #tpu.memory_space<vmem>>, vector<1x64xf32>,
      %swap3A_75 = arith.constant 0 : index
      %swap3A_76 = arith.constant 0 : index
      %swap3A_77 = vector.load %arg8[%swap3A_75, %swap3A_76] : memref<1x64xf32, #tpu.memory_space<vmem>>, vector<1x64xf32>
      tpu.vector_store %arg8[%swap3A_75, %swap3A_76], %broadcast_in_dim3A_58 {strides = array<i32>} : memref<1x64xf32, #tpu.memory_space<vmem>>, vector<1x64xf32>,
    } else {
    }
    %ne3A = arith.constant 0 : i32
    %ne3A_63 = arith.cmpi ne, %arg0, %ne3A : i32
    %convert_element_type3A_64 = arith.extui %ne3A_63 : i1 to i32
    %cond3A_65 = arith.constant 0 : i32
    %cond3A_66 = arith.cmpi ne, %convert_element_type3A_64, %cond3A_65 : i32
    scf.if %cond3A_66 {
      %get3A_72 = arith.constant 0 : index
      %get3A_73 = arith.constant 0 : index
      %get3A_74 = vector.load %arg7[%get3A_72, %get3A_73] : memref<1x64xf32, #tpu.memory_space<vmem>>, vector<1x64xf32>
      %add3A_75 = arith.addf %get3A_74, %broadcast_in_dim3A_55 : vector<1x64xf32>
      %swap3A_76 = arith.constant 0 : index
      %swap3A_77 = arith.constant 0 : index
      %swap3A_78 = vector.load %arg7[%swap3A_76, %swap3A_77] : memref<1x64xf32, #tpu.memory_space<vmem>>, vector<1x64xf32>
      tpu.vector_store %arg7[%swap3A_76, %swap3A_77], %add3A_75 {strides = array<i32>} : memref<1x64xf32, #tpu.memory_space<vmem>>, vector<1x64xf32>,
      %get3A_79 = arith.constant 0 : index
      %get3A_80 = arith.constant 0 : index
      %get3A_81 = vector.load %arg8[%get3A_79, %get3A_80] : memref<1x64xf32, #tpu.memory_space<vmem>>, vector<1x64xf32>
      %add3A_82 = arith.addf %get3A_81, %broadcast_in_dim3A_58 : vector<1x64xf32>
      %swap3A_83 = arith.constant 0 : index
      %swap3A_84 = arith.constant 0 : index
      %swap3A_85 = vector.load %arg8[%swap3A_83, %swap3A_84] : memref<1x64xf32, #tpu.memory_space<vmem>>, vector<1x64xf32>
      tpu.vector_store %arg8[%swap3A_83, %swap3A_84], %add3A_82 {strides = array<i32>} : memref<1x64xf32, #tpu.memory_space<vmem>>, vector<1x64xf32>,
    } else {
    }
    %eq3A_67 = arith.constant 7 : i32
    %eq3A_68 = arith.cmpi eq, %arg0, %eq3A_67 : i32
    %convert_element_type3A_69 = arith.extui %eq3A_68 : i1 to i32
    %cond3A_70 = arith.constant 0 : i32
    %cond3A_71 = arith.cmpi ne, %convert_element_type3A_69, %cond3A_70 : i32
    scf.if %cond3A_71 {
      %get3A_72 = arith.constant 0 : index
      %get3A_73 = arith.constant 0 : index
      %get3A_74 = vector.load %arg7[%get3A_72, %get3A_73] : memref<1x64xf32, #tpu.memory_space<vmem>>, vector<1x64xf32>
      %get3A_75 = arith.constant 0 : index
      %get3A_76 = arith.constant 0 : index
      %get3A_77 = vector.load %arg8[%get3A_75, %get3A_76] : memref<1x64xf32, #tpu.memory_space<vmem>>, vector<1x64xf32>
      %mul3A = arith.mulf %get3A_74, %get3A_77 : vector<1x64xf32>
      %reduce_sum3A_78 = vector.shape_cast %mul3A : vector<1x64xf32> to vector<1x1x64xf32>
      %reduce_sum3A_79 = arith.constant dense<0.000000e+00> : vector<1xf32>
      %reduce_sum3A_80 = vector.multi_reduction <add>, %reduce_sum3A_78, %reduce_sum3A_79 [1, 2] : vector<1x1x64xf32> to vector<1xf32>
      %reduce_sum3A_81 = vector.shape_cast %reduce_sum3A_80 : vector<1xf32> to vector<1x1x1xf32>
      %reduce_sum3A_82 = vector.extract %reduce_sum3A_81[0, 0, 0] : f32 from vector<1x1x1xf32>
      %broadcast_in_dim3A_83 = vector.broadcast %reduce_sum3A_82 : f32 to vector<1x1xf32>
      %mul3A_84 = arith.constant 7.62939453E-6 : f32
      %mul3A_85 = vector.broadcast %mul3A_84 : f32 to vector<1x1xf32>
      %mul3A_86 = arith.mulf %mul3A_85, %broadcast_in_dim3A_83 : vector<1x1xf32>
      %swap3A_87 = arith.constant 0 : index
      %swap3A_88 = arith.constant 0 : index
      %swap3A_89 = vector.load %arg9[%swap3A_87, %swap3A_88] : memref<1x1xf32, #tpu.memory_space<vmem>>, vector<1x1xf32>
      tpu.vector_store %arg9[%swap3A_87, %swap3A_88], %mul3A_86 {strides = array<i32>} : memref<1x1xf32, #tpu.memory_space<vmem>>, vector<1x1xf32>,
    } else {
    }
    return
  }
  func.func @transform_0(%arg0: i32) -> (i32, i32) {
    %c0_i32 = arith.constant 0 : i32
    %c0_i32_0 = arith.constant 0 : i32
    return %arg0, %c0_i32 : i32, i32
  }
  func.func @transform_1(%arg0: i32) -> (i32, i32) {
    %c0_i32 = arith.constant 0 : i32
    %c0_i32_0 = arith.constant 0 : i32
    %c0_i32_1 = arith.constant 0 : i32
    return %c0_i32, %c0_i32_0 : i32, i32
  }
  func.func @transform_2(%arg0: i32) -> i32 {
    %c0_i32 = arith.constant 0 : i32
    return %arg0 : i32
  }
  func.func @transform_3(%arg0: i32) -> i32 {
    %c0_i32 = arith.constant 0 : i32
    return %arg0 : i32
  }
  func.func @transform_4(%arg0: i32) -> i32 {
    %c0_i32 = arith.constant 0 : i32
    return %arg0 : i32
  }
  func.func @transform_5(%arg0: i32) -> i32 {
    %c0_i32 = arith.constant 0 : i32
    return %arg0 : i32
  }
  func.func @transform_6(%arg0: i32) -> (i32, i32) {
    %c0_i32 = arith.constant 0 : i32
    %c0_i32_0 = arith.constant 0 : i32
    %c0_i32_1 = arith.constant 0 : i32
    return %c0_i32, %c0_i32_0 : i32, i32
  }
  func.func @transform_7(%arg0: i32) -> (i32, i32) {
    %c0_i32 = arith.constant 0 : i32
    %c0_i32_0 = arith.constant 0 : i32
    %c0_i32_1 = arith.constant 0 : i32
    return %c0_i32, %c0_i32_0 : i32, i32
  }
  func.func @transform_8(%arg0: i32) -> (i32, i32) {
    %c0_i32 = arith.constant 0 : i32
    %c0_i32_0 = arith.constant 0 : i32
    %c0_i32_1 = arith.constant 0 : i32
    return %c0_i32, %c0_i32_0 : i32, i32
  }
}

module attributes {stable_mosaic.version = 14 : i64} {
  func.func @_ffn_body(%arg0: i32, %arg1: memref<256x768xf32, #tpu.memory_space<vmem>>, %arg2: memref<1x768x1536xf32, #tpu.memory_space<vmem>>, %arg3: memref<1x1x1536xf32, #tpu.memory_space<vmem>>, %arg4: memref<1x1536x768xf32, #tpu.memory_space<vmem>>, %arg5: memref<1x1x768xf32, #tpu.memory_space<vmem>>, %arg6: memref<1x1x256xf32, #tpu.memory_space<vmem>>, %arg7: memref<256x768xf32, #tpu.memory_space<vmem>>) attributes {dimension_semantics = [#tpu.dimension_semantics<arbitrary>], iteration_bounds = array<i64: 64>, scalar_prefetch = 0 : i64, scratch_operands = 0 : i64, tpu.core_type = #tpu.core_type<tc>, window_params = [{transform_indices = @transform_0, window_bounds = array<i64: 256, 768>}, {transform_indices = @transform_1, window_bounds = array<i64: 1, 768, 1536>}, {transform_indices = @transform_2, window_bounds = array<i64: 1, 1, 1536>}, {transform_indices = @transform_3, window_bounds = array<i64: 1, 1536, 768>}, {transform_indices = @transform_4, window_bounds = array<i64: 1, 1, 768>}, {transform_indices = @transform_5, window_bounds = array<i64: 1, 1, 256>}, {transform_indices = @transform_6, window_bounds = array<i64: 256, 768>}]} {
    %get3A = arith.constant 0 : index
    %get3A_0 = arith.constant 0 : index
    %get3A_1 = vector.load %arg1[%get3A, %get3A_0] : memref<256x768xf32, #tpu.memory_space<vmem>>, vector<256x768xf32>
    %get3A_2 = arith.constant 0 : index
    %get3A_3 = arith.constant 0 : index
    %get3A_4 = arith.constant 0 : index
    %get3A_5 = vector.load %arg2[%get3A_2, %get3A_3, %get3A_4] : memref<1x768x1536xf32, #tpu.memory_space<vmem>>, vector<1x768x1536xf32>
    %get3A_6 = vector.shape_cast %get3A_5 : vector<1x768x1536xf32> to vector<768x1536xf32>
    %dot_general3A = arith.constant dense<0.000000e+00> : vector<256x1536xf32>
    %dot_general3A_7 = tpu.matmul %get3A_1, %get3A_6, %dot_general3A {dimension_numbers = #tpu.dot_dimension_numbers<[1], [0], [0], [1], [0, 0, 1, 1], [], []>, transpose_lhs_hint = false} : vector<256x768xf32>, vector<768x1536xf32>, vector<256x1536xf32> -> vector<256x1536xf32>
    %get3A_8 = arith.constant 0 : index
    %get3A_9 = arith.constant 0 : index
    %get3A_10 = arith.constant 0 : index
    %get3A_11 = vector.load %arg3[%get3A_8, %get3A_9, %get3A_10] : memref<1x1x1536xf32, #tpu.memory_space<vmem>>, vector<1x1x1536xf32>
    %get3A_12 = vector.shape_cast %get3A_11 : vector<1x1x1536xf32> to vector<1x1536xf32>
    %add3A = vector.broadcast %get3A_12 : vector<1x1536xf32> to vector<256x1536xf32>
    %add3A_13 = arith.addf %dot_general3A_7, %add3A : vector<256x1536xf32>
    %logistic3A = arith.negf %add3A_13 : vector<256x1536xf32>
    %logistic3A_14 = math.exp %logistic3A : vector<256x1536xf32>
    %logistic3A_15 = arith.constant 1.000000e+00 : f32
    %logistic3A_16 = vector.broadcast %logistic3A_15 : f32 to vector<256x1536xf32>
    %logistic3A_17 = arith.addf %logistic3A_16, %logistic3A_14 : vector<256x1536xf32>
    %logistic3A_18 = arith.divf %logistic3A_16, %logistic3A_17 : vector<256x1536xf32>
    %mul3A = arith.mulf %add3A_13, %logistic3A_18 : vector<256x1536xf32>
    %get3A_19 = arith.constant 0 : index
    %get3A_20 = arith.constant 0 : index
    %get3A_21 = arith.constant 0 : index
    %get3A_22 = vector.load %arg4[%get3A_19, %get3A_20, %get3A_21] : memref<1x1536x768xf32, #tpu.memory_space<vmem>>, vector<1x1536x768xf32>
    %get3A_23 = vector.shape_cast %get3A_22 : vector<1x1536x768xf32> to vector<1536x768xf32>
    %dot_general3A_24 = arith.constant dense<0.000000e+00> : vector<256x768xf32>
    %dot_general3A_25 = tpu.matmul %mul3A, %get3A_23, %dot_general3A_24 {dimension_numbers = #tpu.dot_dimension_numbers<[1], [0], [0], [1], [0, 0, 1, 1], [], []>, transpose_lhs_hint = false} : vector<256x1536xf32>, vector<1536x768xf32>, vector<256x768xf32> -> vector<256x768xf32>
    %get3A_26 = arith.constant 0 : index
    %get3A_27 = arith.constant 0 : index
    %get3A_28 = arith.constant 0 : index
    %get3A_29 = vector.load %arg5[%get3A_26, %get3A_27, %get3A_28] : memref<1x1x768xf32, #tpu.memory_space<vmem>>, vector<1x1x768xf32>
    %get3A_30 = vector.shape_cast %get3A_29 : vector<1x1x768xf32> to vector<1x768xf32>
    %add3A_31 = vector.broadcast %get3A_30 : vector<1x768xf32> to vector<256x768xf32>
    %add3A_32 = arith.addf %dot_general3A_25, %add3A_31 : vector<256x768xf32>
    %get3A_33 = arith.constant 0 : index
    %get3A_34 = arith.constant 0 : index
    %get3A_35 = arith.constant 0 : index
    %get3A_36 = vector.load %arg6[%get3A_33, %get3A_34, %get3A_35] : memref<1x1x256xf32, #tpu.memory_space<vmem>>, vector<1x1x256xf32>
    %get3A_37 = vector.shape_cast %get3A_36 : vector<1x1x256xf32> to vector<256xf32>
    %broadcast_in_dim3A = vector.shape_cast %get3A_37 : vector<256xf32> to vector<256x1xf32>
    %gt3A = arith.constant 0.000000e+00 : f32
    %gt3A_38 = vector.broadcast %gt3A : f32 to vector<256x1xf32>
    %gt3A_39 = arith.cmpf ogt, %broadcast_in_dim3A, %gt3A_38 : vector<256x1xf32>
    %mul3A_40 = vector.broadcast %broadcast_in_dim3A : vector<256x1xf32> to vector<256x768xf32>
    %mul3A_41 = arith.mulf %add3A_32, %mul3A_40 : vector<256x768xf32>
    %jit3A = arith.constant 0.000000e+00 : f32
    %broadcast_in_dim3A_42 = vector.shape_cast %gt3A_39 : vector<256x1xi1> to vector<256x1xi1>
    %broadcast_in_dim3A_43 = vector.broadcast %broadcast_in_dim3A_42 : vector<256x1xi1> to vector<256x768xi1>
    %broadcast_in_dim3A_44 = vector.broadcast %jit3A : f32 to vector<256x768xf32>
    %select_n3A = arith.select %broadcast_in_dim3A_43, %mul3A_41, %broadcast_in_dim3A_44 : vector<256x768xi1>, vector<256x768xf32>
    %swap3A = arith.constant 0 : index
    %swap3A_45 = arith.constant 0 : index
    %swap3A_46 = vector.load %arg7[%swap3A, %swap3A_45] : memref<256x768xf32, #tpu.memory_space<vmem>>, vector<256x768xf32>
    tpu.vector_store %arg7[%swap3A, %swap3A_45], %select_n3A {strides = array<i32>} : memref<256x768xf32, #tpu.memory_space<vmem>>, vector<256x768xf32>,
    return
  }
  func.func @transform_0(%arg0: i32) -> (i32, i32) {
    %c0_i32 = arith.constant 0 : i32
    %c0_i32_0 = arith.constant 0 : i32
    return %arg0, %c0_i32 : i32, i32
  }
  func.func @transform_1(%arg0: i32) -> (i32, i32, i32) {
    %c0_i32 = arith.constant 0 : i32
    %c0_i32_0 = arith.constant 0 : i32
    %c0_i32_1 = arith.constant 0 : i32
    return %arg0, %c0_i32, %c0_i32_0 : i32, i32, i32
  }
  func.func @transform_2(%arg0: i32) -> (i32, i32, i32) {
    %c0_i32 = arith.constant 0 : i32
    %c0_i32_0 = arith.constant 0 : i32
    %c0_i32_1 = arith.constant 0 : i32
    return %arg0, %c0_i32, %c0_i32_0 : i32, i32, i32
  }
  func.func @transform_3(%arg0: i32) -> (i32, i32, i32) {
    %c0_i32 = arith.constant 0 : i32
    %c0_i32_0 = arith.constant 0 : i32
    %c0_i32_1 = arith.constant 0 : i32
    return %arg0, %c0_i32, %c0_i32_0 : i32, i32, i32
  }
  func.func @transform_4(%arg0: i32) -> (i32, i32, i32) {
    %c0_i32 = arith.constant 0 : i32
    %c0_i32_0 = arith.constant 0 : i32
    %c0_i32_1 = arith.constant 0 : i32
    return %arg0, %c0_i32, %c0_i32_0 : i32, i32, i32
  }
  func.func @transform_5(%arg0: i32) -> (i32, i32, i32) {
    %c0_i32 = arith.constant 0 : i32
    %c0_i32_0 = arith.constant 0 : i32
    %c0_i32_1 = arith.constant 0 : i32
    return %arg0, %c0_i32, %c0_i32_0 : i32, i32, i32
  }
  func.func @transform_6(%arg0: i32) -> (i32, i32) {
    %c0_i32 = arith.constant 0 : i32
    %c0_i32_0 = arith.constant 0 : i32
    return %arg0, %c0_i32 : i32, i32
  }
}

</mosaic_0001>

<sc_bundles>
// kernel: kernel.6.cloned.1.call-start
scs
__scs_entry_jumppad:
0x0: {  	(pc) =	sbr.rel $0x88, $3  }
0x1: {  	(tag) =	ssettag $0x0;
	lr =	simm.s32 $0x1  }
0x2: {  	[smem:$0x3F9B] =	sst lr;
	_ =	strace $0xD0000000  }
0x3: {  	_ = 	snop  }
0x4: {  	_ = 	snop  }
0x5: {  	_ = 	snop  }
0x6: {  	_ = 	snop  }
0x7: {  	_ = 	snop  }
__scs_overlays_trampoline_lowered:
0x8: {  	[smem:$0x3FAA] =	sst s0  }
0x9: {  	[smem:$0x3FAB] =	sst s1  }
0xa: {  	[smem:$0x3FAC] =	sst s2  }
0xb: {  	[smem:$0x3FAD] =	sst s3  }
0xc: {  	[smem:$0x3FAE] =	sst s4  }
0xd: {  	[smem:$0x3FAF] =	sst s5  }
0xe: {  	[smem:$0x3FB0] =	sst s6  }
0xf: {  	[smem:$0x3FB1] =	sst s7  }
0x10: {  	[smem:$0x3FB2] =	sst s8  }
0x11: {  	[smem:$0x3FB3] =	sst s9;
	s0 =	simm.s32 @!p0 $0x0  }
0x12: {  	s1 =	sld [smem:$0x3F99];
	s0 =	simm.s32 @p0 $0x1  }
0x13: {  	[smem:$0x3FB4] =	sst s0;
	s0 =	simm.s32 @!p1 $0x0  }
0x14: {  	s2 =	sld [smem:$0x3F98];
	s0 =	simm.s32 @p1 $0x1  }
0x15: {  	[smem:$0x3FB5] =	sst s0;
	s0 =	simm.s32 @!p2 $0x0  }
0x16: {  	s3 =	sld [smem:$0x3FDB];
	s0 =	simm.s32 @p2 $0x1  }
0x17: {  	s4 =	simm.s32 $0x1BF5;
	[smem:$0x3FB7] =	sst s0  }
0x18: {  	s0 =	sld [smem:$0x3F9A];
	_ =	swait.ge [sflag:s4], $0x0  }
0x19: {  	s7 =	sld [smem:$0x3F9B]  }
0x1a: {  	s8 =	sadd.s32 $0xFFFFE003, lr  }
0x1b: {  	s9 =	sadd.s32 $0xFFFFFEF7, lr;
	s5 =	simm.s32 $0xFFFFFFFF;
	p2 =	slt.u32 s8, $0xFFFFF086  }
0x1c: {  	p1 =	slt.u32 s9, $0xF7A;
	s5 =	simm.s32 @!p2 $0x0  }
0x1d: {  	s5 =	simm.s32 @p1 $0x1;
	p0 =	seq.s32 s7, s2  }
0x1e: {  	s7 =	smul.u32 @!p0 $0xF7A, s2;
	p2 =	seq.s32 @!p0 s5, $0x0  }
0x1f: {  	s9 =	smul.u32 $0xF7A, s1;
	s8 =	simm.s32 @!p0 $0x1BF5;
	p2 =	por !p2, p0  }
0x20: {  	[sflag:s8] =	ssyncset.s32 @!p0 $0xFFFFF086;
	s6 =	sadd.s32 @!p0 s3, s7;
	s7 =	simm.s32 @!p0 $0x108  }
0x21: {  	s3 =	sadd.s32 s3, s9;
	s6 =	sadd.s32 @!p0 $0x88, s6;
	s7 =	simm.s32 @p2 $0x1082  }
0x22: {  	[simem:s7], [sflag:s8] =	dma.local @!p0 [hbm:s6], $0xF7A  }
0x23: {  	s9 =	sor.u32 $0xD0000000, s2;
	s6 =	simm.s32 $0x108;
	_ =	swait.ge @!p0 [sflag:s8], $0x0  }
0x24: {  	s3 =	sadd.s32 $0x88, s3;
	s6 =	simm.s32 @!p1 $0x1082;
	[sflag:s4] =	ssyncset.s32 $0xFFFFF086  }
0x25: {  	[simem:s6], [sflag:s4] =	dma.local [hbm:s3], $0xF7A  }
0x26: {  	[smem:$0x3F9B] =	sst s1;
	(tag) =	ssettag s2;
	_ =	strace s9  }
0x27: {  	s1 =	sld [smem:$0x3FAB]  }
0x28: {  	s2 =	sld [smem:$0x3FAC]  }
0x29: {  	s4 =	sld [smem:$0x3FAE]  }
0x2a: {  	p0 =	seq.s32 s5, $0x0;
	s5 =	sld [smem:$0x3FAF]  }
0x2b: {  	s6 =	sld [smem:$0x3FB0]  }
0x2c: {  	s7 =	sld [smem:$0x3FB1]  }
0x2d: {  	s3 =	simm.s32 $0x108;
	s8 =	sld [smem:$0x3FB2]  }
0x2e: {  	s3 =	simm.s32 @!p0 $0x1082;
	s9 =	sld [smem:$0x3FB3]  }
0x2f: {  	lr =	sadd.s32 s0, s3;
	s0 =	sld [smem:$0x3FAA]  }
0x30: {  	s3 =	sld [smem:$0x3FAD]  }
0x31: {  	[smem:$0x3FB6] =	sst s10  }
0x32: {  	s10 =	sld [smem:$0x3FB4];
	_ =	sdelay $0x3  }
0x33: {  	p0 =	seq.s32 s10, $0x1;
	s10 =	sld [smem:$0x3FB6];
	_ =	sdelay $0x3  }
0x34: {  	[smem:$0x3FB6] =	sst s10  }
0x35: {  	s10 =	sld [smem:$0x3FB5];
	_ =	sdelay $0x3  }
0x36: {  	p1 =	seq.s32 s10, $0x1;
	s10 =	sld [smem:$0x3FB6];
	_ =	sdelay $0x3  }
0x37: {  	[smem:$0x3FB6] =	sst s10  }
0x38: {  	s10 =	sld [smem:$0x3FB7]  }
0x39: {  	_ = 	snop;
	(pc) =	sbr.ind lr, $3  }
0x3a: {  	_ = 	snop  }
0x3b: {  	_ = 	snop  }
0x3c: {  	p2 =	seq.s32 s10, $0x1;
	s10 =	sld [smem:$0x3FB6]  }
0x3d: {  	_ =	shalt  }
0x3e: {  	_ =	shalt  }
0x3f: {  	_ =	shalt  }
0x40: {  	_ =	shalt  }
0x41: {  	_ =	shalt  }
0x42: {  	_ =	shalt  }
0x43: {  	_ =	shalt  }
0x44: {  	_ =	shalt  }
0x45: {  	_ =	shalt  }
0x46: {  	_ =	shalt  }
0x47: {  	_ =	shalt  }
0x48: {  	_ =	shalt  }
0x49: {  	_ =	shalt  }
0x4a: {  	_ =	shalt  }
0x4b: {  	_ =	shalt  }
0x4c: {  	_ =	shalt  }
0x4d: {  	_ =	shalt  }
0x4e: {  	_ =	shalt  }
0x4f: {  	_ =	shalt  }
0x50: {  	_ =	shalt  }
0x51: {  	_ =	shalt  }
0x52: {  	_ =	shalt  }
0x53: {  	_ =	shalt  }
0x54: {  	_ =	shalt  }
0x55: {  	_ =	shalt  }
0x56: {  	_ =	shalt  }
0x57: {  	_ =	shalt  }
0x58: {  	_ =	shalt  }
0x59: {  	_ =	shalt  }
0x5a: {  	_ =	shalt  }
0x5b: {  	_ =	shalt  }
0x5c: {  	_ =	shalt  }
0x5d: {  	_ =	shalt  }
0x5e: {  	_ =	shalt  }
0x5f: {  	_ =	shalt  }
0x60: {  	_ =	shalt  }
0x61: {  	_ =	shalt  }
0x62: {  	_ =	shalt  }
0x63: {  	_ =	shalt  }
0x64: {  	_ =	shalt  }
0x65: {  	_ =	shalt  }
0x66: {  	_ =	shalt  }
0x67: {  	_ =	shalt  }
0x68: {  	_ =	shalt  }
0x69: {  	_ =	shalt  }
0x6a: {  	_ =	shalt  }
0x6b: {  	_ =	shalt  }
0x6c: {  	_ =	shalt  }
0x6d: {  	_ =	shalt  }
0x6e: {  	_ =	shalt  }
0x6f: {  	_ =	shalt  }
0x70: {  	_ =	shalt  }
0x71: {  	_ =	shalt  }
0x72: {  	_ =	shalt  }
0x73: {  	_ =	shalt  }
0x74: {  	_ =	shalt  }
0x75: {  	_ =	shalt  }
0x76: {  	_ =	shalt  }
0x77: {  	_ =	shalt  }
0x78: {  	_ =	shalt  }
0x79: {  	_ =	shalt  }
0x7a: {  	_ =	shalt  }
0x7b: {  	_ =	shalt  }
0x7c: {  	_ =	shalt  }
0x7d: {  	_ =	shalt  }
0x7e: {  	_ =	shalt  }
0x7f: {  	_ =	shalt  }
0x80: {  	_ =	shalt  }
0x81: {  	_ =	shalt  }
0x82: {  	_ =	shalt  }
0x83: {  	_ =	shalt  }
0x84: {  	_ =	shalt  }
0x85: {  	_ =	shalt  }
0x86: {  	_ =	shalt  }
0x87: {  	_ =	shalt  }
.Lfunc_end0:
.L_simem_size_0:
called_computation_lowered:
.L_overlay_start_0:
0x88: {  	s2 =	sld [smem:$0x3FD9]  }
0x89: {  	s3 =	sld [smem:$0x3FFE];
	_ =	sdelay $0x1  }
0x8a: {  	s1 =	srdreg.scid  }
0x8b: {  	s0 =	sand.u32 $0x1, s1  }
0x8c: {  	s14 =	sshll.u32 s0, $0xA;
	s2 =	sadd.s32 s3, s2  }
0x8d: {  	s2 =	sadd.s32 s2, s14  }
0x8e: {  	[smem:$0x3FC2] =	sst s2  }
0x8f: {  	_ = 	snop  }
0x90: {  	s2 =	sld [smem:$0x3FD0];
	_ =	sdelay $0x2  }
0x91: {  	s4 =	simm.s32 $0xA;
	s5 =	simm.s32 $0x10;
	s15 =	sld [smem:$0x3FC9]  }
0x92: {  	[smem:s5], [sflag:s4] =	dma.local [hbm:s2], $0x1  }
0x93: {  	_ =	swait.eq [sflag:s4], $0x1  }
0x94: {  	[sflag:s4] =	ssyncset.done $0x0  }
0x95: {  	[sflag:s4] =	ssyncadd.s32 $0xFFFFFFFF  }
0x96: {  	s16 =	sld [smem:$0x10];
	(tm) =	ssettm $0x1  }
0x97: {  	s17 =	sld [smem:$0x3FFB];
	_ =	sdelay $0x3  }
0x98: {  	_ =	strace s17  }
0x99: {  	s4 =	sld [smem:$0x3FFC];
	_ =	sdelay $0x3  }
0x9a: {  	_ =	strace s4  }
0x9b: {  	s4 =	sld [smem:$0x3FFD];
	_ =	sdelay $0x3  }
0x9c: {  	_ =	strace s4  }
0x9d: {  	_ =	strace $0x8FFFFFFF  }
0x9e: {  	s18 =	sld [smem:$0x3FDB];
	_ =	sdelay $0x1  }
0x9f: {  	s19 =	simm.s32 $_scs_section_size  }
0xa0: {  	s6 =	simm.s32 $_size__tile_overlayer_lowered;
	s7 =	simm.s32 $_tile_overlayer_lowered  }
0xa1: {  	s22 =	simm.s32 $0x1BFF;
	s21 =	sshll.u32 s7, $0x1;
	s4 =	sadd.s32 s19, s18  }
0xa2: {  	s8 =	simm.s32 $0x0;
	s20 =	sshll.u32 s6, $0x1;
	s6 =	sadd.s32 s21, s4  }
0xa3: {  	[timem:s8], [sflag:s22] =	dma.local [hbm:s6], s20  }
0xa4: {  	_ =	swait.ge [sflag:s22], s20  }
0xa5: {  	s5 =	ssub.s32 $0x0, s20;
	[sflag:s22] =	ssyncset.done $0x0  }
0xa6: {  	[sflag:s22] =	ssyncadd.s32 s5;
	_ =	sdelay $0x1  }
0xa7: {  	s23 =	simm.s32 $0x1B8B  }
0xa8: {  	_ =	swait.ge [sflag:s23], $0x1  }
0xa9: {  	[sflag:s23] =	ssyncset.done $0x0  }
0xaa: {  	s25 =	simm.s32 $0x1B8E;
	s24 =	sld [smem:$0x3FFE];
	[sflag:s23] =	ssyncadd.s32 $0xFFFFFFFF  }
0xab: {  	s26 =	simm.s32 $execute0_lowered;
	[smem:$0x3FD2] =	sst s25  }
0xac: {  	s6 =	sshll.u32 s26, $0x1;
	_ =	strace $0x80000046;
	[dreg:$0x1] =	wrdreg $0xFFFFFFFF  }
0xad: {  	s28 =	simm.s32 $_size_execute0_lowered;
	s4 =	sadd.s32 s4, s6;
	[dreg:$0x0] =	wrdreg $0x0  }
0xae: {  	s6 =	sshll.u32 s28, $0x1;
	[dreg:$0x2] =	wrdreg s4  }
0xaf: {  	[dreg:$0x3] =	wrdreg s6  }
0xb0: {  	[dreg:$0x4] =	wrdreg $0xC0  }
0xb1: {  	_ =	task [dreg:s8], $0x5FFFF  }
0xb2: {  	[dreg:$0x1] =	wrdreg $0xFFFFFFFF  }
0xb3: {  	[dreg:$0x0] =	wrdreg $0x60  }
0xb4: {  	[dreg:$0x2] =	wrdreg s24  }
0xb5: {  	[dreg:$0x3] =	wrdreg s15  }
0xb6: {  	[dreg:$0x4] =	wrdreg s16  }
0xb7: {  	[dreg:$0x5] =	wrdreg $0x9  }
0xb8: {  	_ =	task.clear_ibuf [dreg:s8], $0x6FFFF;
	_ =	strace $0x90000046  }
0xb9: {  	s29 =	simm.s32 $0x9;
	_ =	strace $0x80000048  }
0xba: {  	_ =	swait.ge [sflag:s29], $0x1  }
0xbb: {  	[sflag:s29] =	ssyncadd.s32 $0xFFFFFFFF  }
0xbc: {  	_ =	strace $0x90000048  }
0xbd: {  	_ =	sfence  }
0xbe: {  	s30 =	sld [smem:$0x0];
	_ =	sdelay $0x2  }
0xbf: {  	s31 =	sshll.u32 s1, $0xD;
	s1 =	sshrl.u32 s1, $0x2  }
0xc0: {  	s3 =	sand.u32 $0x4000, s31;
	s1 =	sadd.s32 s1, s30  }
0xc1: {  	s0 =	sor.u32 s3, s0;
	s1 =	sshll.u32 s1, $0x11  }
0xc2: {  	s0 =	sor.u32 s1, s0  }
0xc3: {  	s0 =	sadd.s32 $0x8F2B, s0  }
0xc4: {  	[sflag:s0] =	ssyncadd.remote.s32 $0x1  }
0xc5: {  	_ =	sfence.sel $0xFFFF  }
0xc6: {  	[dreg:$0x0] =	wrdreg $0xFFFFFFFF;
	(pc) =	sbr.abs _section_cstart, $3  }
0xc7: {  	[dreg:$0x1] =	wrdreg $0xFFFFFFFF  }
0xc8: {  	_ =	task.clear_ibuf [dreg:s8], $0x2FFFF;
	_ =	strace $0x9FFFFFFF  }
0xc9: {  	(tm) =	ssettm $0x7FFFFFFF  }
tec
execute0_lowered:
.L_overlay_start_1:
0x0: {  	(tag) =	ssettag $0x1  }
0x1: {  	s0 =	rddreg [dreg:$0x0]  }
0x2: {  	s1 =	rddreg [dreg:$0x1]  }
0x3: {  	s3 =	rddreg [dreg:$0x2]  }
0x4: {  	s2 =	simm.s32 $0x0;
	s23 =	srdreg.scid;
	s9 =	stileid.u32  }
0x5: {  	s18 =	simm.s32 $0x2;
	[smem:$0x7FF] =	sst s2;
	s4 =	sadd.s32 $0x1800, s0  }
0x6: {  	s20 =	sadd.s32 $0x1A00, s0;
	_ =	strace $0x80000047;
	[dreg:$0x4] =	wrdreg s4  }
0x7: {  	s16 =	simm.s32 $0x1;
	s21 =	sadd.s32 $0x1C00, s0;
	[dreg:$0x5] =	wrdreg s20  }
0x8: {  	s22 =	sadd.s32 $0x1E00, s0;
	s5 =	sadd.s32 $0x182000, s0;
	[dreg:$0x6] =	wrdreg s21  }
0x9: {  	s6 =	sshll.u32 s9, $0x1;
	s0 =	sadd.s32 $0x2000, s0;
	[dreg:$0x7] =	wrdreg s22  }
0xa: {  	s9 =	sshll.u32 s9, $0xA;
	s4 =	sand.u32 $0x1, s23;
	[dreg:$0xf] =	wrdreg s0  }
0xb: {  	s25 =	sand.u32 $0x3800, s9;
	s24 =	ssub.s32 $0x2, s4;
	s6 =	sor.u32 s4, s6  }
0xc: {  	s4 =	sshll.u32 s4, $0x9;
	s7 =	sshrl.u32 s24, $0x1;
	s10 =	sshll.u32 s6, $0x8  }
0xd: {  	s13 =	sshll.u32 s6, $0x1;
	s14 =	sshllo.u32 s6, $0x1;
	s6 =	sshll.u32 s6, $0x6  }
0xe: {  	s30 =	sor.u32 s4, s9;
	s0 =	ssub.s32 s24, s7;
	s10 =	sand.u32 $0x300, s10  }
0xf: {  	s11 =	sshll.u32 s14, $0x7;
	s6 =	sadd.s32 s5, s6;
	s29 =	sshll.u32 s14, $0x5  }
0x10: {  	[dreg:$0xc] =	wrdreg s30;
	s31 =	sor.u32 $0x100, s30;
	s10 =	sor.u32 s10, s25  }
0x11: {  	[dreg:$0x8] =	wrdreg s6;
	s28 =	sand.u32 $0x380, s11;
	s5 =	sadd.s32 s5, s29  }
.Ltmp0:
0x12: {  	s0 =	smax.u32 s0, $0x1;
	[dreg:$0xe] =	wrdreg s31;
	(pc) =	sbr.rel .LBB2_1-.Ltmp0, $4  }
0x13: {  	v2 =	vimm.s32 $0x0;
	s10 =	sshrl.u32 s10, $0x3;
	s6 =	sor.u32 s25, s28;
	[dreg:$0xa] =	wrdreg s5  }
0x14: {  	v3 =	vlaneseq.u32;
	v4 =	vimm.f32 $0.0e+00;
	vm0 =	vmmov $0xffff;
	[dreg:$0xd] =	wrdreg s0;
	s26 =	sadd.s32 s3, s10;
	s6 =	sshrl.u32 s6, $0x3  }
0x15: {  	s12 =	sadd.s32 $0x200, s1;
	v5 =	vand.u32 $0x7, v3;
	v6 =	vshrl.u32 v3, $0x3;
	v7 =	vor.u32 $0x8, v3;
	[dreg:$0x9] =	wrdreg s26;
	s3 =	sadd.s32 s3, s6  }
0x16: {  	v6 =	vmul.u32 $0x8, v6;
	v0 =	vmov s13;
	v1 =	vmov s14;
	s11 =	sadd.s32 $0x100, s1;
	[dreg:$0xb] =	wrdreg s3;
	s3 =	simm.s32 $0x0  }
.LBB2_11:
0x17: {  	s3 =	rddreg [dreg:$0x10]  }
0x18: {  	s0 =	rddreg [dreg:$0xd];
	s3 =	sadd.s32 $0x1, s3  }
0x19: {  	p0 =	sne.s32 s3, s0  }
.Ltmp1:
0x1a: {  	_ = 	snop;
	(pc) =	sbr.rel @!p0 .LBB2_12-.Ltmp1, $1  }
0x1b: {  	_ =	sdelay $0x3  }
.LBB2_1:
0x1c: {  	[dreg:$0x10] =	wrdreg s3  }
0x1d: {  	s0 =	rddreg [dreg:$0x4]  }
0x1e: {  	[tilespmem:s2], [sflag:$0x2] =	stream.linear.gather [hbm4b:s0+s2], $0x800, $0x38;
	[tilespmem:$0xE300] =	vst v63  }
0x1f: {  	_ =	swait.ge [sflag:s18], $0x800  }
0x20: {  	[sflag:s18] =	ssyncset.done $0x0  }
0x21: {  	s25 =	simm.s32 $0x800;
	s20 =	rddreg [dreg:$0x5];
	[sflag:s18] =	ssyncadd.s32 $0xFFFFF800  }
0x22: {  	[tilespmem:s25], [sflag:$0x2] =	stream.linear.gather [hbm4b:s20+s2], $0x800, $0x38;
	[tilespmem:$0xE300] =	vst v63  }
0x23: {  	_ =	swait.ge [sflag:s18], $0x800  }
0x24: {  	[sflag:s18] =	ssyncset.done $0x0  }
0x25: {  	s24 =	simm.s32 $0x1000;
	s21 =	rddreg [dreg:$0x6];
	[sflag:s18] =	ssyncadd.s32 $0xFFFFF800  }
0x26: {  	[tilespmem:s24], [sflag:$0x2] =	stream.linear.gather [hbm4b:s21+s2], $0x800, $0x38;
	[tilespmem:$0xE300] =	vst v63  }
0x27: {  	_ =	swait.ge [sflag:s18], $0x800  }
0x28: {  	[sflag:s18] =	ssyncset.done $0x0  }
0x29: {  	s26 =	simm.s32 $0x1800;
	s22 =	rddreg [dreg:$0x7];
	[sflag:s18] =	ssyncadd.s32 $0xFFFFF800  }
0x2a: {  	[tilespmem:s26], [sflag:$0x2] =	stream.linear.gather [hbm4b:s22+s2], $0x800, $0x38;
	[tilespmem:$0xE300] =	vst v63  }
0x2b: {  	_ =	swait.ge [sflag:s18], $0x800  }
0x2c: {  	[sflag:s18] =	ssyncset.done $0x0  }
0x2d: {  	[sflag:s18] =	ssyncadd.s32 $0xFFFFF800  }
0x2e: {  	[tilespmem:$0x2000] =	vst v2  }
0x2f: {  	[tilespmem:$0x2180] =	vst v4  }
0x30: {  	[tilespmem:$0x2010] =	vst v2  }
0x31: {  	[tilespmem:$0x2190] =	vst v4  }
0x32: {  	[tilespmem:$0x2020] =	vst v2  }
0x33: {  	[tilespmem:$0x21A0] =	vst v4  }
0x34: {  	[tilespmem:$0x2030] =	vst v2  }
0x35: {  	[tilespmem:$0x21B0] =	vst v4  }
0x36: {  	[tilespmem:$0x2040] =	vst v2  }
0x37: {  	[tilespmem:$0x21C0] =	vst v4  }
0x38: {  	[tilespmem:$0x2050] =	vst v2  }
0x39: {  	[tilespmem:$0x21D0] =	vst v4  }
0x3a: {  	[tilespmem:$0x2060] =	vst v2  }
0x3b: {  	[tilespmem:$0x21E0] =	vst v4  }
0x3c: {  	[tilespmem:$0x2070] =	vst v2  }
0x3d: {  	[tilespmem:$0x21F0] =	vst v4  }
0x3e: {  	[tilespmem:$0x2080] =	vst v2  }
0x3f: {  	[tilespmem:$0x2200] =	vst v4  }
0x40: {  	[tilespmem:$0x2090] =	vst v2  }
0x41: {  	[tilespmem:$0x2210] =	vst v4  }
0x42: {  	[tilespmem:$0x20A0] =	vst v2  }
0x43: {  	[tilespmem:$0x2220] =	vst v4  }
0x44: {  	[tilespmem:$0x20B0] =	vst v2  }
0x45: {  	[tilespmem:$0x2230] =	vst v4  }
0x46: {  	[tilespmem:$0x20C0] =	vst v2  }
0x47: {  	[tilespmem:$0x2240] =	vst v4  }
0x48: {  	[tilespmem:$0x20D0] =	vst v2  }
0x49: {  	[tilespmem:$0x2250] =	vst v4  }
0x4a: {  	[tilespmem:$0x20E0] =	vst v2  }
0x4b: {  	[tilespmem:$0x2260] =	vst v4  }
0x4c: {  	[tilespmem:$0x20F0] =	vst v2  }
0x4d: {  	[tilespmem:$0x2270] =	vst v4  }
0x4e: {  	[tilespmem:$0x2100] =	vst v2  }
0x4f: {  	[tilespmem:$0x2280] =	vst v4  }
0x50: {  	v8 =	vld [tilespmem:s2+$0x0]  }
0x51: {  	v9 =	vld [tilespmem:s25+$0x0];
	_ =	sdelay $0x4  }
0x52: {  	vm1 =	veq.s32 v8, v0;
	vm2 =	veq.s32 v9, v0  }
0x53: {  	vm1 =	vmor vm1, vm2  }
0x54: {  	v9 =	vmpcnt.ones.xlane vm1;
	_ =	sdelay $0x1  }
0x55: {  	p0 =	por $0x0, $0x0;
	v9 =	vxor.u32 $0x80000000, v9  }
0x56: {  	v10 =	vimm.s32 @!p0 $0x1;
	(xrf0) =	vmax.scan.msk.u32 $0xffff, v9  }
0x57: {  	(xrf0) =	vadd.scan.msk.s32 @!p0 vm1, v10;
	_ =	sdelay $0x2  }
0x58: {  	v9 =	vmov @!p0 s2  }
0x59: {  	v9 =	vadd.s32 @!p0 $0xFFFFFFFF, v9  }
0x5a: {  	v9 =	vbroadcast @!p0 v9, $0x0;
	v10, _, _ =	vpop (xrf0)  }
0x5b: {  	v11 =	vld @!p0 [tilespmem:s26+$0x0];
	v12, _, _ =	vpop @!p0 (xrf0);
	(v2sf) =	vpush v10, $0xF  }
0x5c: {  	v10 =	vld @!p0 [tilespmem:s24+$0x0];
	v9 =	vadd.s32 @!p0 v12, v9;
	_ =	sdelay $0x2  }
0x5d: {  	v12 =	vlaneseq.u32 @!p0  }
0x5e: {  	s25 =	simm.s32 @!p0 $0x2000;
	vm2 =	veq.s32 @!p0 v8, v0;
	v8 =	vor.u32 @!p0 s2, v12  }
0x5f: {  	s26 =	simm.s32 @!p0 $0x2180;
	v10 =	vsel @!p0 vm2, v10, v11;
	[tilespmem:v9+s25+$0x0] =	vst.idx.msk @!p0 vm1, v8  }
0x60: {  	s25 =	simm.s32 $0x10;
	[tilespmem:v9+s26+$0x0] =	vst.idx.msk @!p0 vm1, v10  }
0x61: {  	s28 =	simm.s32 $0x810;
	v8 =	vld [tilespmem:s25+$0x0]  }
0x62: {  	v9 =	vld [tilespmem:s28+$0x0];
	_ =	sdelay $0x4  }
0x63: {  	vm1 =	veq.s32 v8, v0;
	vm2 =	veq.s32 v9, v0  }
0x64: {  	s29 =	simm.s32 $0x20;
	vm1 =	vmor vm1, vm2;
	s23 =	spop (v2sf)  }
0x65: {  	s30 =	simm.s32 $0x10;
	s26 =	simm.s32 $0x1810;
	v9 =	vmpcnt.ones.xlane vm1;
	s31 =	sadd.s32 $0x0, s23  }
.LBB2_2:
0x66: {  	s31 =	sadd.s32 $0x80000000, s31  }
0x67: {  	s24 =	sadd.s32 $0x10, s24;
	s0 =	smov.u32 s29;
	s29 =	sadd.s32 $0x10, s29  }
0x68: {  	p0 =	sne.s32 s29, $0x800;
	p1 =	sgt.s32 s31, $0xFE;
	v9 =	vxor.u32 $0x80000000, v9  }
0x69: {  	v10 =	vmov @!p1 s31;
	v11 =	vimm.s32 @!p1 $0x1;
	v12 =	vlaneseq.u32 @!p1;
	(xrf0) =	vmax.scan.msk.u32 $0xffff, v9  }
0x6a: {  	vm2 =	veq.s32 @!p1 v8, v0;
	v8 =	vadd.s32 @!p1 $0xFFFFFFFF, v10;
	v9 =	vor.u32 @!p1 s25, v12;
	(xrf0) =	vadd.scan.msk.s32 @!p1 vm1, v11;
	s25 =	smov.u32 s0  }
0x6b: {  	v8 =	vbroadcast @!p1 v8, $0x0;
	_ =	sdelay $0x3  }
0x6c: {  	v10, _, _ =	vpop (xrf0)  }
0x6d: {  	v11 =	vld @!p1 [tilespmem:s26+$0x0];
	v12, _, _ =	vpop @!p1 (xrf0);
	(v2sf) =	vpush v10, $0xF  }
0x6e: {  	v8 =	vadd.s32 @!p1 v12, v8;
	v10 =	vld @!p1 [tilespmem:s24+$0x0];
	_ =	sdelay $0x3  }
0x6f: {  	s0 =	simm.s32 @!p1 $0x2000  }
0x70: {  	v10 =	vsel @!p1 vm2, v10, v11;
	[tilespmem:v8+s0+$0x0] =	vst.idx.msk @!p1 vm1, v9;
	s0 =	simm.s32 @!p1 $0x2180  }
0x71: {  	s30 =	sadd.s32 $0x10, s30;
	[tilespmem:v8+s0+$0x0] =	vst.idx.msk @!p1 vm1, v10  }
0x72: {  	s28 =	sadd.s32 $0x10, s28;
	v8 =	vld [tilespmem:s30+$0x0]  }
0x73: {  	v9 =	vld [tilespmem:s28+$0x0];
	_ =	sdelay $0x2  }
.Ltmp2:
0x74: {  	(pc) =	sbr.rel @p0 .LBB2_2-.Ltmp2, $4  }
0x75: {  	_ = 	snop  }
0x76: {  	vm1 =	veq.s32 v8, v0;
	vm2 =	veq.s32 v9, v0  }
0x77: {  	vm1 =	vmor vm1, vm2;
	s0 =	spop (v2sf)  }
0x78: {  	s26 =	sadd.s32 $0x10, s26;
	v9 =	vmpcnt.ones.xlane vm1;
	s31 =	sadd.s32 s0, s31  }
0x79: {  	_ = 	snop  }
0x7a: {  	s0 =	sadd.s32 $0x80000000, s31;
	v9 =	vxor.u32 $0x80000000, v9  }
0x7b: {  	p0 =	sgt.s32 s0, $0xFE;
	(xrf0) =	vmax.scan.msk.u32 $0xffff, v9  }
0x7c: {  	v9 =	vimm.s32 @!p0 $0x1  }
0x7d: {  	(xrf0) =	vadd.scan.msk.s32 @!p0 vm1, v9;
	_ =	sdelay $0x2  }
0x7e: {  	v9 =	vmov @!p0 s0  }
0x7f: {  	v9 =	vadd.s32 @!p0 $0xFFFFFFFF, v9;
	v10, _, _ =	vpop (xrf0)  }
0x80: {  	v9 =	vbroadcast @!p0 v9, $0x0;
	(v2sf) =	vpush v10, $0xF  }
0x81: {  	s24 =	sadd.s32 $0x10, s24;
	v10 =	vld @!p0 [tilespmem:s26+$0x0];
	v11, _, _ =	vpop @!p0 (xrf0)  }
0x82: {  	v9 =	vadd.s32 @!p0 v11, v9;
	v11 =	vld @!p0 [tilespmem:s24+$0x0];
	_ =	sdelay $0x2  }
0x83: {  	v12 =	vlaneseq.u32 @!p0  }
0x84: {  	vm2 =	veq.s32 @!p0 v8, v0;
	v8 =	vor.u32 @!p0 s25, v12;
	s24 =	simm.s32 @!p0 $0x2000  }
0x85: {  	v10 =	vsel @!p0 vm2, v11, v10;
	[tilespmem:v9+s24+$0x0] =	vst.idx.msk @!p0 vm1, v8;
	s24 =	simm.s32 @!p0 $0x2180  }
0x86: {  	[tilespmem:v9+s24+$0x0] =	vst.idx.msk @!p0 vm1, v10  }
0x87: {  	v8 =	vld [tilespmem:$0x2270]  }
0x88: {  	s19 =	rddreg [dreg:$0x8];
	s20 =	simm.s32 $0x2000  }
0x89: {  	s22 =	simm.s32 $0x80;
	s23 =	simm.s32 $0x400;
	s28 =	simm.s32 $0x2180  }
0x8a: {  	s4 =	simm.s32 $0x4B00;
	s15 =	simm.s32 $0x5B00;
	s3 =	simm.s32 $0x6300  }
0x8b: {  	s5 =	simm.s32 $0x6B00;
	s6 =	simm.s32 $0x7300;
	s7 =	simm.s32 $0x7B00;
	vm1 =	veq.s32 v3, $0xF  }
0x8c: {  	s9 =	simm.s32 $0x8300;
	s10 =	simm.s32 $0x8B00;
	s13 =	simm.s32 $0xB300;
	v8 =	vsel vm1, $0x0, v8  }
0x8d: {  	s14 =	simm.s32 $0xBB00;
	s8 =	simm.s32 $0xC300;
	[tilespmem:$0x2270] =	vst v8;
	s17 =	spop (v2sf)  }
0x8e: {  	[hbm4b:s19+s2] =	stream.linear.scatter [tilespmem:s20], [sflag:$0x2], $0x100, $0x38;
	[tilespmem:$0xE300] =	vst v63  }
0x8f: {  	s29 =	simm.s32 $0xCB00;
	s30 =	simm.s32 $0xD300;
	s0 =	sadd.s32 s17, s0  }
0x90: {  	s31 =	simm.s32 $0xDB00;
	_ =	swait.ge [sflag:s18], $0x100;
	s24 =	sadd.s32 $0x80000000, s0  }
0x91: {  	s19 =	simm.s32 $0x9300;
	[sflag:s18] =	ssyncset.done $0x0;
	p0 =	slt.s32 s24, $0x1  }
.Ltmp3:
0x92: {  	s21 =	rddreg [dreg:$0x9];
	[sflag:s18] =	ssyncadd.s32 $0xFFFFFF00;
	(pc) =	sbr.rel @p0 .LBB2_6-.Ltmp3, $4  }
0x93: {  	[hbm4b:s21+s22] =	stream.strided.scatter [tilespmem:s28], [sflag:$0x2], $0x100, s23, s22, $0x38;
	[tilespmem:$0xE300] =	vst v63  }
0x94: {  	s20 =	simm.s32 $0x9B00;
	s17 =	simm.s32 $0x5300;
	_ =	swait.ge [sflag:s18], $0x100  }
0x95: {  	s28 =	simm.s32 $0x2B00;
	s21 =	simm.s32 $0xA300;
	[sflag:s18] =	ssyncset.done $0x0  }
0x96: {  	s22 =	simm.s32 $0xAB00;
	s23 =	rddreg [dreg:$0xf];
	[sflag:s18] =	ssyncadd.s32 $0xFFFFFF00  }
0x97: {  	s0 =	smin.u32 s24, $0xFF  }
0x98: {  	s25 =	simm.s32 $0x2020;
	s0 =	sadd.s32 $0x3F, s0  }
0x99: {  	s26 =	rddreg [dreg:$0xc];
	s24 =	sshrl.u32 s0, $0x6;
	s0 =	simm.s32 $0x2300  }
.LBB2_5:
0x9a: {  	v8 =	vld [tilespmem:s25+$0xFFFFFFE0];
	_ =	sdelay $0x4  }
0x9b: {  	v9 =	vshrl.u32 v8, $0x3  }
0x9c: {  	v9 =	vmul.u32 $0x30, v9  }
0x9d: {  	v8 =	vand.u32 $0x7, v8  }
0x9e: {  	v8 =	vor.u32 v8, v9  }
0x9f: {  	v9 =	vperm.xlane v8, v5;
	_ =	sdelay $0x1  }
0xa0: {  	v9 =	vadd.s32 v6, v9;
	_ =	sdelay $0x3  }
0xa1: {  	v8 =	vperm.xlane v8, v7  }
0xa2: {  	[tilespmem:s0], [sflag:$0x1] =	stream.indirect_vreg.gather [hbm4b:s1+s2], $0x80, v9, vm0, $0xb8;
	[tilespmem:$0xE300] =	vst v63  }
0xa3: {  	v8 =	vadd.s32 v6, v8  }
0xa4: {  	[tilespmem:s28], [sflag:$0x1] =	stream.indirect_vreg.gather [hbm4b:s11+s2], $0x80, v9, vm0, $0xb8;
	[tilespmem:$0xE300] =	vst v63  }
0xa5: {  	s0 =	simm.s32 $0x3300  }
0xa6: {  	[tilespmem:s0], [sflag:$0x1] =	stream.indirect_vreg.gather [hbm4b:s12+s2], $0x80, v9, vm0, $0xb8;
	[tilespmem:$0xE300] =	vst v63  }
0xa7: {  	s0 =	simm.s32 $0x3B00  }
0xa8: {  	[tilespmem:s0], [sflag:$0x1] =	stream.indirect_vreg.gather [hbm4b:s1+s2], $0x80, v8, vm0, $0xb8;
	[tilespmem:$0xE300] =	vst v63  }
0xa9: {  	s0 =	simm.s32 $0x4300  }
0xaa: {  	[tilespmem:s0], [sflag:$0x1] =	stream.indirect_vreg.gather [hbm4b:s11+s2], $0x80, v8, vm0, $0xb8;
	[tilespmem:$0xE300] =	vst v63  }
0xab: {  	_ = 	snop  }
0xac: {  	[tilespmem:s4], [sflag:$0x1] =	stream.indirect_vreg.gather [hbm4b:s12+s2], $0x80, v8, vm0, $0xb8;
	[tilespmem:$0xE300] =	vst v63  }
0xad: {  	v8 =	vld [tilespmem:s25+$0xFFFFFFF0];
	_ =	sdelay $0x4  }
0xae: {  	v61 =	vshrl.u32 v8, $0x3  }
0xaf: {  	v9 =	vmul.u32 $0x30, v61  }
0xb0: {  	v8 =	vand.u32 $0x7, v8  }
0xb1: {  	v8 =	vor.u32 v8, v9  }
0xb2: {  	v9 =	vperm.xlane v8, v5;
	_ =	sdelay $0x1  }
0xb3: {  	v9 =	vadd.s32 v6, v9;
	_ =	sdelay $0x3  }
0xb4: {  	v8 =	vperm.xlane v8, v7  }
0xb5: {  	[tilespmem:s17], [sflag:$0x1] =	stream.indirect_vreg.gather [hbm4b:s1+s2], $0x80, v9, vm0, $0xb8;
	[tilespmem:$0xE300] =	vst v63  }
0xb6: {  	v8 =	vadd.s32 v6, v8  }
0xb7: {  	[tilespmem:s15], [sflag:$0x1] =	stream.indirect_vreg.gather [hbm4b:s11+s2], $0x80, v9, vm0, $0xb8;
	[tilespmem:$0xE300] =	vst v63  }
0xb8: {  	_ = 	snop  }
0xb9: {  	[tilespmem:s3], [sflag:$0x1] =	stream.indirect_vreg.gather [hbm4b:s12+s2], $0x80, v9, vm0, $0xb8;
	[tilespmem:$0xE300] =	vst v63  }
0xba: {  	_ = 	snop  }
0xbb: {  	[tilespmem:s5], [sflag:$0x1] =	stream.indirect_vreg.gather [hbm4b:s1+s2], $0x80, v8, vm0, $0xb8;
	[tilespmem:$0xE300] =	vst v63  }
0xbc: {  	_ = 	snop  }
0xbd: {  	[tilespmem:s6], [sflag:$0x1] =	stream.indirect_vreg.gather [hbm4b:s11+s2], $0x80, v8, vm0, $0xb8;
	[tilespmem:$0xE300] =	vst v63  }
0xbe: {  	_ = 	snop  }
0xbf: {  	[tilespmem:s7], [sflag:$0x1] =	stream.indirect_vreg.gather [hbm4b:s12+s2], $0x80, v8, vm0, $0xb8;
	[tilespmem:$0xE300] =	vst v63  }
0xc0: {  	v8 =	vld [tilespmem:s25+$0x0];
	_ =	sdelay $0x4  }
0xc1: {  	v62 =	vshrl.u32 v8, $0x3  }
0xc2: {  	v9 =	vmul.u32 $0x30, v62  }
0xc3: {  	v8 =	vand.u32 $0x7, v8  }
0xc4: {  	v8 =	vor.u32 v8, v9  }
0xc5: {  	v9 =	vperm.xlane v8, v5;
	_ =	sdelay $0x1  }
0xc6: {  	v9 =	vadd.s32 v6, v9;
	_ =	sdelay $0x3  }
0xc7: {  	v8 =	vperm.xlane v8, v7  }
0xc8: {  	[tilespmem:s9], [sflag:$0x1] =	stream.indirect_vreg.gather [hbm4b:s1+s2], $0x80, v9, vm0, $0xb8;
	[tilespmem:$0xE300] =	vst v63  }
0xc9: {  	v8 =	vadd.s32 v6, v8  }
0xca: {  	[tilespmem:s10], [sflag:$0x1] =	stream.indirect_vreg.gather [hbm4b:s11+s2], $0x80, v9, vm0, $0xb8;
	[tilespmem:$0xE300] =	vst v63  }
0xcb: {  	_ = 	snop  }
0xcc: {  	[tilespmem:s19], [sflag:$0x1] =	stream.indirect_vreg.gather [hbm4b:s12+s2], $0x80, v9, vm0, $0xb8;
	[tilespmem:$0xE300] =	vst v63  }
0xcd: {  	_ = 	snop  }
0xce: {  	[tilespmem:s20], [sflag:$0x1] =	stream.indirect_vreg.gather [hbm4b:s1+s2], $0x80, v8, vm0, $0xb8;
	[tilespmem:$0xE300] =	vst v63  }
0xcf: {  	_ = 	snop  }
0xd0: {  	[tilespmem:s21], [sflag:$0x1] =	stream.indirect_vreg.gather [hbm4b:s11+s2], $0x80, v8, vm0, $0xb8;
	[tilespmem:$0xE300] =	vst v63  }
0xd1: {  	_ = 	snop  }
0xd2: {  	[tilespmem:s22], [sflag:$0x1] =	stream.indirect_vreg.gather [hbm4b:s12+s2], $0x80, v8, vm0, $0xb8;
	[tilespmem:$0xE300] =	vst v63  }
0xd3: {  	v8 =	vld [tilespmem:s25+$0x10];
	_ =	sdelay $0x4  }
0xd4: {  	v63 =	vshrl.u32 v8, $0x3  }
0xd5: {  	v9 =	vmul.u32 $0x30, v63  }
0xd6: {  	v8 =	vand.u32 $0x7, v8  }
0xd7: {  	v8 =	vor.u32 v8, v9  }
0xd8: {  	v9 =	vperm.xlane v8, v5;
	_ =	sdelay $0x1  }
0xd9: {  	v9 =	vadd.s32 v6, v9;
	_ =	sdelay $0x3  }
0xda: {  	v8 =	vperm.xlane v8, v7  }
0xdb: {  	[tilespmem:s13], [sflag:$0x1] =	stream.indirect_vreg.gather [hbm4b:s1+s2], $0x80, v9, vm0, $0xb8;
	[tilespmem:$0xE300] =	vst v63  }
0xdc: {  	v8 =	vadd.s32 v6, v8  }
0xdd: {  	[tilespmem:s14], [sflag:$0x1] =	stream.indirect_vreg.gather [hbm4b:s11+s2], $0x80, v9, vm0, $0xb8;
	[tilespmem:$0xE300] =	vst v63  }
0xde: {  	_ = 	snop  }
0xdf: {  	[tilespmem:s8], [sflag:$0x1] =	stream.indirect_vreg.gather [hbm4b:s12+s2], $0x80, v9, vm0, $0xb8;
	[tilespmem:$0xE300] =	vst v63  }
0xe0: {  	_ = 	snop  }
0xe1: {  	[tilespmem:s29], [sflag:$0x1] =	stream.indirect_vreg.gather [hbm4b:s1+s2], $0x80, v8, vm0, $0xb8;
	[tilespmem:$0xE300] =	vst v63  }
0xe2: {  	_ = 	snop  }
0xe3: {  	[tilespmem:s30], [sflag:$0x1] =	stream.indirect_vreg.gather [hbm4b:s11+s2], $0x80, v8, vm0, $0xb8;
	[tilespmem:$0xE300] =	vst v63  }
0xe4: {  	s0 =	sshrl.u32 s26, $0x3  }
0xe5: {  	[tilespmem:s31], [sflag:$0x1] =	stream.indirect_vreg.gather [hbm4b:s12+s2], $0x80, v8, vm0, $0xb8;
	[tilespmem:$0xE300] =	vst v63  }
0xe6: {  	s0 =	smul.u32 $0x300, s0;
	_ =	swait.ge [sflag:s16], $0xC000  }
0xe7: {  	p0 =	sne.s32 s24, $0x1;
	s28 =	simm.s32 $0x2300;
	[sflag:s16] =	ssyncset.done $0x0  }
.Ltmp4:
0xe8: {  	s0 =	sadd.s32 s23, s0;
	[sflag:s16] =	ssyncadd.s32 $0xFFFF4000;
	(pc) =	sbr.rel @p0 .LBB2_5-.Ltmp4, $4  }
0xe9: {  	[hbm4b:s0+s2] =	stream.linear.scatter [tilespmem:s28], [sflag:$0x2], $0xC000, $0x38;
	[tilespmem:$0xE300] =	vst v63  }
0xea: {  	s24 =	sadd.s32 $0xFFFFFFFF, s24;
	_ =	swait.ge [sflag:s18], $0xC000  }
0xeb: {  	s26 =	sadd.s32 $0x40, s26;
	s25 =	sadd.s32 $0x40, s25;
	[sflag:s18] =	ssyncset.done $0x0  }
0xec: {  	s28 =	simm.s32 $0x2B00;
	s0 =	simm.s32 $0x2300;
	[sflag:s18] =	ssyncadd.s32 $0xFFFF4000  }
.LBB2_6:
0xed: {  	[tilespmem:$0x2000] =	vst v2  }
0xee: {  	[tilespmem:$0x2180] =	vst v4  }
0xef: {  	[tilespmem:$0x2010] =	vst v2  }
0xf0: {  	[tilespmem:$0x2190] =	vst v4  }
0xf1: {  	[tilespmem:$0x2020] =	vst v2  }
0xf2: {  	[tilespmem:$0x21A0] =	vst v4  }
0xf3: {  	[tilespmem:$0x2030] =	vst v2  }
0xf4: {  	[tilespmem:$0x21B0] =	vst v4  }
0xf5: {  	[tilespmem:$0x2040] =	vst v2  }
0xf6: {  	[tilespmem:$0x21C0] =	vst v4  }
0xf7: {  	[tilespmem:$0x2050] =	vst v2  }
0xf8: {  	[tilespmem:$0x21D0] =	vst v4  }
0xf9: {  	[tilespmem:$0x2060] =	vst v2  }
0xfa: {  	[tilespmem:$0x21E0] =	vst v4  }
0xfb: {  	[tilespmem:$0x2070] =	vst v2  }
0xfc: {  	[tilespmem:$0x21F0] =	vst v4  }
0xfd: {  	[tilespmem:$0x2080] =	vst v2  }
0xfe: {  	[tilespmem:$0x2200] =	vst v4  }
0xff: {  	[tilespmem:$0x2090] =	vst v2  }
0x100: {  	[tilespmem:$0x2210] =	vst v4  }
0x101: {  	[tilespmem:$0x20A0] =	vst v2  }
0x102: {  	[tilespmem:$0x2220] =	vst v4  }
0x103: {  	[tilespmem:$0x20B0] =	vst v2  }
0x104: {  	[tilespmem:$0x2230] =	vst v4  }
0x105: {  	[tilespmem:$0x20C0] =	vst v2  }
0x106: {  	[tilespmem:$0x2240] =	vst v4  }
0x107: {  	[tilespmem:$0x20D0] =	vst v2  }
0x108: {  	[tilespmem:$0x2250] =	vst v4  }
0x109: {  	[tilespmem:$0x20E0] =	vst v2  }
0x10a: {  	[tilespmem:$0x2260] =	vst v4  }
0x10b: {  	[tilespmem:$0x20F0] =	vst v2  }
0x10c: {  	[tilespmem:$0x2270] =	vst v4  }
0x10d: {  	[tilespmem:$0x2100] =	vst v2  }
0x10e: {  	[tilespmem:$0x2280] =	vst v4;
	s0 =	simm.s32 $0x0  }
0x10f: {  	s24 =	simm.s32 $0x800;
	v8 =	vld [tilespmem:s0+$0x0]  }
0x110: {  	v9 =	vld [tilespmem:s24+$0x0];
	_ =	sdelay $0x4  }
0x111: {  	vm1 =	veq.s32 v8, v1;
	vm2 =	veq.s32 v9, v1  }
0x112: {  	vm1 =	vmor vm1, vm2  }
0x113: {  	v9 =	vmpcnt.ones.xlane vm1;
	_ =	sdelay $0x1  }
0x114: {  	p0 =	por $0x0, $0x0;
	v9 =	vxor.u32 $0x80000000, v9  }
0x115: {  	v10 =	vimm.s32 @!p0 $0x1;
	(xrf0) =	vmax.scan.msk.u32 $0xffff, v9  }
0x116: {  	(xrf0) =	vadd.scan.msk.s32 @!p0 vm1, v10;
	_ =	sdelay $0x2  }
0x117: {  	v9 =	vmov @!p0 s0  }
0x118: {  	v9 =	vadd.s32 @!p0 $0xFFFFFFFF, v9  }
0x119: {  	s25 =	simm.s32 $0x1800;
	v9 =	vbroadcast @!p0 v9, $0x0;
	v10, _, _ =	vpop (xrf0)  }
0x11a: {  	s24 =	simm.s32 $0x1000;
	v11 =	vld @!p0 [tilespmem:s25+$0x0];
	v12, _, _ =	vpop @!p0 (xrf0);
	(v2sf) =	vpush v10, $0xF  }
0x11b: {  	v10 =	vld @!p0 [tilespmem:s24+$0x0];
	v9 =	vadd.s32 @!p0 v12, v9;
	_ =	sdelay $0x2  }
0x11c: {  	v12 =	vlaneseq.u32 @!p0  }
0x11d: {  	vm2 =	veq.s32 @!p0 v8, v1;
	v8 =	vor.u32 @!p0 s0, v12;
	s0 =	simm.s32 @!p0 $0x2000  }
0x11e: {  	v10 =	vsel @!p0 vm2, v10, v11;
	[tilespmem:v9+s0+$0x0] =	vst.idx.msk @!p0 vm1, v8;
	s0 =	simm.s32 @!p0 $0x2180  }
0x11f: {  	s25 =	simm.s32 $0x10;
	[tilespmem:v9+s0+$0x0] =	vst.idx.msk @!p0 vm1, v10  }
0x120: {  	s28 =	simm.s32 $0x810;
	v8 =	vld [tilespmem:s25+$0x0]  }
0x121: {  	v9 =	vld [tilespmem:s28+$0x0];
	_ =	sdelay $0x4  }
0x122: {  	vm1 =	veq.s32 v8, v1;
	vm2 =	veq.s32 v9, v1  }
0x123: {  	s29 =	simm.s32 $0x20;
	vm1 =	vmor vm1, vm2;
	s26 =	spop (v2sf)  }
0x124: {  	s30 =	simm.s32 $0x10;
	v9 =	vmpcnt.ones.xlane vm1;
	s31 =	sadd.s32 $0x0, s26;
	s26 =	simm.s32 $0x1810  }
.LBB2_7:
0x125: {  	s0 =	sadd.s32 $0x80000000, s31  }
0x126: {  	s24 =	sadd.s32 $0x10, s24;
	s31 =	smov.u32 s29;
	s29 =	sadd.s32 $0x10, s29  }
0x127: {  	p0 =	sne.s32 s29, $0x800;
	p1 =	sgt.s32 s0, $0xFE;
	v9 =	vxor.u32 $0x80000000, v9  }
0x128: {  	v10 =	vmov @!p1 s0;
	v11 =	vimm.s32 @!p1 $0x1;
	v12 =	vlaneseq.u32 @!p1;
	(xrf0) =	vmax.scan.msk.u32 $0xffff, v9  }
0x129: {  	vm2 =	veq.s32 @!p1 v8, v1;
	v8 =	vadd.s32 @!p1 $0xFFFFFFFF, v10;
	v9 =	vor.u32 @!p1 s25, v12;
	(xrf0) =	vadd.scan.msk.s32 @!p1 vm1, v11;
	s25 =	smov.u32 s31  }
0x12a: {  	v8 =	vbroadcast @!p1 v8, $0x0;
	_ =	sdelay $0x3  }
0x12b: {  	v10, _, _ =	vpop (xrf0)  }
0x12c: {  	v11 =	vld @!p1 [tilespmem:s26+$0x0];
	v12, _, _ =	vpop @!p1 (xrf0);
	(v2sf) =	vpush v10, $0xF  }
0x12d: {  	v8 =	vadd.s32 @!p1 v12, v8;
	v10 =	vld @!p1 [tilespmem:s24+$0x0];
	_ =	sdelay $0x3  }
0x12e: {  	s31 =	simm.s32 @!p1 $0x2000  }
0x12f: {  	v10 =	vsel @!p1 vm2, v10, v11;
	[tilespmem:v8+s31+$0x0] =	vst.idx.msk @!p1 vm1, v9;
	s31 =	simm.s32 @!p1 $0x2180  }
0x130: {  	s30 =	sadd.s32 $0x10, s30;
	[tilespmem:v8+s31+$0x0] =	vst.idx.msk @!p1 vm1, v10  }
0x131: {  	s28 =	sadd.s32 $0x10, s28;
	v8 =	vld [tilespmem:s30+$0x0]  }
0x132: {  	v9 =	vld [tilespmem:s28+$0x0];
	_ =	sdelay $0x2  }
.Ltmp5:
0x133: {  	(pc) =	sbr.rel @p0 .LBB2_7-.Ltmp5, $4  }
0x134: {  	_ = 	snop  }
0x135: {  	vm1 =	veq.s32 v8, v1;
	vm2 =	veq.s32 v9, v1  }
0x136: {  	vm1 =	vmor vm1, vm2;
	s31 =	spop (v2sf)  }
0x137: {  	s26 =	sadd.s32 $0x10, s26;
	v9 =	vmpcnt.ones.xlane vm1;
	s31 =	sadd.s32 s31, s0  }
0x138: {  	_ = 	snop  }
0x139: {  	s0 =	sadd.s32 $0x80000000, s31;
	v9 =	vxor.u32 $0x80000000, v9  }
0x13a: {  	p0 =	sgt.s32 s0, $0xFE;
	(xrf0) =	vmax.scan.msk.u32 $0xffff, v9  }
0x13b: {  	v9 =	vimm.s32 @!p0 $0x1  }
0x13c: {  	(xrf0) =	vadd.scan.msk.s32 @!p0 vm1, v9;
	_ =	sdelay $0x2  }
0x13d: {  	v9 =	vmov @!p0 s0  }
0x13e: {  	v9 =	vadd.s32 @!p0 $0xFFFFFFFF, v9;
	v10, _, _ =	vpop (xrf0)  }
0x13f: {  	v9 =	vbroadcast @!p0 v9, $0x0;
	(v2sf) =	vpush v10, $0xF  }
0x140: {  	s24 =	sadd.s32 $0x10, s24;
	v10 =	vld @!p0 [tilespmem:s26+$0x0];
	v11, _, _ =	vpop @!p0 (xrf0)  }
0x141: {  	v9 =	vadd.s32 @!p0 v11, v9;
	v11 =	vld @!p0 [tilespmem:s24+$0x0];
	_ =	sdelay $0x2  }
0x142: {  	v12 =	vlaneseq.u32 @!p0  }
0x143: {  	vm2 =	veq.s32 @!p0 v8, v1;
	v8 =	vor.u32 @!p0 s25, v12;
	s24 =	simm.s32 @!p0 $0x2000  }
0x144: {  	v10 =	vsel @!p0 vm2, v11, v10;
	[tilespmem:v9+s24+$0x0] =	vst.idx.msk @!p0 vm1, v8;
	s24 =	simm.s32 @!p0 $0x2180  }
0x145: {  	[tilespmem:v9+s24+$0x0] =	vst.idx.msk @!p0 vm1, v10  }
0x146: {  	v8 =	vld [tilespmem:$0x2270]  }
0x147: {  	s19 =	rddreg [dreg:$0xa];
	s20 =	simm.s32 $0x2000  }
0x148: {  	s22 =	simm.s32 $0x80;
	s23 =	simm.s32 $0x400;
	s28 =	simm.s32 $0x2180  }
0x149: {  	s4 =	simm.s32 $0x4B00;
	s15 =	simm.s32 $0x5B00;
	s3 =	simm.s32 $0x6300  }
0x14a: {  	s5 =	simm.s32 $0x6B00;
	s6 =	simm.s32 $0x7300;
	s7 =	simm.s32 $0x7B00;
	vm1 =	veq.s32 v3, $0xF  }
0x14b: {  	s9 =	simm.s32 $0x8300;
	s10 =	simm.s32 $0x8B00;
	s13 =	simm.s32 $0xB300;
	v8 =	vsel vm1, $0x0, v8  }
0x14c: {  	s14 =	simm.s32 $0xBB00;
	s8 =	simm.s32 $0xC300;
	[tilespmem:$0x2270] =	vst v8;
	s17 =	spop (v2sf)  }
0x14d: {  	[hbm4b:s19+s2] =	stream.linear.scatter [tilespmem:s20], [sflag:$0x2], $0x100, $0x38;
	[tilespmem:$0xE300] =	vst v63  }
0x14e: {  	s29 =	simm.s32 $0xCB00;
	s30 =	simm.s32 $0xD300;
	s0 =	sadd.s32 s17, s0  }
0x14f: {  	s31 =	simm.s32 $0xDB00;
	_ =	swait.ge [sflag:s18], $0x100;
	s24 =	sadd.s32 $0x80000000, s0  }
0x150: {  	s19 =	simm.s32 $0x9300;
	[sflag:s18] =	ssyncset.done $0x0;
	p0 =	slt.s32 s24, $0x1  }
.Ltmp6:
0x151: {  	s21 =	rddreg [dreg:$0xb];
	[sflag:s18] =	ssyncadd.s32 $0xFFFFFF00;
	(pc) =	sbr.rel @p0 .LBB2_11-.Ltmp6, $4  }
0x152: {  	[hbm4b:s21+s22] =	stream.strided.scatter [tilespmem:s28], [sflag:$0x2], $0x100, s23, s22, $0x38;
	[tilespmem:$0xE300] =	vst v63  }
0x153: {  	s20 =	simm.s32 $0x9B00;
	s17 =	simm.s32 $0x5300;
	_ =	swait.ge [sflag:s18], $0x100  }
0x154: {  	s28 =	simm.s32 $0x2B00;
	s21 =	simm.s32 $0xA300;
	[sflag:s18] =	ssyncset.done $0x0  }
0x155: {  	s22 =	simm.s32 $0xAB00;
	s23 =	rddreg [dreg:$0xf];
	[sflag:s18] =	ssyncadd.s32 $0xFFFFFF00  }
0x156: {  	s0 =	smin.u32 s24, $0xFF  }
0x157: {  	s25 =	simm.s32 $0x2020;
	s0 =	sadd.s32 $0x3F, s0  }
0x158: {  	s26 =	rddreg [dreg:$0xe];
	s24 =	sshrl.u32 s0, $0x6;
	s0 =	simm.s32 $0x2300  }
.LBB2_10:
0x159: {  	v8 =	vld [tilespmem:s25+$0xFFFFFFE0];
	_ =	sdelay $0x4  }
0x15a: {  	v9 =	vshrl.u32 v8, $0x3  }
0x15b: {  	v9 =	vmul.u32 $0x30, v9  }
0x15c: {  	v8 =	vand.u32 $0x7, v8  }
0x15d: {  	v8 =	vor.u32 v8, v9  }
0x15e: {  	v9 =	vperm.xlane v8, v5;
	_ =	sdelay $0x1  }
0x15f: {  	v9 =	vadd.s32 v6, v9;
	_ =	sdelay $0x3  }
0x160: {  	v8 =	vperm.xlane v8, v7  }
0x161: {  	[tilespmem:s0], [sflag:$0x1] =	stream.indirect_vreg.gather [hbm4b:s1+s2], $0x80, v9, vm0, $0xb8;
	[tilespmem:$0xE300] =	vst v63  }
0x162: {  	v8 =	vadd.s32 v6, v8  }
0x163: {  	[tilespmem:s28], [sflag:$0x1] =	stream.indirect_vreg.gather [hbm4b:s11+s2], $0x80, v9, vm0, $0xb8;
	[tilespmem:$0xE300] =	vst v63  }
0x164: {  	s0 =	simm.s32 $0x3300  }
0x165: {  	[tilespmem:s0], [sflag:$0x1] =	stream.indirect_vreg.gather [hbm4b:s12+s2], $0x80, v9, vm0, $0xb8;
	[tilespmem:$0xE300] =	vst v63  }
0x166: {  	s0 =	simm.s32 $0x3B00  }
0x167: {  	[tilespmem:s0], [sflag:$0x1] =	stream.indirect_vreg.gather [hbm4b:s1+s2], $0x80, v8, vm0, $0xb8;
	[tilespmem:$0xE300] =	vst v63  }
0x168: {  	s0 =	simm.s32 $0x4300  }
0x169: {  	[tilespmem:s0], [sflag:$0x1] =	stream.indirect_vreg.gather [hbm4b:s11+s2], $0x80, v8, vm0, $0xb8;
	[tilespmem:$0xE300] =	vst v63  }
0x16a: {  	_ = 	snop  }
0x16b: {  	[tilespmem:s4], [sflag:$0x1] =	stream.indirect_vreg.gather [hbm4b:s12+s2], $0x80, v8, vm0, $0xb8;
	[tilespmem:$0xE300] =	vst v63  }
0x16c: {  	v8 =	vld [tilespmem:s25+$0xFFFFFFF0];
	_ =	sdelay $0x4  }
0x16d: {  	v61 =	vshrl.u32 v8, $0x3  }
0x16e: {  	v9 =	vmul.u32 $0x30, v61  }
0x16f: {  	v8 =	vand.u32 $0x7, v8  }
0x170: {  	v8 =	vor.u32 v8, v9  }
0x171: {  	v9 =	vperm.xlane v8, v5;
	_ =	sdelay $0x1  }
0x172: {  	v9 =	vadd.s32 v6, v9;
	_ =	sdelay $0x3  }
0x173: {  	v8 =	vperm.xlane v8, v7  }
0x174: {  	[tilespmem:s17], [sflag:$0x1] =	stream.indirect_vreg.gather [hbm4b:s1+s2], $0x80, v9, vm0, $0xb8;
	[tilespmem:$0xE300] =	vst v63  }
0x175: {  	v8 =	vadd.s32 v6, v8  }
0x176: {  	[tilespmem:s15], [sflag:$0x1] =	stream.indirect_vreg.gather [hbm4b:s11+s2], $0x80, v9, vm0, $0xb8;
	[tilespmem:$0xE300] =	vst v63  }
0x177: {  	_ = 	snop  }
0x178: {  	[tilespmem:s3], [sflag:$0x1] =	stream.indirect_vreg.gather [hbm4b:s12+s2], $0x80, v9, vm0, $0xb8;
	[tilespmem:$0xE300] =	vst v63  }
0x179: {  	_ = 	snop  }
0x17a: {  	[tilespmem:s5], [sflag:$0x1] =	stream.indirect_vreg.gather [hbm4b:s1+s2], $0x80, v8, vm0, $0xb8;
	[tilespmem:$0xE300] =	vst v63  }
0x17b: {  	_ = 	snop  }
0x17c: {  	[tilespmem:s6], [sflag:$0x1] =	stream.indirect_vreg.gather [hbm4b:s11+s2], $0x80, v8, vm0, $0xb8;
	[tilespmem:$0xE300] =	vst v63  }
0x17d: {  	_ = 	snop  }
0x17e: {  	[tilespmem:s7], [sflag:$0x1] =	stream.indirect_vreg.gather [hbm4b:s12+s2], $0x80, v8, vm0, $0xb8;
	[tilespmem:$0xE300] =	vst v63  }
0x17f: {  	v8 =	vld [tilespmem:s25+$0x0];
	_ =	sdelay $0x4  }
0x180: {  	v62 =	vshrl.u32 v8, $0x3  }
0x181: {  	v9 =	vmul.u32 $0x30, v62  }
0x182: {  	v8 =	vand.u32 $0x7, v8  }
0x183: {  	v8 =	vor.u32 v8, v9  }
0x184: {  	v9 =	vperm.xlane v8, v5;
	_ =	sdelay $0x1  }
0x185: {  	v9 =	vadd.s32 v6, v9;
	_ =	sdelay $0x3  }
0x186: {  	v8 =	vperm.xlane v8, v7  }
0x187: {  	[tilespmem:s9], [sflag:$0x1] =	stream.indirect_vreg.gather [hbm4b:s1+s2], $0x80, v9, vm0, $0xb8;
	[tilespmem:$0xE300] =	vst v63  }
0x188: {  	v8 =	vadd.s32 v6, v8  }
0x189: {  	[tilespmem:s10], [sflag:$0x1] =	stream.indirect_vreg.gather [hbm4b:s11+s2], $0x80, v9, vm0, $0xb8;
	[tilespmem:$0xE300] =	vst v63  }
0x18a: {  	_ = 	snop  }
0x18b: {  	[tilespmem:s19], [sflag:$0x1] =	stream.indirect_vreg.gather [hbm4b:s12+s2], $0x80, v9, vm0, $0xb8;
	[tilespmem:$0xE300] =	vst v63  }
0x18c: {  	_ = 	snop  }
0x18d: {  	[tilespmem:s20], [sflag:$0x1] =	stream.indirect_vreg.gather [hbm4b:s1+s2], $0x80, v8, vm0, $0xb8;
	[tilespmem:$0xE300] =	vst v63  }
0x18e: {  	_ = 	snop  }
0x18f: {  	[tilespmem:s21], [sflag:$0x1] =	stream.indirect_vreg.gather [hbm4b:s11+s2], $0x80, v8, vm0, $0xb8;
	[tilespmem:$0xE300] =	vst v63  }
0x190: {  	_ = 	snop  }
0x191: {  	[tilespmem:s22], [sflag:$0x1] =	stream.indirect_vreg.gather [hbm4b:s12+s2], $0x80, v8, vm0, $0xb8;
	[tilespmem:$0xE300] =	vst v63  }
0x192: {  	v8 =	vld [tilespmem:s25+$0x10];
	_ =	sdelay $0x4  }
0x193: {  	v63 =	vshrl.u32 v8, $0x3  }
0x194: {  	v9 =	vmul.u32 $0x30, v63  }
0x195: {  	v8 =	vand.u32 $0x7, v8  }
0x196: {  	v8 =	vor.u32 v8, v9  }
0x197: {  	v9 =	vperm.xlane v8, v5;
	_ =	sdelay $0x1  }
0x198: {  	v9 =	vadd.s32 v6, v9;
	_ =	sdelay $0x3  }
0x199: {  	v8 =	vperm.xlane v8, v7  }
0x19a: {  	[tilespmem:s13], [sflag:$0x1] =	stream.indirect_vreg.gather [hbm4b:s1+s2], $0x80, v9, vm0, $0xb8;
	[tilespmem:$0xE300] =	vst v63  }
0x19b: {  	v8 =	vadd.s32 v6, v8  }
0x19c: {  	[tilespmem:s14], [sflag:$0x1] =	stream.indirect_vreg.gather [hbm4b:s11+s2], $0x80, v9, vm0, $0xb8;
	[tilespmem:$0xE300] =	vst v63  }
0x19d: {  	_ = 	snop  }
0x19e: {  	[tilespmem:s8], [sflag:$0x1] =	stream.indirect_vreg.gather [hbm4b:s12+s2], $0x80, v9, vm0, $0xb8;
	[tilespmem:$0xE300] =	vst v63  }
0x19f: {  	_ = 	snop  }
0x1a0: {  	[tilespmem:s29], [sflag:$0x1] =	stream.indirect_vreg.gather [hbm4b:s1+s2], $0x80, v8, vm0, $0xb8;
	[tilespmem:$0xE300] =	vst v63  }
0x1a1: {  	_ = 	snop  }
0x1a2: {  	[tilespmem:s30], [sflag:$0x1] =	stream.indirect_vreg.gather [hbm4b:s11+s2], $0x80, v8, vm0, $0xb8;
	[tilespmem:$0xE300] =	vst v63  }
0x1a3: {  	s0 =	sshrl.u32 s26, $0x3  }
0x1a4: {  	[tilespmem:s31], [sflag:$0x1] =	stream.indirect_vreg.gather [hbm4b:s12+s2], $0x80, v8, vm0, $0xb8;
	[tilespmem:$0xE300] =	vst v63  }
0x1a5: {  	s0 =	smul.u32 $0x300, s0;
	_ =	swait.ge [sflag:s16], $0xC000  }
0x1a6: {  	p0 =	sne.s32 s24, $0x1;
	s28 =	simm.s32 $0x2300;
	[sflag:s16] =	ssyncset.done $0x0  }
.Ltmp7:
0x1a7: {  	s0 =	sadd.s32 s23, s0;
	[sflag:s16] =	ssyncadd.s32 $0xFFFF4000;
	(pc) =	sbr.rel @p0 .LBB2_10-.Ltmp7, $4  }
0x1a8: {  	[hbm4b:s0+s2] =	stream.linear.scatter [tilespmem:s28], [sflag:$0x2], $0xC000, $0x38;
	[tilespmem:$0xE300] =	vst v63  }
0x1a9: {  	s24 =	sadd.s32 $0xFFFFFFFF, s24;
	_ =	swait.ge [sflag:s18], $0xC000  }
0x1aa: {  	s26 =	sadd.s32 $0x40, s26;
	s25 =	sadd.s32 $0x40, s25;
	[sflag:s18] =	ssyncset.done $0x0  }
0x1ab: {  	s28 =	simm.s32 $0x2B00;
	s0 =	simm.s32 $0x2300;
	[sflag:s18] =	ssyncadd.s32 $0xFFFF4000  }
.Ltmp8:
0x1ac: {  	_ = 	snop;
	(pc) =	sbr.rel .LBB2_11-.Ltmp8, $1  }
0x1ad: {  	_ =	sdelay $0x3  }
.LBB2_12:
0x1ae: {  	_ =	sfence.sel $0x180000  }
0x1af: {  	[bflag:$0x0] =	sbarrier.arrive $0xFFFF  }
0x1b0: {  	_ =	strace $0x90000047  }
0x1b1: {  	s0 =	stileid.u32;
	[bflag:$0x2] =	sbarrier.arrive $0xFFFF  }
0x1b2: {  	p0 =	sne.s32 s0, $0x0;
	s0 =	rddreg [dreg:$0x3]  }
0x1b3: {  	s0 =	sadd.s32 @!p0 $0x100000, s0  }
0x1b4: {  	[sflag:s0] =	ssyncadd.tile.s32 @!p0 $0x1;
	_ =	shalt  }
.Lfunc_end2:
_tile_overlayer_lowered:
.L_overlay_start_2:
0x1b5: {  	(tag) =	ssettag $0x2  }
0x1b6: {  	s0 =	rddreg [dreg:$0x0];
	s2 =	stileid.u32  }
0x1b7: {  	s1 =	rddreg [dreg:$0x1];
	p0 =	sne.s32 s2, $0x0  }
0x1b8: {  	s3 =	rddreg [dreg:$0x2];
	[bflag:$0x3] =	sbarrier.arrive $0xFFFF;
	s2 =	simm.s32 @!p0 $0x1C02  }
0x1b9: {  	[timem:s3], [sflag:s2] =	dma.local @!p0 [hbm:s0], s1  }
0x1ba: {  	s0 =	simm.s32 @!p0 $0x2  }
0x1bb: {  	_ =	swait.ge @!p0 [sflag:s0], s1  }
0x1bc: {  	s1 =	ssub.s32 @!p0 $0x0, s1;
	[sflag:s0] =	ssyncset.done @!p0 $0x0  }
0x1bd: {  	[sflag:s0] =	ssyncadd.s32 @!p0 s1  }
0x1be: {  	[bflag:$0x3] =	sbarrier.arrive $0xFFFF  }
0x1bf: {  	_ =	shalt  }

// kernel: kernel.9.cloned.1.call-start
scs
__scs_entry_jumppad:
0x0: {  	(pc) =	sbr.rel $0x88, $3  }
0x1: {  	(tag) =	ssettag $0x0;
	lr =	simm.s32 $0x1  }
0x2: {  	[smem:$0x3F9B] =	sst lr;
	_ =	strace $0xD0000000  }
0x3: {  	_ = 	snop  }
0x4: {  	_ = 	snop  }
0x5: {  	_ = 	snop  }
0x6: {  	_ = 	snop  }
0x7: {  	_ = 	snop  }
__scs_overlays_trampoline_lowered:
0x8: {  	[smem:$0x3FAA] =	sst s0  }
0x9: {  	[smem:$0x3FAB] =	sst s1  }
0xa: {  	[smem:$0x3FAC] =	sst s2  }
0xb: {  	[smem:$0x3FAD] =	sst s3  }
0xc: {  	[smem:$0x3FAE] =	sst s4  }
0xd: {  	[smem:$0x3FAF] =	sst s5  }
0xe: {  	[smem:$0x3FB0] =	sst s6  }
0xf: {  	[smem:$0x3FB1] =	sst s7  }
0x10: {  	[smem:$0x3FB2] =	sst s8  }
0x11: {  	[smem:$0x3FB3] =	sst s9;
	s0 =	simm.s32 @!p0 $0x0  }
0x12: {  	s1 =	sld [smem:$0x3F99];
	s0 =	simm.s32 @p0 $0x1  }
0x13: {  	[smem:$0x3FB4] =	sst s0;
	s0 =	simm.s32 @!p1 $0x0  }
0x14: {  	s2 =	sld [smem:$0x3F98];
	s0 =	simm.s32 @p1 $0x1  }
0x15: {  	[smem:$0x3FB5] =	sst s0;
	s0 =	simm.s32 @!p2 $0x0  }
0x16: {  	s3 =	sld [smem:$0x3FDB];
	s0 =	simm.s32 @p2 $0x1  }
0x17: {  	s4 =	simm.s32 $0x1BF5;
	[smem:$0x3FB7] =	sst s0  }
0x18: {  	s0 =	sld [smem:$0x3F9A];
	_ =	swait.ge [sflag:s4], $0x0  }
0x19: {  	s7 =	sld [smem:$0x3F9B]  }
0x1a: {  	s8 =	sadd.s32 $0xFFFFE003, lr  }
0x1b: {  	s9 =	sadd.s32 $0xFFFFFEF7, lr;
	s5 =	simm.s32 $0xFFFFFFFF;
	p2 =	slt.u32 s8, $0xFFFFF086  }
0x1c: {  	p1 =	slt.u32 s9, $0xF7A;
	s5 =	simm.s32 @!p2 $0x0  }
0x1d: {  	s5 =	simm.s32 @p1 $0x1;
	p0 =	seq.s32 s7, s2  }
0x1e: {  	s7 =	smul.u32 @!p0 $0xF7A, s2;
	p2 =	seq.s32 @!p0 s5, $0x0  }
0x1f: {  	s9 =	smul.u32 $0xF7A, s1;
	s8 =	simm.s32 @!p0 $0x1BF5;
	p2 =	por !p2, p0  }
0x20: {  	[sflag:s8] =	ssyncset.s32 @!p0 $0xFFFFF086;
	s6 =	sadd.s32 @!p0 s3, s7;
	s7 =	simm.s32 @!p0 $0x108  }
0x21: {  	s3 =	sadd.s32 s3, s9;
	s6 =	sadd.s32 @!p0 $0x88, s6;
	s7 =	simm.s32 @p2 $0x1082  }
0x22: {  	[simem:s7], [sflag:s8] =	dma.local @!p0 [hbm:s6], $0xF7A  }
0x23: {  	s9 =	sor.u32 $0xD0000000, s2;
	s6 =	simm.s32 $0x108;
	_ =	swait.ge @!p0 [sflag:s8], $0x0  }
0x24: {  	s3 =	sadd.s32 $0x88, s3;
	s6 =	simm.s32 @!p1 $0x1082;
	[sflag:s4] =	ssyncset.s32 $0xFFFFF086  }
0x25: {  	[simem:s6], [sflag:s4] =	dma.local [hbm:s3], $0xF7A  }
0x26: {  	[smem:$0x3F9B] =	sst s1;
	(tag) =	ssettag s2;
	_ =	strace s9  }
0x27: {  	s1 =	sld [smem:$0x3FAB]  }
0x28: {  	s2 =	sld [smem:$0x3FAC]  }
0x29: {  	s4 =	sld [smem:$0x3FAE]  }
0x2a: {  	p0 =	seq.s32 s5, $0x0;
	s5 =	sld [smem:$0x3FAF]  }
0x2b: {  	s6 =	sld [smem:$0x3FB0]  }
0x2c: {  	s7 =	sld [smem:$0x3FB1]  }
0x2d: {  	s3 =	simm.s32 $0x108;
	s8 =	sld [smem:$0x3FB2]  }
0x2e: {  	s3 =	simm.s32 @!p0 $0x1082;
	s9 =	sld [smem:$0x3FB3]  }
0x2f: {  	lr =	sadd.s32 s0, s3;
	s0 =	sld [smem:$0x3FAA]  }
0x30: {  	s3 =	sld [smem:$0x3FAD]  }
0x31: {  	[smem:$0x3FB6] =	sst s10  }
0x32: {  	s10 =	sld [smem:$0x3FB4];
	_ =	sdelay $0x3  }
0x33: {  	p0 =	seq.s32 s10, $0x1;
	s10 =	sld [smem:$0x3FB6];
	_ =	sdelay $0x3  }
0x34: {  	[smem:$0x3FB6] =	sst s10  }
0x35: {  	s10 =	sld [smem:$0x3FB5];
	_ =	sdelay $0x3  }
0x36: {  	p1 =	seq.s32 s10, $0x1;
	s10 =	sld [smem:$0x3FB6];
	_ =	sdelay $0x3  }
0x37: {  	[smem:$0x3FB6] =	sst s10  }
0x38: {  	s10 =	sld [smem:$0x3FB7]  }
0x39: {  	_ = 	snop;
	(pc) =	sbr.ind lr, $3  }
0x3a: {  	_ = 	snop  }
0x3b: {  	_ = 	snop  }
0x3c: {  	p2 =	seq.s32 s10, $0x1;
	s10 =	sld [smem:$0x3FB6]  }
0x3d: {  	_ =	shalt  }
0x3e: {  	_ =	shalt  }
0x3f: {  	_ =	shalt  }
0x40: {  	_ =	shalt  }
0x41: {  	_ =	shalt  }
0x42: {  	_ =	shalt  }
0x43: {  	_ =	shalt  }
0x44: {  	_ =	shalt  }
0x45: {  	_ =	shalt  }
0x46: {  	_ =	shalt  }
0x47: {  	_ =	shalt  }
0x48: {  	_ =	shalt  }
0x49: {  	_ =	shalt  }
0x4a: {  	_ =	shalt  }
0x4b: {  	_ =	shalt  }
0x4c: {  	_ =	shalt  }
0x4d: {  	_ =	shalt  }
0x4e: {  	_ =	shalt  }
0x4f: {  	_ =	shalt  }
0x50: {  	_ =	shalt  }
0x51: {  	_ =	shalt  }
0x52: {  	_ =	shalt  }
0x53: {  	_ =	shalt  }
0x54: {  	_ =	shalt  }
0x55: {  	_ =	shalt  }
0x56: {  	_ =	shalt  }
0x57: {  	_ =	shalt  }
0x58: {  	_ =	shalt  }
0x59: {  	_ =	shalt  }
0x5a: {  	_ =	shalt  }
0x5b: {  	_ =	shalt  }
0x5c: {  	_ =	shalt  }
0x5d: {  	_ =	shalt  }
0x5e: {  	_ =	shalt  }
0x5f: {  	_ =	shalt  }
0x60: {  	_ =	shalt  }
0x61: {  	_ =	shalt  }
0x62: {  	_ =	shalt  }
0x63: {  	_ =	shalt  }
0x64: {  	_ =	shalt  }
0x65: {  	_ =	shalt  }
0x66: {  	_ =	shalt  }
0x67: {  	_ =	shalt  }
0x68: {  	_ =	shalt  }
0x69: {  	_ =	shalt  }
0x6a: {  	_ =	shalt  }
0x6b: {  	_ =	shalt  }
0x6c: {  	_ =	shalt  }
0x6d: {  	_ =	shalt  }
0x6e: {  	_ =	shalt  }
0x6f: {  	_ =	shalt  }
0x70: {  	_ =	shalt  }
0x71: {  	_ =	shalt  }
0x72: {  	_ =	shalt  }
0x73: {  	_ =	shalt  }
0x74: {  	_ =	shalt  }
0x75: {  	_ =	shalt  }
0x76: {  	_ =	shalt  }
0x77: {  	_ =	shalt  }
0x78: {  	_ =	shalt  }
0x79: {  	_ =	shalt  }
0x7a: {  	_ =	shalt  }
0x7b: {  	_ =	shalt  }
0x7c: {  	_ =	shalt  }
0x7d: {  	_ =	shalt  }
0x7e: {  	_ =	shalt  }
0x7f: {  	_ =	shalt  }
0x80: {  	_ =	shalt  }
0x81: {  	_ =	shalt  }
0x82: {  	_ =	shalt  }
0x83: {  	_ =	shalt  }
0x84: {  	_ =	shalt  }
0x85: {  	_ =	shalt  }
0x86: {  	_ =	shalt  }
0x87: {  	_ =	shalt  }
.Lfunc_end0:
.L_simem_size_0:
called_computation.1_lowered:
.L_overlay_start_0:
0x88: {  	s2 =	sld [smem:$0x3FD9]  }
0x89: {  	s3 =	sld [smem:$0x3FFE];
	_ =	sdelay $0x1  }
0x8a: {  	s1 =	srdreg.scid  }
0x8b: {  	s0 =	sand.u32 $0x1, s1  }
0x8c: {  	s14 =	sshll.u32 s0, $0xA;
	s2 =	sadd.s32 s3, s2  }
0x8d: {  	s2 =	sadd.s32 s2, s14  }
0x8e: {  	[smem:$0x3FC2] =	sst s2  }
0x8f: {  	_ = 	snop  }
0x90: {  	s2 =	sld [smem:$0x3FD0];
	_ =	sdelay $0x2  }
0x91: {  	s15 =	simm.s32 $0xA;
	s4 =	simm.s32 $0x10  }
0x92: {  	[smem:s4], [sflag:s15] =	dma.local [hbm:s2], $0x1  }
0x93: {  	_ =	swait.eq [sflag:s15], $0x1  }
0x94: {  	[sflag:s15] =	ssyncset.done $0x0  }
0x95: {  	[sflag:s15] =	ssyncadd.s32 $0xFFFFFFFF  }
0x96: {  	s16 =	sld [smem:$0x10];
	(tm) =	ssettm $0x1  }
0x97: {  	s17 =	sld [smem:$0x3FFB];
	_ =	sdelay $0x3  }
0x98: {  	_ =	strace s17  }
0x99: {  	s3 =	sld [smem:$0x3FFC];
	_ =	sdelay $0x3  }
0x9a: {  	_ =	strace s3  }
0x9b: {  	s3 =	sld [smem:$0x3FFD];
	_ =	sdelay $0x3  }
0x9c: {  	_ =	strace s3  }
0x9d: {  	_ =	strace $0x8FFFFFFF  }
0x9e: {  	s18 =	sld [smem:$0x3FDB];
	_ =	sdelay $0x1  }
0x9f: {  	s19 =	simm.s32 $_scs_section_size  }
0xa0: {  	s5 =	simm.s32 $_size__tile_overlayer_lowered;
	s6 =	simm.s32 $_tile_overlayer_lowered  }
0xa1: {  	s22 =	simm.s32 $0x1BFF;
	s21 =	sshll.u32 s6, $0x1;
	s3 =	sadd.s32 s19, s18  }
0xa2: {  	s7 =	simm.s32 $0x0;
	s20 =	sshll.u32 s5, $0x1;
	s5 =	sadd.s32 s21, s3  }
0xa3: {  	[timem:s7], [sflag:s22] =	dma.local [hbm:s5], s20  }
0xa4: {  	_ =	swait.ge [sflag:s22], s20  }
0xa5: {  	s4 =	ssub.s32 $0x0, s20;
	[sflag:s22] =	ssyncset.done $0x0  }
0xa6: {  	[sflag:s22] =	ssyncadd.s32 s4;
	_ =	sdelay $0x1  }
0xa7: {  	s23 =	simm.s32 $0x1B8B  }
0xa8: {  	_ =	swait.ge [sflag:s23], $0x1  }
0xa9: {  	[sflag:s23] =	ssyncset.done $0x0  }
0xaa: {  	s25 =	simm.s32 $0x1B8E;
	s24 =	sld [smem:$0x3FFE];
	[sflag:s23] =	ssyncadd.s32 $0xFFFFFFFF  }
0xab: {  	s26 =	simm.s32 $execute0_lowered;
	[smem:$0x3FD2] =	sst s25  }
0xac: {  	s5 =	sshll.u32 s26, $0x1;
	_ =	strace $0x80000049;
	[dreg:$0x1] =	wrdreg $0xFFFFFFFF  }
0xad: {  	s28 =	simm.s32 $_size_execute0_lowered;
	s3 =	sadd.s32 s3, s5;
	[dreg:$0x0] =	wrdreg $0x0  }
0xae: {  	s5 =	sshll.u32 s28, $0x1;
	[dreg:$0x2] =	wrdreg s3  }
0xaf: {  	[dreg:$0x3] =	wrdreg s5  }
0xb0: {  	[dreg:$0x4] =	wrdreg $0xC0  }
0xb1: {  	_ =	task [dreg:s7], $0x5FFFF  }
0xb2: {  	[dreg:$0x1] =	wrdreg $0xFFFFFFFF  }
0xb3: {  	[dreg:$0x0] =	wrdreg $0x60  }
0xb4: {  	[dreg:$0x2] =	wrdreg s24  }
0xb5: {  	[dreg:$0x3] =	wrdreg s16  }
0xb6: {  	[dreg:$0x4] =	wrdreg $0x9  }
0xb7: {  	_ =	task.clear_ibuf [dreg:s7], $0x5FFFF;
	_ =	strace $0x90000049  }
0xb8: {  	s29 =	simm.s32 $0x9;
	_ =	strace $0x8000004B  }
0xb9: {  	_ =	swait.ge [sflag:s29], $0x1  }
0xba: {  	[sflag:s29] =	ssyncadd.s32 $0xFFFFFFFF  }
0xbb: {  	_ =	strace $0x9000004B  }
0xbc: {  	_ =	sfence  }
0xbd: {  	s30 =	sld [smem:$0x0];
	_ =	sdelay $0x2  }
0xbe: {  	s31 =	sshll.u32 s1, $0xD;
	s1 =	sshrl.u32 s1, $0x2  }
0xbf: {  	s3 =	sand.u32 $0x4000, s31;
	s1 =	sadd.s32 s1, s30  }
0xc0: {  	s0 =	sor.u32 s3, s0;
	s1 =	sshll.u32 s1, $0x11  }
0xc1: {  	s0 =	sor.u32 s1, s0  }
0xc2: {  	s0 =	sadd.s32 $0x8F2B, s0  }
0xc3: {  	[sflag:s0] =	ssyncadd.remote.s32 $0x1  }
0xc4: {  	_ =	sfence.sel $0xFFFF  }
0xc5: {  	[dreg:$0x0] =	wrdreg $0xFFFFFFFF;
	(pc) =	sbr.abs _section_cstart, $3  }
0xc6: {  	[dreg:$0x1] =	wrdreg $0xFFFFFFFF  }
0xc7: {  	_ =	task.clear_ibuf [dreg:s7], $0x2FFFF;
	_ =	strace $0x9FFFFFFF  }
0xc8: {  	(tm) =	ssettm $0x7FFFFFFF  }
0xc9: {  	_ =	shalt  }
tec
execute0_lowered:
.L_overlay_start_1:
0x0: {  	(tag) =	ssettag $0x1  }
0x1: {  	s2 =	rddreg [dreg:$0x0]  }
0x2: {  	s4 =	rddreg [dreg:$0x1]  }
0x3: {  	s1 =	simm.s32 $0x0;
	s25 =	srdreg.scid;
	s29 =	simm.s32 $0x1180  }
0x4: {  	[smem:$0x7FF] =	sst s1;
	s3 =	sadd.s32 $0x183000, s2;
	s0 =	sadd.s32 $0x182000, s2  }
0x5: {  	s5 =	stileid.u32;
	s24 =	sadd.s32 $0x182800, s2;
	s31 =	sadd.s32 $0x182100, s2  }
0x6: {  	s28 =	simm.s32 $0x100;
	s7 =	sadd.s32 $0x182900, s2;
	s8 =	sadd.s32 $0x182200, s2  }
0x7: {  	s30 =	simm.s32 $0x0;
	s9 =	sadd.s32 $0x182A00, s2;
	s10 =	sadd.s32 $0x182300, s2  }
0x8: {  	s13 =	sand.u32 $0x1, s25;
	s12 =	sadd.s32 $0x182400, s2;
	s14 =	sadd.s32 $0x182500, s2  }
0x9: {  	s26 =	sshll.u32 s5, $0x1;
	s15 =	sadd.s32 $0x182D00, s2;
	s16 =	sadd.s32 $0x182600, s2  }
0xa: {  	s18 =	sadd.s32 $0x182E00, s2;
	_ =	strace $0x8000004A;
	[dreg:$0x3] =	wrdreg s0  }
0xb: {  	s22 =	sadd.s32 $0x183100, s2;
	s23 =	sadd.s32 $0x183200, s2;
	[dreg:$0x4] =	wrdreg s24  }
0xc: {  	s25 =	simm.s32 $0x2;
	[dreg:$0x5] =	wrdreg s31;
	s0 =	sor.u32 s13, s26  }
0xd: {  	s19 =	ssub.s32 $0x2, s13;
	s13 =	sadd.s32 $0x182C00, s2;
	s26 =	simm.s32 $0x80  }
0xe: {  	s11 =	sshll.u32 s0, $0x3;
	s20 =	sshrl.u32 s19, $0x1;
	s21 =	smul.u32 $0x1800, s0  }
0xf: {  	v1 =	vlaneseq.u32;
	v2 =	vimm.s32 $0xFF;
	s17 =	sadd.s32 s11, s2;
	s11 =	sadd.s32 $0x182B00, s2;
	s24 =	ssub.s32 s19, s20  }
0x10: {  	vm0 =	vmmov $0xffff;
	v3 =	vand.u32 $0x7, v1;
	v4 =	vshrl.u32 v1, $0x3;
	s19 =	sadd.s32 $0x182700, s2;
	s20 =	sadd.s32 $0x182F00, s2;
	s2 =	simm.s32 $0x1  }
0x11: {  	v5 =	vor.u32 $0x8, v1;
	v4 =	vmul.u32 $0x8, v4;
	v0 =	vmov s0;
	s17 =	sadd.s32 $0x1800, s17;
	s21 =	sadd.s32 s4, s21;
	s24 =	smax.u32 s24, $0x1  }
.LBB2_1:
0x12: {  	[tilespmem:s1], [sflag:$0x2] =	stream.linear.gather [hbm4b:s17+s1], $0x40, $0x38;
	[tilespmem:$0x19180] =	vst v63  }
0x13: {  	_ =	swait.ge [sflag:s25], $0x40  }
0x14: {  	[sflag:s25] =	ssyncset.done $0x0  }
0x15: {  	[sflag:s25] =	ssyncadd.s32 $0xFFFFFFC0  }
0x16: {  	[tilespmem:$0x80] =	vst v2  }
0x17: {  	[tilespmem:$0x100] =	vst v2  }
0x18: {  	[tilespmem:$0x90] =	vst v2  }
0x19: {  	[tilespmem:$0x110] =	vst v2  }
0x1a: {  	[tilespmem:$0xA0] =	vst v2  }
0x1b: {  	[tilespmem:$0x120] =	vst v2  }
0x1c: {  	[tilespmem:$0xB0] =	vst v2  }
0x1d: {  	s0 =	simm.s32 $0x180;
	s4 =	rddreg [dreg:$0x3];
	[tilespmem:$0x130] =	vst v2  }
0x1e: {  	[tilespmem:s0], [sflag:$0x2] =	stream.linear.gather [hbm4b:s4+s1], $0x800, $0x38;
	[tilespmem:$0x19180] =	vst v63  }
0x1f: {  	_ =	swait.ge [sflag:s25], $0x800  }
0x20: {  	[sflag:s25] =	ssyncset.done $0x0  }
0x21: {  	s4 =	simm.s32 $0x980;
	s5 =	rddreg [dreg:$0x4];
	[sflag:s25] =	ssyncadd.s32 $0xFFFFF800  }
0x22: {  	[tilespmem:s4], [sflag:$0x2] =	stream.linear.gather [hbm4b:s5+s1], $0x800, $0x38;
	[tilespmem:$0x19180] =	vst v63  }
0x23: {  	_ =	swait.ge [sflag:s25], $0x800  }
0x24: {  	[sflag:s25] =	ssyncset.done $0x0  }
0x25: {  	s31 =	simm.s32 $0x0;
	[sflag:s25] =	ssyncadd.s32 $0xFFFFF800  }
.LBB2_2:
0x26: {  	v6 =	vld [tilespmem:s0+$0x0];
	_ =	sdelay $0x4  }
0x27: {  	v7 =	vand.u32 $0x3F, v6;
	_ =	sdelay $0x3  }
0x28: {  	v8 =	vld [tilespmem:s4+$0x0]  }
0x29: {  	v9 =	vld.idx.msk [tilespmem:v7+s1+$0x0], $0xffff;
	_ =	sdelay $0x2  }
0x2a: {  	v10 =	vmov s31;
	v6 =	vshrl.u32 v6, $0x6  }
0x2b: {  	vm1 =	vgt.f32 v8, $0.0e+00;
	vm2 =	veq.s32 v6, v0;
	v6 =	vshrl.u32 v10, $0x8  }
0x2c: {  	vm1 =	vmand vm1, vm2;
	vm2 =	veq.s32 v9, v6  }
0x2d: {  	vm3 =	vne.s32 v9, v6;
	vm2 =	vmand vm1, vm2  }
0x2e: {  	vm1 =	vmand vm1, vm3  }
0x2f: {  	p0 =	sne.s32 s31, $0x7F0  }
.Ltmp0:
0x30: {  	_ = 	snop;
	(pc) =	sbr.rel @p0 .LBB2_2-.Ltmp0, $4  }
0x31: {  	_ = 	snop  }
0x32: {  	v6 =	vor.u32 s31, v1  }
0x33: {  	[tilespmem:v7+s26+$0x0] =	vst.idx.msk vm2, v6  }
0x34: {  	s0 =	sadd.s32 $0x10, s0;
	s4 =	sadd.s32 $0x10, s4;
	s31 =	sadd.s32 $0x10, s31;
	[tilespmem:v7+s28+$0x0] =	vst.idx.msk vm1, v6  }
0x35: {  	s0 =	simm.s32 $0x180;
	s4 =	rddreg [dreg:$0x5]  }
0x36: {  	[tilespmem:s0], [sflag:$0x2] =	stream.linear.gather [hbm4b:s4+s1], $0x800, $0x38;
	[tilespmem:$0x19180] =	vst v63  }
0x37: {  	_ =	swait.ge [sflag:s25], $0x800  }
0x38: {  	[sflag:s25] =	ssyncset.done $0x0  }
0x39: {  	s4 =	simm.s32 $0x980;
	[sflag:s25] =	ssyncadd.s32 $0xFFFFF800  }
0x3a: {  	[tilespmem:s4], [sflag:$0x2] =	stream.linear.gather [hbm4b:s7+s1], $0x800, $0x38;
	[tilespmem:$0x19180] =	vst v63  }
0x3b: {  	_ =	swait.ge [sflag:s25], $0x800  }
0x3c: {  	[sflag:s25] =	ssyncset.done $0x0  }
0x3d: {  	s31 =	simm.s32 $0x800;
	[sflag:s25] =	ssyncadd.s32 $0xFFFFF800  }
.LBB2_4:
0x3e: {  	v6 =	vld [tilespmem:s0+$0x0];
	_ =	sdelay $0x4  }
0x3f: {  	v7 =	vand.u32 $0x3F, v6;
	_ =	sdelay $0x3  }
0x40: {  	v8 =	vld [tilespmem:s4+$0x0]  }
0x41: {  	v9 =	vld.idx.msk [tilespmem:v7+s1+$0x0], $0xffff;
	_ =	sdelay $0x2  }
0x42: {  	v10 =	vmov s31;
	v6 =	vshrl.u32 v6, $0x6  }
0x43: {  	vm1 =	vgt.f32 v8, $0.0e+00;
	vm2 =	veq.s32 v6, v0;
	v6 =	vshrl.u32 v10, $0x8  }
0x44: {  	vm1 =	vmand vm1, vm2;
	vm2 =	veq.s32 v9, v6  }
0x45: {  	vm3 =	vne.s32 v9, v6;
	vm2 =	vmand vm1, vm2  }
0x46: {  	vm1 =	vmand vm1, vm3  }
0x47: {  	p0 =	sne.s32 s31, $0xFF0  }
.Ltmp1:
0x48: {  	_ = 	snop;
	(pc) =	sbr.rel @p0 .LBB2_4-.Ltmp1, $4  }
0x49: {  	_ = 	snop  }
0x4a: {  	v6 =	vor.u32 s31, v1  }
0x4b: {  	[tilespmem:v7+s26+$0x0] =	vst.idx.msk vm2, v6  }
0x4c: {  	s0 =	sadd.s32 $0x10, s0;
	s4 =	sadd.s32 $0x10, s4;
	s31 =	sadd.s32 $0x10, s31;
	[tilespmem:v7+s28+$0x0] =	vst.idx.msk vm1, v6  }
0x4d: {  	s0 =	simm.s32 $0x180  }
0x4e: {  	[tilespmem:s0], [sflag:$0x2] =	stream.linear.gather [hbm4b:s8+s1], $0x800, $0x38;
	[tilespmem:$0x19180] =	vst v63  }
0x4f: {  	_ =	swait.ge [sflag:s25], $0x800  }
0x50: {  	[sflag:s25] =	ssyncset.done $0x0  }
0x51: {  	s4 =	simm.s32 $0x980;
	[sflag:s25] =	ssyncadd.s32 $0xFFFFF800  }
0x52: {  	[tilespmem:s4], [sflag:$0x2] =	stream.linear.gather [hbm4b:s9+s1], $0x800, $0x38;
	[tilespmem:$0x19180] =	vst v63  }
0x53: {  	_ =	swait.ge [sflag:s25], $0x800  }
0x54: {  	[sflag:s25] =	ssyncset.done $0x0  }
0x55: {  	s31 =	simm.s32 $0x1000;
	[sflag:s25] =	ssyncadd.s32 $0xFFFFF800  }
.LBB2_6:
0x56: {  	v6 =	vld [tilespmem:s0+$0x0];
	_ =	sdelay $0x4  }
0x57: {  	v7 =	vand.u32 $0x3F, v6;
	_ =	sdelay $0x3  }
0x58: {  	v8 =	vld [tilespmem:s4+$0x0]  }
0x59: {  	v9 =	vld.idx.msk [tilespmem:v7+s1+$0x0], $0xffff;
	_ =	sdelay $0x2  }
0x5a: {  	v10 =	vmov s31;
	v6 =	vshrl.u32 v6, $0x6  }
0x5b: {  	vm1 =	vgt.f32 v8, $0.0e+00;
	vm2 =	veq.s32 v6, v0;
	v6 =	vshrl.u32 v10, $0x8  }
0x5c: {  	vm1 =	vmand vm1, vm2;
	vm2 =	veq.s32 v9, v6  }
0x5d: {  	vm3 =	vne.s32 v9, v6;
	vm2 =	vmand vm1, vm2  }
0x5e: {  	vm1 =	vmand vm1, vm3  }
0x5f: {  	p0 =	sne.s32 s31, $0x17F0  }
.Ltmp2:
0x60: {  	_ = 	snop;
	(pc) =	sbr.rel @p0 .LBB2_6-.Ltmp2, $4  }
0x61: {  	_ = 	snop  }
0x62: {  	v6 =	vor.u32 s31, v1  }
0x63: {  	[tilespmem:v7+s26+$0x0] =	vst.idx.msk vm2, v6  }
0x64: {  	s0 =	sadd.s32 $0x10, s0;
	s4 =	sadd.s32 $0x10, s4;
	s31 =	sadd.s32 $0x10, s31;
	[tilespmem:v7+s28+$0x0] =	vst.idx.msk vm1, v6  }
0x65: {  	s0 =	simm.s32 $0x180  }
0x66: {  	[tilespmem:s0], [sflag:$0x2] =	stream.linear.gather [hbm4b:s10+s1], $0x800, $0x38;
	[tilespmem:$0x19180] =	vst v63  }
0x67: {  	_ =	swait.ge [sflag:s25], $0x800  }
0x68: {  	[sflag:s25] =	ssyncset.done $0x0  }
0x69: {  	s4 =	simm.s32 $0x980;
	[sflag:s25] =	ssyncadd.s32 $0xFFFFF800  }
0x6a: {  	[tilespmem:s4], [sflag:$0x2] =	stream.linear.gather [hbm4b:s11+s1], $0x800, $0x38;
	[tilespmem:$0x19180] =	vst v63  }
0x6b: {  	_ =	swait.ge [sflag:s25], $0x800  }
0x6c: {  	[sflag:s25] =	ssyncset.done $0x0  }
0x6d: {  	s31 =	simm.s32 $0x1800;
	[sflag:s25] =	ssyncadd.s32 $0xFFFFF800  }
.LBB2_8:
0x6e: {  	v6 =	vld [tilespmem:s0+$0x0];
	_ =	sdelay $0x4  }
0x6f: {  	v7 =	vand.u32 $0x3F, v6;
	_ =	sdelay $0x3  }
0x70: {  	v8 =	vld [tilespmem:s4+$0x0]  }
0x71: {  	v9 =	vld.idx.msk [tilespmem:v7+s1+$0x0], $0xffff;
	_ =	sdelay $0x2  }
0x72: {  	v10 =	vmov s31;
	v6 =	vshrl.u32 v6, $0x6  }
0x73: {  	vm1 =	vgt.f32 v8, $0.0e+00;
	vm2 =	veq.s32 v6, v0;
	v6 =	vshrl.u32 v10, $0x8  }
0x74: {  	vm1 =	vmand vm1, vm2;
	vm2 =	veq.s32 v9, v6  }
0x75: {  	vm3 =	vne.s32 v9, v6;
	vm2 =	vmand vm1, vm2  }
0x76: {  	vm1 =	vmand vm1, vm3  }
0x77: {  	p0 =	sne.s32 s31, $0x1FF0  }
.Ltmp3:
0x78: {  	_ = 	snop;
	(pc) =	sbr.rel @p0 .LBB2_8-.Ltmp3, $4  }
0x79: {  	_ = 	snop  }
0x7a: {  	v6 =	vor.u32 s31, v1  }
0x7b: {  	[tilespmem:v7+s26+$0x0] =	vst.idx.msk vm2, v6  }
0x7c: {  	s0 =	sadd.s32 $0x10, s0;
	s4 =	sadd.s32 $0x10, s4;
	s31 =	sadd.s32 $0x10, s31;
	[tilespmem:v7+s28+$0x0] =	vst.idx.msk vm1, v6  }
0x7d: {  	s0 =	simm.s32 $0x180  }
0x7e: {  	[tilespmem:s0], [sflag:$0x2] =	stream.linear.gather [hbm4b:s12+s1], $0x800, $0x38;
	[tilespmem:$0x19180] =	vst v63  }
0x7f: {  	_ =	swait.ge [sflag:s25], $0x800  }
0x80: {  	[sflag:s25] =	ssyncset.done $0x0  }
0x81: {  	s4 =	simm.s32 $0x980;
	[sflag:s25] =	ssyncadd.s32 $0xFFFFF800  }
0x82: {  	[tilespmem:s4], [sflag:$0x2] =	stream.linear.gather [hbm4b:s13+s1], $0x800, $0x38;
	[tilespmem:$0x19180] =	vst v63  }
0x83: {  	_ =	swait.ge [sflag:s25], $0x800  }
0x84: {  	[sflag:s25] =	ssyncset.done $0x0  }
0x85: {  	s31 =	simm.s32 $0x2000;
	[sflag:s25] =	ssyncadd.s32 $0xFFFFF800  }
.LBB2_10:
0x86: {  	v6 =	vld [tilespmem:s0+$0x0];
	_ =	sdelay $0x4  }
0x87: {  	v7 =	vand.u32 $0x3F, v6;
	_ =	sdelay $0x3  }
0x88: {  	v8 =	vld [tilespmem:s4+$0x0]  }
0x89: {  	v9 =	vld.idx.msk [tilespmem:v7+s1+$0x0], $0xffff;
	_ =	sdelay $0x2  }
0x8a: {  	v10 =	vmov s31;
	v6 =	vshrl.u32 v6, $0x6  }
0x8b: {  	vm1 =	vgt.f32 v8, $0.0e+00;
	vm2 =	veq.s32 v6, v0;
	v6 =	vshrl.u32 v10, $0x8  }
0x8c: {  	vm1 =	vmand vm1, vm2;
	vm2 =	veq.s32 v9, v6  }
0x8d: {  	vm3 =	vne.s32 v9, v6;
	vm2 =	vmand vm1, vm2  }
0x8e: {  	vm1 =	vmand vm1, vm3  }
0x8f: {  	p0 =	sne.s32 s31, $0x27F0  }
.Ltmp4:
0x90: {  	_ = 	snop;
	(pc) =	sbr.rel @p0 .LBB2_10-.Ltmp4, $4  }
0x91: {  	_ = 	snop  }
0x92: {  	v6 =	vor.u32 s31, v1  }
0x93: {  	[tilespmem:v7+s26+$0x0] =	vst.idx.msk vm2, v6  }
0x94: {  	s0 =	sadd.s32 $0x10, s0;
	s4 =	sadd.s32 $0x10, s4;
	s31 =	sadd.s32 $0x10, s31;
	[tilespmem:v7+s28+$0x0] =	vst.idx.msk vm1, v6  }
0x95: {  	s0 =	simm.s32 $0x180  }
0x96: {  	[tilespmem:s0], [sflag:$0x2] =	stream.linear.gather [hbm4b:s14+s1], $0x800, $0x38;
	[tilespmem:$0x19180] =	vst v63  }
0x97: {  	_ =	swait.ge [sflag:s25], $0x800  }
0x98: {  	[sflag:s25] =	ssyncset.done $0x0  }
0x99: {  	s4 =	simm.s32 $0x980;
	[sflag:s25] =	ssyncadd.s32 $0xFFFFF800  }
0x9a: {  	[tilespmem:s4], [sflag:$0x2] =	stream.linear.gather [hbm4b:s15+s1], $0x800, $0x38;
	[tilespmem:$0x19180] =	vst v63  }
0x9b: {  	_ =	swait.ge [sflag:s25], $0x800  }
0x9c: {  	[sflag:s25] =	ssyncset.done $0x0  }
0x9d: {  	s31 =	simm.s32 $0x2800;
	[sflag:s25] =	ssyncadd.s32 $0xFFFFF800  }
.LBB2_12:
0x9e: {  	v6 =	vld [tilespmem:s0+$0x0];
	_ =	sdelay $0x4  }
0x9f: {  	v7 =	vand.u32 $0x3F, v6;
	_ =	sdelay $0x3  }
0xa0: {  	v8 =	vld [tilespmem:s4+$0x0]  }
0xa1: {  	v9 =	vld.idx.msk [tilespmem:v7+s1+$0x0], $0xffff;
	_ =	sdelay $0x2  }
0xa2: {  	v10 =	vmov s31;
	v6 =	vshrl.u32 v6, $0x6  }
0xa3: {  	vm1 =	vgt.f32 v8, $0.0e+00;
	vm2 =	veq.s32 v6, v0;
	v6 =	vshrl.u32 v10, $0x8  }
0xa4: {  	vm1 =	vmand vm1, vm2;
	vm2 =	veq.s32 v9, v6  }
0xa5: {  	vm3 =	vne.s32 v9, v6;
	vm2 =	vmand vm1, vm2  }
0xa6: {  	vm1 =	vmand vm1, vm3  }
0xa7: {  	p0 =	sne.s32 s31, $0x2FF0  }
.Ltmp5:
0xa8: {  	_ = 	snop;
	(pc) =	sbr.rel @p0 .LBB2_12-.Ltmp5, $4  }
0xa9: {  	_ = 	snop  }
0xaa: {  	v6 =	vor.u32 s31, v1  }
0xab: {  	[tilespmem:v7+s26+$0x0] =	vst.idx.msk vm2, v6  }
0xac: {  	s0 =	sadd.s32 $0x10, s0;
	s4 =	sadd.s32 $0x10, s4;
	s31 =	sadd.s32 $0x10, s31;
	[tilespmem:v7+s28+$0x0] =	vst.idx.msk vm1, v6  }
0xad: {  	s0 =	simm.s32 $0x180  }
0xae: {  	[tilespmem:s0], [sflag:$0x2] =	stream.linear.gather [hbm4b:s16+s1], $0x800, $0x38;
	[tilespmem:$0x19180] =	vst v63  }
0xaf: {  	_ =	swait.ge [sflag:s25], $0x800  }
0xb0: {  	[sflag:s25] =	ssyncset.done $0x0  }
0xb1: {  	s4 =	simm.s32 $0x980;
	[sflag:s25] =	ssyncadd.s32 $0xFFFFF800  }
0xb2: {  	[tilespmem:s4], [sflag:$0x2] =	stream.linear.gather [hbm4b:s18+s1], $0x800, $0x38;
	[tilespmem:$0x19180] =	vst v63  }
0xb3: {  	_ =	swait.ge [sflag:s25], $0x800  }
0xb4: {  	[sflag:s25] =	ssyncset.done $0x0  }
0xb5: {  	s31 =	simm.s32 $0x3000;
	[sflag:s25] =	ssyncadd.s32 $0xFFFFF800  }
.LBB2_14:
0xb6: {  	v6 =	vld [tilespmem:s0+$0x0];
	_ =	sdelay $0x4  }
0xb7: {  	v7 =	vand.u32 $0x3F, v6;
	_ =	sdelay $0x3  }
0xb8: {  	v8 =	vld [tilespmem:s4+$0x0]  }
0xb9: {  	v9 =	vld.idx.msk [tilespmem:v7+s1+$0x0], $0xffff;
	_ =	sdelay $0x2  }
0xba: {  	v10 =	vmov s31;
	v6 =	vshrl.u32 v6, $0x6  }
0xbb: {  	vm1 =	vgt.f32 v8, $0.0e+00;
	vm2 =	veq.s32 v6, v0;
	v6 =	vshrl.u32 v10, $0x8  }
0xbc: {  	vm1 =	vmand vm1, vm2;
	vm2 =	veq.s32 v9, v6  }
0xbd: {  	vm3 =	vne.s32 v9, v6;
	vm2 =	vmand vm1, vm2  }
0xbe: {  	vm1 =	vmand vm1, vm3  }
0xbf: {  	p0 =	sne.s32 s31, $0x37F0  }
.Ltmp6:
0xc0: {  	_ = 	snop;
	(pc) =	sbr.rel @p0 .LBB2_14-.Ltmp6, $4  }
0xc1: {  	_ = 	snop  }
0xc2: {  	v6 =	vor.u32 s31, v1  }
0xc3: {  	[tilespmem:v7+s26+$0x0] =	vst.idx.msk vm2, v6  }
0xc4: {  	s0 =	sadd.s32 $0x10, s0;
	s4 =	sadd.s32 $0x10, s4;
	s31 =	sadd.s32 $0x10, s31;
	[tilespmem:v7+s28+$0x0] =	vst.idx.msk vm1, v6  }
0xc5: {  	s0 =	simm.s32 $0x180  }
0xc6: {  	[tilespmem:s0], [sflag:$0x2] =	stream.linear.gather [hbm4b:s19+s1], $0x800, $0x38;
	[tilespmem:$0x19180] =	vst v63  }
0xc7: {  	_ =	swait.ge [sflag:s25], $0x800  }
0xc8: {  	[sflag:s25] =	ssyncset.done $0x0  }
0xc9: {  	s4 =	simm.s32 $0x980;
	[sflag:s25] =	ssyncadd.s32 $0xFFFFF800  }
0xca: {  	[tilespmem:s4], [sflag:$0x2] =	stream.linear.gather [hbm4b:s20+s1], $0x800, $0x38;
	[tilespmem:$0x19180] =	vst v63  }
0xcb: {  	_ =	swait.ge [sflag:s25], $0x800  }
0xcc: {  	[sflag:s25] =	ssyncset.done $0x0  }
0xcd: {  	s31 =	simm.s32 $0x3800;
	[sflag:s25] =	ssyncadd.s32 $0xFFFFF800  }
.LBB2_16:
0xce: {  	v6 =	vld [tilespmem:s0+$0x0];
	_ =	sdelay $0x4  }
0xcf: {  	v7 =	vand.u32 $0x3F, v6;
	_ =	sdelay $0x3  }
0xd0: {  	v8 =	vld [tilespmem:s4+$0x0]  }
0xd1: {  	v9 =	vld.idx.msk [tilespmem:v7+s1+$0x0], $0xffff;
	_ =	sdelay $0x2  }
0xd2: {  	v10 =	vmov s31;
	v6 =	vshrl.u32 v6, $0x6  }
0xd3: {  	vm1 =	vgt.f32 v8, $0.0e+00;
	vm2 =	veq.s32 v6, v0;
	v6 =	vshrl.u32 v10, $0x8  }
0xd4: {  	vm1 =	vmand vm1, vm2;
	vm2 =	veq.s32 v9, v6  }
0xd5: {  	vm3 =	vne.s32 v9, v6;
	vm2 =	vmand vm1, vm2  }
0xd6: {  	vm1 =	vmand vm1, vm3  }
0xd7: {  	p0 =	sne.s32 s31, $0x3FF0  }
.Ltmp7:
0xd8: {  	_ = 	snop;
	(pc) =	sbr.rel @p0 .LBB2_16-.Ltmp7, $4  }
0xd9: {  	_ = 	snop  }
0xda: {  	v6 =	vor.u32 s31, v1  }
0xdb: {  	[tilespmem:v7+s26+$0x0] =	vst.idx.msk vm2, v6  }
0xdc: {  	s0 =	sadd.s32 $0x10, s0;
	s4 =	sadd.s32 $0x10, s4;
	s31 =	sadd.s32 $0x10, s31;
	[tilespmem:v7+s28+$0x0] =	vst.idx.msk vm1, v6  }
0xdd: {  	v6 =	vld [tilespmem:$0x80];
	_ =	sdelay $0x4  }
0xde: {  	v7 =	vshrl.u32 v6, $0x3  }
0xdf: {  	v7 =	vmul.u32 $0x30, v7  }
0xe0: {  	v6 =	vand.u32 $0x7, v6  }
0xe1: {  	v6 =	vor.u32 v6, v7  }
0xe2: {  	v7 =	vperm.xlane v6, v3;
	_ =	sdelay $0x1  }
0xe3: {  	v7 =	vadd.s32 v4, v7;
	_ =	sdelay $0x3  }
0xe4: {  	s31 =	simm.s32 $0x0;
	v6 =	vperm.xlane v6, v5  }
0xe5: {  	[tilespmem:s29], [sflag:$0x1] =	stream.indirect_vreg.gather [hbm4b:s3+s31], $0x80, v7, vm0, $0xb8;
	[tilespmem:$0x19180] =	vst v63  }
0xe6: {  	s0 =	simm.s32 $0x1980;
	v6 =	vadd.s32 v4, v6  }
0xe7: {  	[tilespmem:s0], [sflag:$0x1] =	stream.indirect_vreg.gather [hbm4b:s22+s31], $0x80, v7, vm0, $0xb8;
	[tilespmem:$0x19180] =	vst v63  }
0xe8: {  	s5 =	simm.s32 $0x2180  }
0xe9: {  	[tilespmem:s5], [sflag:$0x1] =	stream.indirect_vreg.gather [hbm4b:s23+s31], $0x80, v7, vm0, $0xb8;
	[tilespmem:$0x19180] =	vst v63  }
0xea: {  	s6 =	simm.s32 $0x2980  }
0xeb: {  	[tilespmem:s6], [sflag:$0x1] =	stream.indirect_vreg.gather [hbm4b:s3+s31], $0x80, v6, vm0, $0xb8;
	[tilespmem:$0x19180] =	vst v63  }
0xec: {  	s4 =	simm.s32 $0x3180  }
0xed: {  	[tilespmem:s4], [sflag:$0x1] =	stream.indirect_vreg.gather [hbm4b:s22+s31], $0x80, v6, vm0, $0xb8;
	[tilespmem:$0x19180] =	vst v63  }
0xee: {  	s5 =	simm.s32 $0x3980  }
0xef: {  	[tilespmem:s5], [sflag:$0x1] =	stream.indirect_vreg.gather [hbm4b:s23+s31], $0x80, v6, vm0, $0xb8;
	[tilespmem:$0x19180] =	vst v63  }
0xf0: {  	v6 =	vld [tilespmem:$0x90];
	_ =	sdelay $0x4  }
0xf1: {  	v7 =	vshrl.u32 v6, $0x3  }
0xf2: {  	v7 =	vmul.u32 $0x30, v7  }
0xf3: {  	v6 =	vand.u32 $0x7, v6  }
0xf4: {  	v6 =	vor.u32 v6, v7  }
0xf5: {  	v7 =	vperm.xlane v6, v3;
	_ =	sdelay $0x1  }
0xf6: {  	v7 =	vadd.s32 v4, v7;
	_ =	sdelay $0x3  }
0xf7: {  	s6 =	simm.s32 $0x4180;
	v6 =	vperm.xlane v6, v5  }
0xf8: {  	[tilespmem:s6], [sflag:$0x1] =	stream.indirect_vreg.gather [hbm4b:s3+s31], $0x80, v7, vm0, $0xb8;
	[tilespmem:$0x19180] =	vst v63  }
0xf9: {  	s4 =	simm.s32 $0x4980;
	v6 =	vadd.s32 v4, v6  }
0xfa: {  	[tilespmem:s4], [sflag:$0x1] =	stream.indirect_vreg.gather [hbm4b:s22+s31], $0x80, v7, vm0, $0xb8;
	[tilespmem:$0x19180] =	vst v63  }
0xfb: {  	s5 =	simm.s32 $0x5180  }
0xfc: {  	[tilespmem:s5], [sflag:$0x1] =	stream.indirect_vreg.gather [hbm4b:s23+s31], $0x80, v7, vm0, $0xb8;
	[tilespmem:$0x19180] =	vst v63  }
0xfd: {  	s6 =	simm.s32 $0x5980  }
0xfe: {  	[tilespmem:s6], [sflag:$0x1] =	stream.indirect_vreg.gather [hbm4b:s3+s31], $0x80, v6, vm0, $0xb8;
	[tilespmem:$0x19180] =	vst v63  }
0xff: {  	s4 =	simm.s32 $0x6180  }
0x100: {  	[tilespmem:s4], [sflag:$0x1] =	stream.indirect_vreg.gather [hbm4b:s22+s31], $0x80, v6, vm0, $0xb8;
	[tilespmem:$0x19180] =	vst v63  }
0x101: {  	s5 =	simm.s32 $0x6980  }
0x102: {  	[tilespmem:s5], [sflag:$0x1] =	stream.indirect_vreg.gather [hbm4b:s23+s31], $0x80, v6, vm0, $0xb8;
	[tilespmem:$0x19180] =	vst v63  }
0x103: {  	v6 =	vld [tilespmem:$0xA0];
	_ =	sdelay $0x4  }
0x104: {  	v7 =	vshrl.u32 v6, $0x3  }
0x105: {  	v7 =	vmul.u32 $0x30, v7  }
0x106: {  	v6 =	vand.u32 $0x7, v6  }
0x107: {  	v6 =	vor.u32 v6, v7  }
0x108: {  	v7 =	vperm.xlane v6, v3;
	_ =	sdelay $0x1  }
0x109: {  	v7 =	vadd.s32 v4, v7;
	_ =	sdelay $0x3  }
0x10a: {  	s6 =	simm.s32 $0x7180;
	v6 =	vperm.xlane v6, v5  }
0x10b: {  	[tilespmem:s6], [sflag:$0x1] =	stream.indirect_vreg.gather [hbm4b:s3+s31], $0x80, v7, vm0, $0xb8;
	[tilespmem:$0x19180] =	vst v63  }
0x10c: {  	s4 =	simm.s32 $0x7980;
	v6 =	vadd.s32 v4, v6  }
0x10d: {  	[tilespmem:s4], [sflag:$0x1] =	stream.indirect_vreg.gather [hbm4b:s22+s31], $0x80, v7, vm0, $0xb8;
	[tilespmem:$0x19180] =	vst v63  }
0x10e: {  	s5 =	simm.s32 $0x8180  }
0x10f: {  	[tilespmem:s5], [sflag:$0x1] =	stream.indirect_vreg.gather [hbm4b:s23+s31], $0x80, v7, vm0, $0xb8;
	[tilespmem:$0x19180] =	vst v63  }
0x110: {  	s6 =	simm.s32 $0x8980  }
0x111: {  	[tilespmem:s6], [sflag:$0x1] =	stream.indirect_vreg.gather [hbm4b:s3+s31], $0x80, v6, vm0, $0xb8;
	[tilespmem:$0x19180] =	vst v63  }
0x112: {  	s4 =	simm.s32 $0x9180  }
0x113: {  	[tilespmem:s4], [sflag:$0x1] =	stream.indirect_vreg.gather [hbm4b:s22+s31], $0x80, v6, vm0, $0xb8;
	[tilespmem:$0x19180] =	vst v63  }
0x114: {  	s5 =	simm.s32 $0x9980  }
0x115: {  	[tilespmem:s5], [sflag:$0x1] =	stream.indirect_vreg.gather [hbm4b:s23+s31], $0x80, v6, vm0, $0xb8;
	[tilespmem:$0x19180] =	vst v63  }
0x116: {  	v6 =	vld [tilespmem:$0xB0];
	_ =	sdelay $0x4  }
0x117: {  	v7 =	vshrl.u32 v6, $0x3  }
0x118: {  	v7 =	vmul.u32 $0x30, v7  }
0x119: {  	v6 =	vand.u32 $0x7, v6  }
0x11a: {  	v6 =	vor.u32 v6, v7  }
0x11b: {  	v7 =	vperm.xlane v6, v3;
	_ =	sdelay $0x1  }
0x11c: {  	v7 =	vadd.s32 v4, v7;
	_ =	sdelay $0x3  }
0x11d: {  	s6 =	simm.s32 $0xA180;
	v6 =	vperm.xlane v6, v5  }
0x11e: {  	[tilespmem:s6], [sflag:$0x1] =	stream.indirect_vreg.gather [hbm4b:s3+s31], $0x80, v7, vm0, $0xb8;
	[tilespmem:$0x19180] =	vst v63  }
0x11f: {  	s4 =	simm.s32 $0xA980;
	v6 =	vadd.s32 v4, v6  }
0x120: {  	[tilespmem:s4], [sflag:$0x1] =	stream.indirect_vreg.gather [hbm4b:s22+s31], $0x80, v7, vm0, $0xb8;
	[tilespmem:$0x19180] =	vst v63  }
0x121: {  	s5 =	simm.s32 $0xB180  }
0x122: {  	[tilespmem:s5], [sflag:$0x1] =	stream.indirect_vreg.gather [hbm4b:s23+s31], $0x80, v7, vm0, $0xb8;
	[tilespmem:$0x19180] =	vst v63  }
0x123: {  	s6 =	simm.s32 $0xB980  }
0x124: {  	[tilespmem:s6], [sflag:$0x1] =	stream.indirect_vreg.gather [hbm4b:s3+s31], $0x80, v6, vm0, $0xb8;
	[tilespmem:$0x19180] =	vst v63  }
0x125: {  	s4 =	simm.s32 $0xC180  }
0x126: {  	[tilespmem:s4], [sflag:$0x1] =	stream.indirect_vreg.gather [hbm4b:s22+s31], $0x80, v6, vm0, $0xb8;
	[tilespmem:$0x19180] =	vst v63  }
0x127: {  	s5 =	simm.s32 $0xC980  }
0x128: {  	[tilespmem:s5], [sflag:$0x1] =	stream.indirect_vreg.gather [hbm4b:s23+s31], $0x80, v6, vm0, $0xb8;
	[tilespmem:$0x19180] =	vst v63  }
0x129: {  	_ =	swait.ge [sflag:s2], $0xC000  }
0x12a: {  	[sflag:s2] =	ssyncset.done $0x0  }
0x12b: {  	[sflag:s2] =	ssyncadd.s32 $0xFFFF4000  }
0x12c: {  	v6 =	vld [tilespmem:$0x100];
	_ =	sdelay $0x4  }
0x12d: {  	v7 =	vshrl.u32 v6, $0x3  }
0x12e: {  	v7 =	vmul.u32 $0x30, v7  }
0x12f: {  	v6 =	vand.u32 $0x7, v6  }
0x130: {  	v6 =	vor.u32 v6, v7  }
0x131: {  	v7 =	vperm.xlane v6, v3;
	_ =	sdelay $0x1  }
0x132: {  	v7 =	vadd.s32 v4, v7;
	_ =	sdelay $0x3  }
0x133: {  	s6 =	simm.s32 $0xD180;
	v6 =	vperm.xlane v6, v5  }
0x134: {  	[tilespmem:s6], [sflag:$0x1] =	stream.indirect_vreg.gather [hbm4b:s3+s31], $0x80, v7, vm0, $0xb8;
	[tilespmem:$0x19180] =	vst v63  }
0x135: {  	s4 =	simm.s32 $0xD980;
	v6 =	vadd.s32 v4, v6  }
0x136: {  	[tilespmem:s4], [sflag:$0x1] =	stream.indirect_vreg.gather [hbm4b:s22+s31], $0x80, v7, vm0, $0xb8;
	[tilespmem:$0x19180] =	vst v63  }
0x137: {  	s5 =	simm.s32 $0xE180  }
0x138: {  	[tilespmem:s5], [sflag:$0x1] =	stream.indirect_vreg.gather [hbm4b:s23+s31], $0x80, v7, vm0, $0xb8;
	[tilespmem:$0x19180] =	vst v63  }
0x139: {  	s6 =	simm.s32 $0xE980  }
0x13a: {  	[tilespmem:s6], [sflag:$0x1] =	stream.indirect_vreg.gather [hbm4b:s3+s31], $0x80, v6, vm0, $0xb8;
	[tilespmem:$0x19180] =	vst v63  }
0x13b: {  	s4 =	simm.s32 $0xF180  }
0x13c: {  	[tilespmem:s4], [sflag:$0x1] =	stream.indirect_vreg.gather [hbm4b:s22+s31], $0x80, v6, vm0, $0xb8;
	[tilespmem:$0x19180] =	vst v63  }
0x13d: {  	s5 =	simm.s32 $0xF980  }
0x13e: {  	[tilespmem:s5], [sflag:$0x1] =	stream.indirect_vreg.gather [hbm4b:s23+s31], $0x80, v6, vm0, $0xb8;
	[tilespmem:$0x19180] =	vst v63  }
0x13f: {  	v6 =	vld [tilespmem:$0x110];
	_ =	sdelay $0x4  }
0x140: {  	v7 =	vshrl.u32 v6, $0x3  }
0x141: {  	v7 =	vmul.u32 $0x30, v7  }
0x142: {  	v6 =	vand.u32 $0x7, v6  }
0x143: {  	v6 =	vor.u32 v6, v7  }
0x144: {  	v7 =	vperm.xlane v6, v3;
	_ =	sdelay $0x1  }
0x145: {  	v7 =	vadd.s32 v4, v7;
	_ =	sdelay $0x3  }
0x146: {  	s6 =	simm.s32 $0x10180;
	v6 =	vperm.xlane v6, v5  }
0x147: {  	[tilespmem:s6], [sflag:$0x1] =	stream.indirect_vreg.gather [hbm4b:s3+s31], $0x80, v7, vm0, $0xb8;
	[tilespmem:$0x19180] =	vst v63  }
0x148: {  	s4 =	simm.s32 $0x10980;
	v6 =	vadd.s32 v4, v6  }
0x149: {  	[tilespmem:s4], [sflag:$0x1] =	stream.indirect_vreg.gather [hbm4b:s22+s31], $0x80, v7, vm0, $0xb8;
	[tilespmem:$0x19180] =	vst v63  }
0x14a: {  	s5 =	simm.s32 $0x11180  }
0x14b: {  	[tilespmem:s5], [sflag:$0x1] =	stream.indirect_vreg.gather [hbm4b:s23+s31], $0x80, v7, vm0, $0xb8;
	[tilespmem:$0x19180] =	vst v63  }
0x14c: {  	s6 =	simm.s32 $0x11980  }
0x14d: {  	[tilespmem:s6], [sflag:$0x1] =	stream.indirect_vreg.gather [hbm4b:s3+s31], $0x80, v6, vm0, $0xb8;
	[tilespmem:$0x19180] =	vst v63  }
0x14e: {  	s4 =	simm.s32 $0x12180  }
0x14f: {  	[tilespmem:s4], [sflag:$0x1] =	stream.indirect_vreg.gather [hbm4b:s22+s31], $0x80, v6, vm0, $0xb8;
	[tilespmem:$0x19180] =	vst v63  }
0x150: {  	s5 =	simm.s32 $0x12980  }
0x151: {  	[tilespmem:s5], [sflag:$0x1] =	stream.indirect_vreg.gather [hbm4b:s23+s31], $0x80, v6, vm0, $0xb8;
	[tilespmem:$0x19180] =	vst v63  }
0x152: {  	v6 =	vld [tilespmem:$0x120];
	_ =	sdelay $0x4  }
0x153: {  	v7 =	vshrl.u32 v6, $0x3  }
0x154: {  	v7 =	vmul.u32 $0x30, v7  }
0x155: {  	v6 =	vand.u32 $0x7, v6  }
0x156: {  	v6 =	vor.u32 v6, v7  }
0x157: {  	v7 =	vperm.xlane v6, v3;
	_ =	sdelay $0x1  }
0x158: {  	v7 =	vadd.s32 v4, v7;
	_ =	sdelay $0x3  }
0x159: {  	s6 =	simm.s32 $0x13180;
	v6 =	vperm.xlane v6, v5  }
0x15a: {  	[tilespmem:s6], [sflag:$0x1] =	stream.indirect_vreg.gather [hbm4b:s3+s31], $0x80, v7, vm0, $0xb8;
	[tilespmem:$0x19180] =	vst v63  }
0x15b: {  	s4 =	simm.s32 $0x13980;
	v6 =	vadd.s32 v4, v6  }
0x15c: {  	[tilespmem:s4], [sflag:$0x1] =	stream.indirect_vreg.gather [hbm4b:s22+s31], $0x80, v7, vm0, $0xb8;
	[tilespmem:$0x19180] =	vst v63  }
0x15d: {  	s5 =	simm.s32 $0x14180  }
0x15e: {  	[tilespmem:s5], [sflag:$0x1] =	stream.indirect_vreg.gather [hbm4b:s23+s31], $0x80, v7, vm0, $0xb8;
	[tilespmem:$0x19180] =	vst v63  }
0x15f: {  	s6 =	simm.s32 $0x14980  }
0x160: {  	[tilespmem:s6], [sflag:$0x1] =	stream.indirect_vreg.gather [hbm4b:s3+s31], $0x80, v6, vm0, $0xb8;
	[tilespmem:$0x19180] =	vst v63  }
0x161: {  	s4 =	simm.s32 $0x15180  }
0x162: {  	[tilespmem:s4], [sflag:$0x1] =	stream.indirect_vreg.gather [hbm4b:s22+s31], $0x80, v6, vm0, $0xb8;
	[tilespmem:$0x19180] =	vst v63  }
0x163: {  	s5 =	simm.s32 $0x15980  }
0x164: {  	[tilespmem:s5], [sflag:$0x1] =	stream.indirect_vreg.gather [hbm4b:s23+s31], $0x80, v6, vm0, $0xb8;
	[tilespmem:$0x19180] =	vst v63  }
0x165: {  	v6 =	vld [tilespmem:$0x130];
	_ =	sdelay $0x4  }
0x166: {  	v7 =	vshrl.u32 v6, $0x3  }
0x167: {  	v7 =	vmul.u32 $0x30, v7  }
0x168: {  	v6 =	vand.u32 $0x7, v6  }
0x169: {  	v6 =	vor.u32 v6, v7  }
0x16a: {  	v7 =	vperm.xlane v6, v3;
	_ =	sdelay $0x1  }
0x16b: {  	v7 =	vadd.s32 v4, v7;
	_ =	sdelay $0x3  }
0x16c: {  	s6 =	simm.s32 $0x16180;
	v6 =	vperm.xlane v6, v5  }
0x16d: {  	[tilespmem:s6], [sflag:$0x1] =	stream.indirect_vreg.gather [hbm4b:s3+s31], $0x80, v7, vm0, $0xb8;
	[tilespmem:$0x19180] =	vst v63  }
0x16e: {  	s4 =	simm.s32 $0x16980;
	v6 =	vadd.s32 v4, v6  }
0x16f: {  	[tilespmem:s4], [sflag:$0x1] =	stream.indirect_vreg.gather [hbm4b:s22+s31], $0x80, v7, vm0, $0xb8;
	[tilespmem:$0x19180] =	vst v63  }
0x170: {  	s5 =	simm.s32 $0x17180  }
0x171: {  	[tilespmem:s5], [sflag:$0x1] =	stream.indirect_vreg.gather [hbm4b:s23+s31], $0x80, v7, vm0, $0xb8;
	[tilespmem:$0x19180] =	vst v63  }
0x172: {  	s6 =	simm.s32 $0x17980  }
0x173: {  	[tilespmem:s6], [sflag:$0x1] =	stream.indirect_vreg.gather [hbm4b:s3+s31], $0x80, v6, vm0, $0xb8;
	[tilespmem:$0x19180] =	vst v63  }
0x174: {  	s4 =	simm.s32 $0x18180  }
0x175: {  	[tilespmem:s4], [sflag:$0x1] =	stream.indirect_vreg.gather [hbm4b:s22+s31], $0x80, v6, vm0, $0xb8;
	[tilespmem:$0x19180] =	vst v63  }
0x176: {  	s5 =	simm.s32 $0x18980;
	s6 =	simm.s32 $0x0  }
0x177: {  	[tilespmem:s5], [sflag:$0x1] =	stream.indirect_vreg.gather [hbm4b:s23+s31], $0x80, v6, vm0, $0xb8;
	[tilespmem:$0x19180] =	vst v63  }
0x178: {  	s0 =	smul.u32 $0x1800, s6;
	_ =	swait.ge [sflag:s2], $0xC000  }
0x179: {  	s4 =	sand.u32 $0x380, s31;
	[sflag:s2] =	ssyncset.done $0x0  }
0x17a: {  	s0 =	sor.u32 s4, s0;
	[sflag:s2] =	ssyncadd.s32 $0xFFFF4000  }
0x17b: {  	v15 =	vld [tilespmem:s0+$0xD180]  }
0x17c: {  	v16 =	vld [tilespmem:s0+$0xD190]  }
0x17d: {  	v17 =	vld [tilespmem:s0+$0xD1A0]  }
0x17e: {  	v18 =	vld [tilespmem:s0+$0xD1B0]  }
0x17f: {  	v19 =	vld [tilespmem:s0+$0xD1C0]  }
0x180: {  	v20 =	vld [tilespmem:s0+$0xD1D0]  }
0x181: {  	v21 =	vld [tilespmem:s0+$0xD1E0]  }
0x182: {  	v22 =	vld [tilespmem:s0+$0xD1F0]  }
0x183: {  	v23 =	vld [tilespmem:s0+$0xD580]  }
0x184: {  	v24 =	vld [tilespmem:s0+$0xD590]  }
0x185: {  	v25 =	vld [tilespmem:s0+$0xD5A0]  }
0x186: {  	v26 =	vld [tilespmem:s0+$0xD5B0]  }
0x187: {  	v27 =	vld [tilespmem:s0+$0xD5C0]  }
0x188: {  	v28 =	vld [tilespmem:s0+$0xD5D0]  }
0x189: {  	v29 =	vld [tilespmem:s0+$0xD5E0]  }
0x18a: {  	v30 =	vld [tilespmem:s0+$0xD5F0]  }
0x18b: {  	v31 =	vld [tilespmem:s0+$0xD980]  }
0x18c: {  	v32 =	vld [tilespmem:s0+$0xD990]  }
0x18d: {  	v33 =	vld [tilespmem:s0+$0xD9A0]  }
0x18e: {  	v34 =	vld [tilespmem:s0+$0xD9B0]  }
0x18f: {  	v35 =	vld [tilespmem:s0+$0xD9C0]  }
0x190: {  	v36 =	vld [tilespmem:s0+$0xD9D0]  }
0x191: {  	v37 =	vld [tilespmem:s0+$0xD9E0]  }
0x192: {  	v38 =	vld [tilespmem:s0+$0xD9F0]  }
0x193: {  	v39 =	vld [tilespmem:s0+$0xDD80]  }
0x194: {  	v40 =	vld [tilespmem:s0+$0xDD90]  }
0x195: {  	v41 =	vld [tilespmem:s0+$0xDDA0]  }
0x196: {  	v42 =	vld [tilespmem:s0+$0xDDB0]  }
0x197: {  	v43 =	vld [tilespmem:s0+$0xDDC0]  }
0x198: {  	v44 =	vld [tilespmem:s0+$0xDDD0]  }
0x199: {  	v45 =	vld [tilespmem:s0+$0xDDE0]  }
0x19a: {  	v46 =	vld [tilespmem:s0+$0xDDF0]  }
0x19b: {  	v47 =	vld [tilespmem:s0+$0xE180]  }
0x19c: {  	v48 =	vld [tilespmem:s0+$0xE190]  }
0x19d: {  	v49 =	vld [tilespmem:s0+$0xE1A0]  }
0x19e: {  	v50 =	vld [tilespmem:s0+$0xE1B0]  }
0x19f: {  	v51 =	vld [tilespmem:s0+$0xE1C0]  }
0x1a0: {  	v52 =	vld [tilespmem:s0+$0xE1D0]  }
0x1a1: {  	v53 =	vld [tilespmem:s0+$0xE1E0]  }
0x1a2: {  	v14 =	vld [tilespmem:s0+$0xE1F0]  }
0x1a3: {  	v13 =	vld [tilespmem:s0+$0xE580]  }
0x1a4: {  	v12 =	vld [tilespmem:s0+$0xE590]  }
0x1a5: {  	v11 =	vld [tilespmem:s0+$0xE5A0]  }
0x1a6: {  	v10 =	vld [tilespmem:s0+$0xE5B0]  }
0x1a7: {  	v9 =	vld [tilespmem:s0+$0xE5C0]  }
0x1a8: {  	v54 =	vld [tilespmem:s0+$0x1180]  }
0x1a9: {  	v55 =	vld [tilespmem:s0+$0x1190]  }
0x1aa: {  	v56 =	vld [tilespmem:s0+$0x11A0]  }
0x1ab: {  	v57 =	vld [tilespmem:s0+$0x11B0]  }
0x1ac: {  	v58 =	vld [tilespmem:s0+$0x11C0]  }
0x1ad: {  	v62 =	vld [tilespmem:s0+$0x11D0];
	v15 =	vadd.f32 v15, v54  }
0x1ae: {  	v63 =	vld [tilespmem:s0+$0x11E0];
	v16 =	vadd.f32 v16, v55  }
0x1af: {  	[tilespmem:s0+$0x1180] =	vst v15;
	v15 =	vadd.f32 v17, v56;
	v17 =	vld [tilespmem:s0+$0x11F0]  }
0x1b0: {  	[tilespmem:s0+$0x1190] =	vst v16;
	v16 =	vadd.f32 v18, v57;
	v18 =	vld [tilespmem:s0+$0x1580]  }
0x1b1: {  	[tilespmem:s0+$0x11A0] =	vst v15;
	v15 =	vadd.f32 v19, v58;
	v19 =	vld [tilespmem:s0+$0x1590]  }
0x1b2: {  	[tilespmem:s0+$0x11B0] =	vst v16;
	v16 =	vadd.f32 v20, v62;
	v20 =	vld [tilespmem:s0+$0x15A0]  }
0x1b3: {  	v8 =	vld [tilespmem:s0+$0xE5D0]  }
0x1b4: {  	[tilespmem:s0+$0x11C0] =	vst v15;
	v15 =	vadd.f32 v21, v63;
	v21 =	vld [tilespmem:s0+$0x15F0]  }
0x1b5: {  	[tilespmem:s0+$0x11D0] =	vst v16;
	v16 =	vadd.f32 v22, v17;
	v17 =	vld [tilespmem:s0+$0x15B0]  }
0x1b6: {  	[tilespmem:s0+$0x11E0] =	vst v15;
	v15 =	vadd.f32 v23, v18;
	v18 =	vld [tilespmem:s0+$0x15C0]  }
0x1b7: {  	[tilespmem:s0+$0x11F0] =	vst v16;
	v16 =	vadd.f32 v24, v19;
	v19 =	vadd.f32 v25, v20;
	v20 =	vld [tilespmem:s0+$0x15E0]  }
0x1b8: {  	[tilespmem:s0+$0x1580] =	vst v15;
	v15 =	vld [tilespmem:s0+$0x15D0]  }
0x1b9: {  	[tilespmem:s0+$0x1590] =	vst v16;
	v16 =	vld [tilespmem:s0+$0x1980];
	v21 =	vadd.f32 v30, v21  }
0x1ba: {  	[tilespmem:s0+$0x15A0] =	vst v19;
	v19 =	vld [tilespmem:s0+$0x1990];
	v17 =	vadd.f32 v26, v17  }
0x1bb: {  	v7 =	vld [tilespmem:s0+$0xE5E0];
	v18 =	vadd.f32 v27, v18;
	[tilespmem:s0+$0x15F0] =	vst v21  }
0x1bc: {  	[tilespmem:s0+$0x15B0] =	vst v17;
	v17 =	vld [tilespmem:s0+$0x19A0];
	v20 =	vadd.f32 v29, v20  }
0x1bd: {  	v15 =	vadd.f32 v28, v15;
	[tilespmem:s0+$0x15C0] =	vst v18;
	v18 =	vld [tilespmem:s0+$0x19B0]  }
0x1be: {  	v21 =	vld [tilespmem:s0+$0x19F0];
	[tilespmem:s0+$0x15E0] =	vst v20;
	v16 =	vadd.f32 v31, v16  }
0x1bf: {  	v19 =	vadd.f32 v32, v19;
	[tilespmem:s0+$0x15D0] =	vst v15;
	v15 =	vld [tilespmem:s0+$0x19C0]  }
0x1c0: {  	v20 =	vld [tilespmem:s0+$0x19D0];
	[tilespmem:s0+$0x1980] =	vst v16  }
0x1c1: {  	[tilespmem:s0+$0x1990] =	vst v19;
	v19 =	vld [tilespmem:s0+$0x19E0];
	v16 =	vadd.f32 v33, v17  }
0x1c2: {  	v17 =	vld [tilespmem:s0+$0x1D80];
	v18 =	vadd.f32 v34, v18  }
0x1c3: {  	[tilespmem:s0+$0x19A0] =	vst v16;
	v16 =	vld [tilespmem:s0+$0x1D90]  }
0x1c4: {  	v15 =	vadd.f32 v35, v15;
	[tilespmem:s0+$0x19B0] =	vst v18;
	v18 =	vld [tilespmem:s0+$0x1DA0]  }
0x1c5: {  	v6 =	vld [tilespmem:s0+$0xE5F0];
	v20 =	vadd.f32 v36, v20  }
0x1c6: {  	v19 =	vadd.f32 v37, v19;
	[tilespmem:s0+$0x19C0] =	vst v15;
	v15 =	vld [tilespmem:s0+$0x1DB0]  }
0x1c7: {  	[tilespmem:s0+$0x19D0] =	vst v20;
	v20 =	vld [tilespmem:s0+$0x1DC0];
	v17 =	vadd.f32 v39, v17  }
0x1c8: {  	v21 =	vadd.f32 v38, v21;
	[tilespmem:s0+$0x19E0] =	vst v19;
	v19 =	vld [tilespmem:s0+$0x1DD0]  }
0x1c9: {  	v16 =	vadd.f32 v40, v16;
	[tilespmem:s0+$0x1D80] =	vst v17;
	v17 =	vadd.f32 v41, v18;
	v18 =	vld [tilespmem:s0+$0x1DE0]  }
0x1ca: {  	[tilespmem:s0+$0x19F0] =	vst v21;
	v21 =	vld [tilespmem:s0+$0x1DF0]  }
0x1cb: {  	[tilespmem:s0+$0x1D90] =	vst v16;
	v16 =	vld [tilespmem:s0+$0x2180];
	v15 =	vadd.f32 v42, v15  }
0x1cc: {  	v20 =	vadd.f32 v43, v20;
	[tilespmem:s0+$0x1DA0] =	vst v17;
	v17 =	vld [tilespmem:s0+$0x2190]  }
0x1cd: {  	v19 =	vadd.f32 v44, v19;
	[tilespmem:s0+$0x1DB0] =	vst v15;
	v15 =	vld [tilespmem:s0+$0x21A0]  }
0x1ce: {  	[tilespmem:s0+$0x1DC0] =	vst v20;
	v20 =	vld [tilespmem:s0+$0x21B0];
	v18 =	vadd.f32 v45, v18  }
0x1cf: {  	v22 =	vld [tilespmem:s0+$0x21C0];
	[tilespmem:s0+$0x1DD0] =	vst v19;
	v19 =	vadd.f32 v46, v21  }
0x1d0: {  	v21 =	vld [tilespmem:s0+$0x21D0];
	v16 =	vadd.f32 v47, v16;
	[tilespmem:s0+$0x1DE0] =	vst v18  }
0x1d1: {  	v23 =	vld [tilespmem:s0+$0x21E0];
	[tilespmem:s0+$0x1DF0] =	vst v19;
	v17 =	vadd.f32 v48, v17  }
0x1d2: {  	v19 =	vld [tilespmem:s0+$0x21F0];
	[tilespmem:s0+$0x2180] =	vst v16;
	v15 =	vadd.f32 v49, v15  }
0x1d3: {  	v18 =	vld [tilespmem:s0+$0x2580];
	v16 =	vadd.f32 v50, v20;
	[tilespmem:s0+$0x2190] =	vst v17  }
0x1d4: {  	v17 =	vld [tilespmem:s0+$0x2590];
	[tilespmem:s0+$0x21A0] =	vst v15;
	v15 =	vadd.f32 v51, v22  }
0x1d5: {  	[tilespmem:s0+$0x21B0] =	vst v16;
	v16 =	vld [tilespmem:s0+$0x25A0];
	v21 =	vadd.f32 v52, v21  }
0x1d6: {  	s4 =	simm.s32 $0x1;
	v20 =	vadd.f32 v53, v23;
	[tilespmem:s0+$0x21C0] =	vst v15;
	v15 =	vld [tilespmem:s0+$0x25B0]  }
.LBB2_18:
0x1d7: {  	s5 =	sshrl.u32 s4, $0x3;
	p0 =	sne.s32 s4, $0x3F;
	[tilespmem:s0+$0x21D0] =	vst v21;
	v14 =	vadd.f32 v14, v19;
	v19 =	vld [tilespmem:s0+$0x25C0]  }
0x1d8: {  	s31 =	sadd.s32 $0x80, s31;
	s5 =	smul.u32 $0x1800, s5;
	[tilespmem:s0+$0x21E0] =	vst v20;
	v13 =	vadd.f32 v13, v18;
	v18 =	vld [tilespmem:s0+$0x25D0]  }
0x1d9: {  	s6 =	sand.u32 $0x380, s31;
	[tilespmem:s0+$0x21F0] =	vst v14;
	v12 =	vadd.f32 v12, v17;
	v14 =	vld [tilespmem:s0+$0x25E0]  }
0x1da: {  	s5 =	sor.u32 s6, s5;
	[tilespmem:s0+$0x2580] =	vst v13;
	v11 =	vadd.f32 v11, v16;
	v13 =	vld [tilespmem:s0+$0x25F0]  }
0x1db: {  	v42 =	vld [tilespmem:s5+$0xD180];
	[tilespmem:s0+$0x2590] =	vst v12;
	v10 =	vadd.f32 v10, v15  }
0x1dc: {  	v43 =	vld [tilespmem:s5+$0xD190];
	[tilespmem:s0+$0x25A0] =	vst v11;
	v9 =	vadd.f32 v9, v19  }
0x1dd: {  	v44 =	vld [tilespmem:s5+$0xD1A0];
	[tilespmem:s0+$0x25B0] =	vst v10;
	v8 =	vadd.f32 v8, v18  }
0x1de: {  	v45 =	vld [tilespmem:s5+$0xD1B0];
	[tilespmem:s0+$0x25C0] =	vst v9;
	v7 =	vadd.f32 v7, v14  }
0x1df: {  	v46 =	vld [tilespmem:s5+$0xD1C0];
	[tilespmem:s0+$0x25D0] =	vst v8;
	v6 =	vadd.f32 v6, v13  }
0x1e0: {  	v47 =	vld [tilespmem:s5+$0xD1D0];
	[tilespmem:s0+$0x25E0] =	vst v7  }
0x1e1: {  	v48 =	vld [tilespmem:s5+$0xD1E0];
	[tilespmem:s0+$0x25F0] =	vst v6;
	s0 =	smov.u32 s5  }
0x1e2: {  	v49 =	vld [tilespmem:s0+$0xD1F0]  }
0x1e3: {  	v50 =	vld [tilespmem:s0+$0xD580]  }
0x1e4: {  	v51 =	vld [tilespmem:s0+$0xD590]  }
0x1e5: {  	v52 =	vld [tilespmem:s0+$0xD5A0]  }
0x1e6: {  	v53 =	vld [tilespmem:s0+$0xD5B0]  }
0x1e7: {  	v41 =	vld [tilespmem:s0+$0xD5C0]  }
0x1e8: {  	v40 =	vld [tilespmem:s0+$0xD5D0]  }
0x1e9: {  	v39 =	vld [tilespmem:s0+$0xD5E0]  }
0x1ea: {  	v38 =	vld [tilespmem:s0+$0xD5F0]  }
0x1eb: {  	v37 =	vld [tilespmem:s0+$0xD980]  }
0x1ec: {  	v36 =	vld [tilespmem:s0+$0xD990]  }
0x1ed: {  	v35 =	vld [tilespmem:s0+$0xD9A0]  }
0x1ee: {  	v34 =	vld [tilespmem:s0+$0xD9B0]  }
0x1ef: {  	v33 =	vld [tilespmem:s0+$0xD9C0]  }
0x1f0: {  	v32 =	vld [tilespmem:s0+$0xD9D0]  }
0x1f1: {  	v31 =	vld [tilespmem:s0+$0xD9E0]  }
0x1f2: {  	v30 =	vld [tilespmem:s0+$0xD9F0]  }
0x1f3: {  	v29 =	vld [tilespmem:s0+$0xDD80]  }
0x1f4: {  	v28 =	vld [tilespmem:s0+$0xDD90]  }
0x1f5: {  	v27 =	vld [tilespmem:s0+$0xDDA0]  }
0x1f6: {  	v26 =	vld [tilespmem:s0+$0xDDB0]  }
0x1f7: {  	v25 =	vld [tilespmem:s0+$0xDDC0]  }
0x1f8: {  	v24 =	vld [tilespmem:s0+$0xDDD0]  }
0x1f9: {  	v23 =	vld [tilespmem:s0+$0xDDE0]  }
0x1fa: {  	v22 =	vld [tilespmem:s0+$0xDDF0]  }
0x1fb: {  	v21 =	vld [tilespmem:s0+$0xE180]  }
0x1fc: {  	v20 =	vld [tilespmem:s0+$0xE190]  }
0x1fd: {  	v19 =	vld [tilespmem:s0+$0xE1A0]  }
0x1fe: {  	v18 =	vld [tilespmem:s0+$0xE1B0]  }
0x1ff: {  	v17 =	vld [tilespmem:s0+$0xE1C0]  }
0x200: {  	v16 =	vld [tilespmem:s0+$0xE1D0]  }
0x201: {  	v15 =	vld [tilespmem:s0+$0xE1E0]  }
0x202: {  	v14 =	vld [tilespmem:s0+$0xE1F0]  }
0x203: {  	v13 =	vld [tilespmem:s0+$0xE580]  }
0x204: {  	v12 =	vld [tilespmem:s0+$0xE590]  }
0x205: {  	v11 =	vld [tilespmem:s0+$0xE5A0]  }
0x206: {  	v10 =	vld [tilespmem:s0+$0xE5B0]  }
0x207: {  	v9 =	vld [tilespmem:s0+$0xE5C0]  }
0x208: {  	v8 =	vld [tilespmem:s0+$0xE5D0]  }
0x209: {  	v7 =	vld [tilespmem:s0+$0xE5E0]  }
0x20a: {  	v6 =	vld [tilespmem:s0+$0xE5F0]  }
0x20b: {  	v54 =	vld [tilespmem:s0+$0x1180]  }
0x20c: {  	v55 =	vld [tilespmem:s0+$0x1190]  }
0x20d: {  	v56 =	vld [tilespmem:s0+$0x11A0]  }
0x20e: {  	v57 =	vld [tilespmem:s0+$0x11B0]  }
0x20f: {  	v58 =	vld [tilespmem:s0+$0x11C0]  }
0x210: {  	v42 =	vadd.f32 v42, v54;
	v54 =	vld [tilespmem:s0+$0x11D0]  }
0x211: {  	v43 =	vadd.f32 v43, v55;
	v55 =	vld [tilespmem:s0+$0x11E0]  }
0x212: {  	[tilespmem:s0+$0x1180] =	vst v42;
	v42 =	vadd.f32 v44, v56;
	v44 =	vld [tilespmem:s0+$0x11F0]  }
0x213: {  	[tilespmem:s0+$0x1190] =	vst v43;
	v43 =	vadd.f32 v45, v57;
	v45 =	vld [tilespmem:s0+$0x1580]  }
0x214: {  	[tilespmem:s0+$0x11A0] =	vst v42;
	v42 =	vadd.f32 v46, v58;
	v46 =	vld [tilespmem:s0+$0x1590]  }
0x215: {  	[tilespmem:s0+$0x11B0] =	vst v43;
	v43 =	vadd.f32 v47, v54;
	v47 =	vld [tilespmem:s0+$0x15A0]  }
0x216: {  	[tilespmem:s0+$0x11C0] =	vst v42;
	v42 =	vadd.f32 v48, v55;
	v48 =	vld [tilespmem:s0+$0x15B0]  }
0x217: {  	[tilespmem:s0+$0x11D0] =	vst v43;
	v43 =	vadd.f32 v49, v44;
	v44 =	vld [tilespmem:s0+$0x15C0]  }
0x218: {  	[tilespmem:s0+$0x11E0] =	vst v42;
	v42 =	vadd.f32 v50, v45;
	v45 =	vld [tilespmem:s0+$0x15D0]  }
0x219: {  	[tilespmem:s0+$0x11F0] =	vst v43;
	v43 =	vadd.f32 v51, v46;
	v46 =	vld [tilespmem:s0+$0x15E0]  }
0x21a: {  	[tilespmem:s0+$0x1580] =	vst v42;
	v42 =	vadd.f32 v52, v47;
	v47 =	vld [tilespmem:s0+$0x15F0]  }
0x21b: {  	[tilespmem:s0+$0x1590] =	vst v43;
	v43 =	vadd.f32 v53, v48;
	v48 =	vld [tilespmem:s0+$0x1980]  }
0x21c: {  	[tilespmem:s0+$0x15A0] =	vst v42;
	v41 =	vadd.f32 v41, v44;
	v42 =	vld [tilespmem:s0+$0x1990]  }
0x21d: {  	[tilespmem:s0+$0x15B0] =	vst v43;
	v40 =	vadd.f32 v40, v45;
	v43 =	vld [tilespmem:s0+$0x19A0]  }
0x21e: {  	[tilespmem:s0+$0x15C0] =	vst v41;
	v39 =	vadd.f32 v39, v46;
	v41 =	vld [tilespmem:s0+$0x19B0]  }
0x21f: {  	[tilespmem:s0+$0x15D0] =	vst v40;
	v38 =	vadd.f32 v38, v47;
	v40 =	vld [tilespmem:s0+$0x19C0]  }
0x220: {  	[tilespmem:s0+$0x15E0] =	vst v39;
	v37 =	vadd.f32 v37, v48;
	v39 =	vld [tilespmem:s0+$0x19D0]  }
0x221: {  	[tilespmem:s0+$0x15F0] =	vst v38;
	v36 =	vadd.f32 v36, v42;
	v38 =	vld [tilespmem:s0+$0x19E0]  }
0x222: {  	[tilespmem:s0+$0x1980] =	vst v37;
	v35 =	vadd.f32 v35, v43;
	v37 =	vld [tilespmem:s0+$0x19F0]  }
0x223: {  	[tilespmem:s0+$0x1990] =	vst v36;
	v34 =	vadd.f32 v34, v41;
	v36 =	vld [tilespmem:s0+$0x1D80]  }
0x224: {  	[tilespmem:s0+$0x19A0] =	vst v35;
	v33 =	vadd.f32 v33, v40;
	v35 =	vld [tilespmem:s0+$0x1D90]  }
0x225: {  	[tilespmem:s0+$0x19B0] =	vst v34;
	v32 =	vadd.f32 v32, v39;
	v34 =	vld [tilespmem:s0+$0x1DA0]  }
0x226: {  	[tilespmem:s0+$0x19C0] =	vst v33;
	v31 =	vadd.f32 v31, v38;
	v33 =	vld [tilespmem:s0+$0x1DB0]  }
0x227: {  	[tilespmem:s0+$0x19D0] =	vst v32;
	v30 =	vadd.f32 v30, v37;
	v32 =	vld [tilespmem:s0+$0x1DC0]  }
0x228: {  	[tilespmem:s0+$0x19E0] =	vst v31;
	v29 =	vadd.f32 v29, v36;
	v31 =	vld [tilespmem:s0+$0x1DD0]  }
0x229: {  	[tilespmem:s0+$0x19F0] =	vst v30;
	v28 =	vadd.f32 v28, v35;
	v30 =	vld [tilespmem:s0+$0x1DE0]  }
0x22a: {  	[tilespmem:s0+$0x1D80] =	vst v29;
	v27 =	vadd.f32 v27, v34;
	v29 =	vld [tilespmem:s0+$0x1DF0]  }
0x22b: {  	[tilespmem:s0+$0x1D90] =	vst v28;
	v26 =	vadd.f32 v26, v33;
	v28 =	vld [tilespmem:s0+$0x2180]  }
0x22c: {  	[tilespmem:s0+$0x1DA0] =	vst v27;
	v25 =	vadd.f32 v25, v32;
	v27 =	vld [tilespmem:s0+$0x2190]  }
0x22d: {  	[tilespmem:s0+$0x1DB0] =	vst v26;
	v24 =	vadd.f32 v24, v31;
	v26 =	vld [tilespmem:s0+$0x21A0]  }
0x22e: {  	[tilespmem:s0+$0x1DC0] =	vst v25;
	v23 =	vadd.f32 v23, v30;
	v25 =	vld [tilespmem:s0+$0x21B0]  }
0x22f: {  	[tilespmem:s0+$0x1DD0] =	vst v24;
	v22 =	vadd.f32 v22, v29;
	v24 =	vld [tilespmem:s0+$0x21C0]  }
0x230: {  	[tilespmem:s0+$0x1DE0] =	vst v23;
	v21 =	vadd.f32 v21, v28;
	v23 =	vld [tilespmem:s0+$0x21D0]  }
0x231: {  	[tilespmem:s0+$0x1DF0] =	vst v22;
	v20 =	vadd.f32 v20, v27;
	v22 =	vld [tilespmem:s0+$0x21E0]  }
.Ltmp8:
0x232: {  	[tilespmem:s0+$0x2180] =	vst v21;
	v21 =	vadd.f32 v19, v26;
	v19 =	vld [tilespmem:s0+$0x21F0];
	(pc) =	sbr.rel @p0 .LBB2_18-.Ltmp8, $4  }
0x233: {  	[tilespmem:s0+$0x2190] =	vst v20;
	v20 =	vadd.f32 v18, v25;
	v18 =	vld [tilespmem:s0+$0x2580]  }
0x234: {  	[tilespmem:s0+$0x21A0] =	vst v21;
	v24 =	vadd.f32 v17, v24;
	v17 =	vld [tilespmem:s0+$0x2590]  }
0x235: {  	[tilespmem:s0+$0x21B0] =	vst v20;
	v21 =	vadd.f32 v16, v23;
	v16 =	vld [tilespmem:s0+$0x25A0]  }
0x236: {  	s4 =	sadd.s32 $0x1, s4;
	[tilespmem:s0+$0x21C0] =	vst v24;
	v20 =	vadd.f32 v15, v22;
	v15 =	vld [tilespmem:s0+$0x25B0]  }
0x237: {  	[tilespmem:s0+$0x21D0] =	vst v21;
	v60 =	vld [tilespmem:s0+$0x25C0];
	v14 =	vadd.f32 v14, v19  }
0x238: {  	v61 =	vld [tilespmem:s0+$0x25D0];
	[tilespmem:s0+$0x21E0] =	vst v20;
	v13 =	vadd.f32 v13, v18  }
0x239: {  	v62 =	vld [tilespmem:s0+$0x25E0];
	[tilespmem:s0+$0x21F0] =	vst v14;
	v12 =	vadd.f32 v12, v17  }
0x23a: {  	v63 =	vld [tilespmem:s0+$0x25F0];
	[tilespmem:s0+$0x2580] =	vst v13;
	v11 =	vadd.f32 v11, v16  }
0x23b: {  	[tilespmem:s0+$0x2590] =	vst v12;
	v10 =	vadd.f32 v10, v15  }
0x23c: {  	[tilespmem:s0+$0x25A0] =	vst v11;
	v9 =	vadd.f32 v9, v60  }
0x23d: {  	v8 =	vadd.f32 v8, v61;
	[tilespmem:s0+$0x25B0] =	vst v10  }
0x23e: {  	v7 =	vadd.f32 v7, v62;
	[tilespmem:s0+$0x25C0] =	vst v9  }
0x23f: {  	s30 =	sadd.s32 $0x1, s30;
	v6 =	vadd.f32 v6, v63;
	[tilespmem:s0+$0x25D0] =	vst v8  }
0x240: {  	p0 =	sne.s32 s30, s24;
	[tilespmem:s0+$0x25E0] =	vst v7  }
.Ltmp9:
0x241: {  	[tilespmem:s0+$0x25F0] =	vst v6;
	(pc) =	sbr.rel @p0 .LBB2_1-.Ltmp9, $4  }
0x242: {  	[hbm4b:s21+s1] =	stream.linear.scatter [tilespmem:s29], [sflag:$0x2], $0xC000, $0x38;
	[tilespmem:$0x19180] =	vst v63  }
0x243: {  	_ =	swait.ge [sflag:s25], $0xC000  }
0x244: {  	[sflag:s25] =	ssyncset.done $0x0  }
0x245: {  	[sflag:s25] =	ssyncadd.s32 $0xFFFF4000  }
0x246: {  	_ =	sfence.sel $0x180000  }
0x247: {  	[bflag:$0x0] =	sbarrier.arrive $0xFFFF  }
0x248: {  	_ =	strace $0x9000004A  }
0x249: {  	s0 =	stileid.u32;
	[bflag:$0x2] =	sbarrier.arrive $0xFFFF  }
0x24a: {  	p0 =	sne.s32 s0, $0x0;
	s0 =	rddreg [dreg:$0x2]  }
0x24b: {  	s0 =	sadd.s32 @!p0 $0x100000, s0  }
0x24c: {  	[sflag:s0] =	ssyncadd.tile.s32 @!p0 $0x1;
	_ =	shalt  }
.Lfunc_end2:
_tile_overlayer_lowered:
.L_overlay_start_2:
0x24d: {  	(tag) =	ssettag $0x2  }
0x24e: {  	s0 =	rddreg [dreg:$0x0];
	s2 =	stileid.u32  }
0x24f: {  	s1 =	rddreg [dreg:$0x1];
	p0 =	sne.s32 s2, $0x0  }
0x250: {  	s3 =	rddreg [dreg:$0x2];
	[bflag:$0x3] =	sbarrier.arrive $0xFFFF;
	s2 =	simm.s32 @!p0 $0x1C02  }
0x251: {  	[timem:s3], [sflag:s2] =	dma.local @!p0 [hbm:s0], s1  }
0x252: {  	s0 =	simm.s32 @!p0 $0x2  }
0x253: {  	_ =	swait.ge @!p0 [sflag:s0], s1  }
0x254: {  	s1 =	ssub.s32 @!p0 $0x0, s1;
	[sflag:s0] =	ssyncset.done @!p0 $0x0  }
0x255: {  	[sflag:s0] =	ssyncadd.s32 @!p0 s1  }
0x256: {  	[bflag:$0x3] =	sbarrier.arrive $0xFFFF  }
0x257: {  	_ =	shalt  }

</sc_bundles>
